<compile_context>
chip_gen: v7x
topology: tpu7x:2x2x1
jax: 0.10.2.dev20260603
libtpu: 0.0.44.dev20260713+nightly
codegen_flags: <defaults>
</compile_context>

<pallas_src>
import functools

import jax
import jax.numpy as jnp
from jax import lax
from jax.experimental import pallas as pl
from jax.experimental.pallas import tpu as pltpu
from jax.experimental.pallas import tpu_sc as plsc

N = 10000
E = 320000
D_IN = 128
HID = 64
OUT = 64
G = 64

NC = 2
NS = 16
NW = NC * NS
BLK = 128
NBLK = 80
CHK = 40
EPT = NBLK * BLK
E_PAD = NW * EPT
NROW = 640
N_PAD = NS * NROW



def _tc1_body(x_ref, w1_ref, asrc_ref, adst_ref, we1_ref, ae1_ref,
              we2_ref, ae2_ref, h_ref, as_ref, ad_ref, c1_ref, c2_ref):
    h = jnp.dot(x_ref[...], w1_ref[...], preferred_element_type=jnp.float32)
    h_ref[...] = h
    as_ref[...] = jnp.dot(h, asrc_ref[...], preferred_element_type=jnp.float32)
    ad_ref[...] = jnp.dot(h, adst_ref[...], preferred_element_type=jnp.float32)
    c1_ref[...] = jnp.dot(we1_ref[...], ae1_ref[...],
                          preferred_element_type=jnp.float32)
    c2_ref[...] = jnp.dot(we2_ref[...], ae2_ref[...],
                          preferred_element_type=jnp.float32)


def _tc2_body(u_ref, den_ref, b1_ref, w2_ref, asrc_ref, adst_ref,
              h_ref, as_ref, ad_ref):
    u = u_ref[0] + u_ref[1]
    den = den_ref[0] + den_ref[1]
    x2 = u / (den + 1e-16) + b1_ref[...]
    x2 = jnp.maximum(x2, 0.0)
    h = jnp.dot(x2, w2_ref[...], preferred_element_type=jnp.float32)
    h_ref[...] = h
    as_ref[...] = jnp.dot(h, asrc_ref[...], preferred_element_type=jnp.float32)
    ad_ref[...] = jnp.dot(h, adst_ref[...], preferred_element_type=jnp.float32)


def _tc3_body(u_ref, den_ref, b2_ref, bi_ref, lw1_ref, lb1_ref,
              lng_ref, lnb_ref, lw2_ref, lb2_ref, out_ref):
    u = u_ref[0, :N, :] + u_ref[1, :N, :]
    den = den_ref[0, :N, :] + den_ref[1, :N, :]
    h = u / (den + 1e-16) + b2_ref[...]
    bi = bi_ref[...]
    gi = lax.broadcasted_iota(jnp.int32, (N, G), 1)
    p = (bi == gi).astype(jnp.float32)
    sums = lax.dot_general(p, h, (((0,), (0,)), ((), ())),
                           preferred_element_type=jnp.float32)
    ones = jnp.ones((N, 1), dtype=jnp.float32)
    cnt = lax.dot_general(p, ones, (((0,), (0,)), ((), ())),
                          preferred_element_type=jnp.float32)
    g = sums / jnp.maximum(cnt, 1.0)
    z = jnp.dot(g, lw1_ref[...], preferred_element_type=jnp.float32)
    z = z + lb1_ref[...]
    z = jnp.maximum(z, 0.0)
    mu = jnp.mean(z, axis=1, keepdims=True)
    var = jnp.mean((z - mu) ** 2, axis=1, keepdims=True)
    z = (z - mu) / jnp.sqrt(var + 1e-5) * lng_ref[...] + lnb_ref[...]
    out_ref[...] = (jnp.dot(z, lw2_ref[...], preferred_element_type=jnp.float32)
                    + lb2_ref[...])



def _sc_edge_body(cvec_hbm, as_hbm, ad_hbm, h_hbm, src_hbm, dst_hbm, ea_hbm,
                  u_hbm, den_hbm,
                  cv, as_v, ad_v, srcv, dstv, eav, rows, exv, zden,
                  u_sh, den_sh, h_sh, sem):
    c = lax.axis_index("c")
    s = lax.axis_index("s")
    wid = s * NC + c

    pltpu.sync_copy(cvec_hbm, cv)
    pltpu.sync_copy(as_hbm, as_v)
    pltpu.sync_copy(ad_hbm, ad_v)
    pltpu.sync_copy(h_hbm.at[pl.ds(s * NROW, NROW)],
                    h_sh.at[pl.ds(s * NROW, NROW)])

    zero16 = jnp.zeros((16,), jnp.float32)

    def zrow_body(i, carry):
        for k in range(HID // 16):
            rows[i, pl.ds(k * 16, 16)] = zero16
        return carry
    lax.fori_loop(0, BLK, zrow_body, 0)

    def zden_body(i, carry):
        zden[pl.ds(i * 16, 16)] = zero16
        return carry
    lax.fori_loop(0, NROW // 16, zden_body, 0)

    for k in range(NROW // BLK):
        pltpu.sync_copy(rows, u_sh.at[pl.ds(s * NROW + k * BLK, BLK)])
    pltpu.sync_copy(zden, den_sh.at[pl.ds(s * NROW, NROW)])
    plsc.subcore_barrier()

    cval = cv[...]

    def chunk_body(ch, carry0):
        pltpu.sync_copy(src_hbm.at[wid, pl.ds(ch * CHK, CHK)], srcv)
        pltpu.sync_copy(dst_hbm.at[wid, pl.ds(ch * CHK, CHK)], dstv)
        pltpu.sync_copy(ea_hbm.at[wid, pl.ds(ch * CHK, CHK)], eav)
        ebase = wid * EPT + ch * CHK * BLK

        def block_body(b, carry):
            pltpu.async_copy(h_sh.at[srcv.at[b]], rows, sem).wait()
            for j in range(BLK // 16):
                sv = srcv[b, pl.ds(j * 16, 16)]
                dv = dstv[b, pl.ds(j * 16, 16)]
                av = eav[b, pl.ds(j * 16, 16)]
                al = (plsc.load_gather(as_v, [sv])
                      + plsc.load_gather(ad_v, [dv]) + av * cval)
                al = jnp.maximum(al, 0.2 * al)
                ex = jnp.exp(al)
                egid = ebase + b * BLK + j * 16 + lax.iota(jnp.int32, 16)
                ex = jnp.where(egid < E, ex, 0.0)
                exv[pl.ds(j * 16, 16)] = ex

            def scale_body(e, carry2):
                m = plsc.load_gather(exv, [jnp.full((16,), e, jnp.int32)])
                for k in range(HID // 16):
                    rows[e, pl.ds(k * 16, 16)] = rows[e, pl.ds(k * 16, 16)] * m
                return carry2
            lax.fori_loop(0, BLK, scale_body, 0)

            pltpu.sync_copy(rows, u_sh.at[dstv.at[b]], add=True)
            pltpu.sync_copy(exv, den_sh.at[dstv.at[b]], add=True)
            return carry
        lax.fori_loop(0, CHK, block_body, 0)
        return carry0
    lax.fori_loop(0, NBLK // CHK, chunk_body, 0)

    plsc.subcore_barrier()
    pltpu.sync_copy(u_sh.at[pl.ds(s * NROW, NROW)],
                    u_hbm.at[c, pl.ds(s * NROW, NROW)])
    pltpu.sync_copy(den_sh.at[pl.ds(s * NROW, NROW)],
                    den_hbm.at[c, pl.ds(s * NROW, NROW)])


def _sc_edge_call(cvec, as_, ad_, h, src3, dst3, ea3):
    mesh = plsc.VectorSubcoreMesh(core_axis_name="c", subcore_axis_name="s")
    n_as = as_.shape[0]
    f = pl.kernel(
        _sc_edge_body,
        out_type=(jax.ShapeDtypeStruct((NC, N_PAD, HID), jnp.float32),
                  jax.ShapeDtypeStruct((NC, N_PAD), jnp.float32)),
        mesh=mesh,
        scratch_types=[
            pltpu.VMEM((16,), jnp.float32),
            pltpu.VMEM((n_as,), jnp.float32),
            pltpu.VMEM((n_as,), jnp.float32),
            pltpu.VMEM((CHK, BLK), jnp.int32),
            pltpu.VMEM((CHK, BLK), jnp.int32),
            pltpu.VMEM((CHK, BLK), jnp.float32),
            pltpu.VMEM((BLK, HID), jnp.float32),
            pltpu.VMEM((BLK,), jnp.float32),
            pltpu.VMEM((NROW,), jnp.float32),
            pltpu.VMEM_SHARED((N_PAD, HID), jnp.float32),
            pltpu.VMEM_SHARED((N_PAD,), jnp.float32),
            pltpu.VMEM_SHARED((N_PAD, HID), jnp.float32),
            pltpu.SemaphoreType.DMA,
        ],
        compiler_params=pltpu.CompilerParams(needs_layout_passes=False,
                                             use_tc_tiling_on_sc=False),
    )
    return f(cvec, as_, ad_, h, src3, dst3, ea3)



def kernel(x, edge_index, edge_attr, batch_idx,
           W1, att_src1, att_dst1, We1, att_e1, b1,
           W2, att_src2, att_dst2, We2, att_e2, b2,
           lw1, lb1, ln_g, ln_b, lw2, lb2):
    f32 = jnp.float32
    src = edge_index[0]
    dst = edge_index[1]
    ea = edge_attr[:, 0]
    pad = E_PAD - E
    src3 = jnp.pad(src, (0, pad)).reshape(NW, NBLK, BLK)
    dst3 = jnp.pad(dst, (0, pad)).reshape(NW, NBLK, BLK)
    ea3 = jnp.pad(ea, (0, pad)).reshape(NW, NBLK, BLK)

    h1, as1, ad1, c1, c2 = pl.pallas_call(
        _tc1_body,
        out_shape=(jax.ShapeDtypeStruct((N, HID), f32),
                   jax.ShapeDtypeStruct((N, 1), f32),
                   jax.ShapeDtypeStruct((N, 1), f32),
                   jax.ShapeDtypeStruct((1, 1), f32),
                   jax.ShapeDtypeStruct((1, 1), f32)),
    )(x, W1, att_src1.reshape(HID, 1), att_dst1.reshape(HID, 1),
      We1, att_e1.reshape(HID, 1), We2, att_e2.reshape(HID, 1))

    c1v = jnp.broadcast_to(c1.reshape(1), (16,))
    c2v = jnp.broadcast_to(c2.reshape(1), (16,))
    as1p = jnp.pad(as1.reshape(N), (0, N_PAD - N))
    ad1p = jnp.pad(ad1.reshape(N), (0, N_PAD - N))
    h1p = jnp.pad(h1, ((0, N_PAD - N), (0, 0)))

    u1, den1 = _sc_edge_call(c1v, as1p, ad1p, h1p, src3, dst3, ea3)

    h2, as2, ad2 = pl.pallas_call(
        _tc2_body,
        out_shape=(jax.ShapeDtypeStruct((N_PAD, HID), f32),
                   jax.ShapeDtypeStruct((N_PAD, 1), f32),
                   jax.ShapeDtypeStruct((N_PAD, 1), f32)),
    )(u1, den1.reshape(NC, N_PAD, 1), b1.reshape(1, HID),
      W2, att_src2.reshape(HID, 1), att_dst2.reshape(HID, 1))

    u2, den2 = _sc_edge_call(c2v, as2.reshape(N_PAD), ad2.reshape(N_PAD),
                             h2, src3, dst3, ea3)

    out = pl.pallas_call(
        _tc3_body,
        out_shape=jax.ShapeDtypeStruct((G, OUT), f32),
    )(u2, den2.reshape(NC, N_PAD, 1), b2.reshape(1, HID),
      batch_idx.reshape(N, 1), lw1, lb1.reshape(1, HID),
      ln_g.reshape(1, HID), ln_b.reshape(1, HID), lw2, lb2.reshape(1, OUT))

    return (out, edge_attr)

# --- scband reference (transcript-rebuilt; emitter-appended) ---
"""Pipeline reference for scband-gat-22857815949504 (READ-ONLY COPY).

The authoritative reference and input builder live on the scoring server;
editing this copy changes nothing except your own understanding.
"""

import jax, jax.numpy as jnp
import numpy as np

N = 10000
E = 320000
D_IN = 128
HID = 64
OUT = 64
G = 64


def setup_inputs(seed: int = 0) -> dict:
    key = jax.random.key(seed)
    ks = jax.random.split(key, 24)
    s = 0.1
    inp = {}
    inp['x'] = jax.random.normal(ks[0], (N, D_IN), dtype=jnp.float32)
    inp['edge_index'] = jax.random.randint(ks[1], (2, E), 0, N, dtype=jnp.int32)
    inp['edge_attr'] = jax.random.normal(ks[2], (E, 1), dtype=jnp.float32)
    inp['batch_idx'] = jnp.sort(jax.random.randint(ks[3], (N,), 0, G, dtype=jnp.int32))
    # GATConv 1: in=128 -> hid=64, heads=1, edge_dim=1
    inp['W1'] = jax.random.normal(ks[4], (D_IN, HID), dtype=jnp.float32) * s
    inp['att_src1'] = jax.random.normal(ks[5], (HID,), dtype=jnp.float32) * s
    inp['att_dst1'] = jax.random.normal(ks[6], (HID,), dtype=jnp.float32) * s
    inp['We1'] = jax.random.normal(ks[7], (1, HID), dtype=jnp.float32) * s
    inp['att_e1'] = jax.random.normal(ks[8], (HID,), dtype=jnp.float32) * s
    inp['b1'] = jnp.zeros((HID,), dtype=jnp.float32)
    # GATConv 2: in=64 -> hid=64, heads=1, edge_dim=1
    inp['W2'] = jax.random.normal(ks[9], (HID, HID), dtype=jnp.float32) * s
    inp['att_src2'] = jax.random.normal(ks[10], (HID,), dtype=jnp.float32) * s
    inp['att_dst2'] = jax.random.normal(ks[11], (HID,), dtype=jnp.float32) * s
    inp['We2'] = jax.random.normal(ks[12], (1, HID), dtype=jnp.float32) * s
    inp['att_e2'] = jax.random.normal(ks[13], (HID,), dtype=jnp.float32) * s
    inp['b2'] = jnp.zeros((HID,), dtype=jnp.float32)
    # head MLP: Linear(64,64) -> ReLU -> LayerNorm(64) -> Linear(64,64)
    inp['lw1'] = jax.random.normal(ks[14], (HID, HID), dtype=jnp.float32) * s
    inp['lb1'] = jnp.zeros((HID,), dtype=jnp.float32)
    inp['ln_g'] = jnp.ones((HID,), dtype=jnp.float32)
    inp['ln_b'] = jnp.zeros((HID,), dtype=jnp.float32)
    inp['lw2'] = jax.random.normal(ks[15], (HID, OUT), dtype=jnp.float32) * s
    inp['lb2'] = jnp.zeros((OUT,), dtype=jnp.float32)
    return inp


def _gat_conv(x, edge_index, edge_attr, W, a_src, a_dst, We, a_e, b):
    n = x.shape[0]
    src = edge_index[0]
    dst = edge_index[1]
    h = x @ W                                   # [N, C]
    alpha_src = h @ a_src                       # [N]
    alpha_dst = h @ a_dst                       # [N]
    he = edge_attr @ We                         # [E, C]
    alpha_edge = he @ a_e                       # [E]
    alpha = alpha_src[src] + alpha_dst[dst] + alpha_edge
    alpha = jax.nn.leaky_relu(alpha, 0.2)
    amax = jax.ops.segment_max(alpha, dst, num_segments=n)
    amax = jnp.where(jnp.isfinite(amax), amax, 0.0)
    ex = jnp.exp(alpha - amax[dst])
    den = jax.ops.segment_sum(ex, dst, num_segments=n)
    coef = ex / (den[dst] + 1e-16)
    out = jax.ops.segment_sum(h[src] * coef[:, None], dst, num_segments=n)
    return out + b


def reference(x, edge_index, edge_attr, batch_idx,
              W1, att_src1, att_dst1, We1, att_e1, b1,
              W2, att_src2, att_dst2, We2, att_e2, b2,
              lw1, lb1, ln_g, ln_b, lw2, lb2):
    h = _gat_conv(x, edge_index, edge_attr, W1, att_src1, att_dst1, We1, att_e1, b1)
    h = jax.nn.relu(h)
    h = _gat_conv(h, edge_index, edge_attr, W2, att_src2, att_dst2, We2, att_e2, b2)
    # global mean pool over batch_idx
    sums = jax.ops.segment_sum(h, batch_idx, num_segments=G)
    cnt = jax.ops.segment_sum(jnp.ones((h.shape[0],), dtype=h.dtype), batch_idx, num_segments=G)
    g = sums / jnp.clip(cnt, 1.0)[:, None]
    # head MLP
    z = g @ lw1 + lb1
    z = jax.nn.relu(z)
    mu = jnp.mean(z, axis=-1, keepdims=True)
    var = jnp.var(z, axis=-1, keepdims=True)
    z = (z - mu) / jnp.sqrt(var + 1e-5) * ln_g + ln_b
    out = z @ lw2 + lb2
    return (out, edge_attr)

if __name__ == "__main__":
    import jax
    _d = setup_inputs()
    print(jax.jit(kernel)(*tuple(_d.values())))

</pallas_src>

<mosaic_0001>
#map = affine_map<(d0, d1) -> (0)>
#map1 = affine_map<(d0, d1) -> (0, 0)>
#map2 = affine_map<(d0, d1) -> (0, 0, 0)>
module attributes {stable_mosaic.version = 14 : i64} {
  func.func @_sc_edge_body(%arg0: i32, %arg1: i32, %arg2: memref<16xf32, #tpu.memory_space<hbm>>, %arg3: memref<10240xf32, #tpu.memory_space<hbm>>, %arg4: memref<10240xf32, #tpu.memory_space<hbm>>, %arg5: memref<10240x64xf32, #tpu.memory_space<hbm>>, %arg6: memref<32x80x128xi32, #tpu.memory_space<hbm>>, %arg7: memref<32x80x128xi32, #tpu.memory_space<hbm>>, %arg8: memref<32x80x128xf32, #tpu.memory_space<hbm>>, %arg9: memref<2x10240x64xf32, #tpu.memory_space<hbm>>, %arg10: memref<2x10240xf32, #tpu.memory_space<hbm>>, %arg11: memref<16xf32, #tpu.memory_space<vmem>>, %arg12: memref<10240xf32, #tpu.memory_space<vmem>>, %arg13: memref<10240xf32, #tpu.memory_space<vmem>>, %arg14: memref<40x128xi32, #tpu.memory_space<vmem>>, %arg15: memref<40x128xi32, #tpu.memory_space<vmem>>, %arg16: memref<40x128xf32, #tpu.memory_space<vmem>>, %arg17: memref<128x64xf32, #tpu.memory_space<vmem>>, %arg18: memref<128xf32, #tpu.memory_space<vmem>>, %arg19: memref<640xf32, #tpu.memory_space<vmem>>, %arg20: memref<10240x64xf32, #tpu.memory_space<vmem_shared>>, %arg21: memref<10240xf32, #tpu.memory_space<vmem_shared>>, %arg22: memref<10240x64xf32, #tpu.memory_space<vmem_shared>>, %arg23: memref<!tpu.dma_semaphore, #tpu.memory_space<semaphore_mem>>) attributes {dimension_semantics = [#tpu.dimension_semantics<core_parallel>, #tpu.dimension_semantics<subcore_parallel>], iteration_bounds = array<i64: 2, 16>, scalar_prefetch = 0 : i64, scratch_operands = 13 : i64, tpu.core_type = #tpu.core_type<sc_vector_subcore>, window_params = [{transform_indices = #map}, {transform_indices = #map}, {transform_indices = #map}, {transform_indices = #map1}, {transform_indices = #map2}, {transform_indices = #map2}, {transform_indices = #map2}, {transform_indices = #map2}, {transform_indices = #map1}]} {
    %mul3A = arith.constant 2 : i32
    %mul3A_0 = arith.muli %arg1, %mul3A : i32
    %add3A = arith.addi %mul3A_0, %arg0 : i32
    "tpu.region"() ({
      %run_scoped3A = tpu.sem_alloc : memref<!tpu.dma_semaphore, #tpu.memory_space<semaphore_mem>>
      tpu.enqueue_dma source(%arg2 : memref<16xf32, #tpu.memory_space<hbm>>) target(%arg11 : memref<16xf32, #tpu.memory_space<vmem>>) target_semaphore(%run_scoped3A : memref<!tpu.dma_semaphore, #tpu.memory_space<semaphore_mem>>)
      tpu.wait_dma2 semaphore(%run_scoped3A : memref<!tpu.dma_semaphore, #tpu.memory_space<semaphore_mem>>) src(%arg2 : memref<16xf32, #tpu.memory_space<hbm>>) dst(%arg11 : memref<16xf32, #tpu.memory_space<vmem>>)
      tpu.yield
    }) : () -> ()
    "tpu.region"() ({
      %run_scoped3A = tpu.sem_alloc : memref<!tpu.dma_semaphore, #tpu.memory_space<semaphore_mem>>
      tpu.enqueue_dma source(%arg3 : memref<10240xf32, #tpu.memory_space<hbm>>) target(%arg12 : memref<10240xf32, #tpu.memory_space<vmem>>) target_semaphore(%run_scoped3A : memref<!tpu.dma_semaphore, #tpu.memory_space<semaphore_mem>>)
      tpu.wait_dma2 semaphore(%run_scoped3A : memref<!tpu.dma_semaphore, #tpu.memory_space<semaphore_mem>>) src(%arg3 : memref<10240xf32, #tpu.memory_space<hbm>>) dst(%arg12 : memref<10240xf32, #tpu.memory_space<vmem>>)
      tpu.yield
    }) : () -> ()
    "tpu.region"() ({
      %run_scoped3A = tpu.sem_alloc : memref<!tpu.dma_semaphore, #tpu.memory_space<semaphore_mem>>
      tpu.enqueue_dma source(%arg4 : memref<10240xf32, #tpu.memory_space<hbm>>) target(%arg13 : memref<10240xf32, #tpu.memory_space<vmem>>) target_semaphore(%run_scoped3A : memref<!tpu.dma_semaphore, #tpu.memory_space<semaphore_mem>>)
      tpu.wait_dma2 semaphore(%run_scoped3A : memref<!tpu.dma_semaphore, #tpu.memory_space<semaphore_mem>>) src(%arg4 : memref<10240xf32, #tpu.memory_space<hbm>>) dst(%arg13 : memref<10240xf32, #tpu.memory_space<vmem>>)
      tpu.yield
    }) : () -> ()
    %mul3A_1 = arith.constant 640 : i32
    %mul3A_2 = arith.muli %arg1, %mul3A_1 : i32
    %mul3A_3 = arith.constant 640 : i32
    %mul3A_4 = arith.muli %arg1, %mul3A_3 : i32
    "tpu.region"() ({
      %run_scoped3A = tpu.sem_alloc : memref<!tpu.dma_semaphore, #tpu.memory_space<semaphore_mem>>
      %dma_start3A = arith.constant 0 : i32
      %dma_start3A_55 = tpu.memref_slice %arg22[%mul3A_4, %dma_start3A] : memref<10240x64xf32, #tpu.memory_space<vmem_shared>> -> memref<640x64xf32, #tpu.memory_space<vmem_shared>>
      %dma_start3A_56 = arith.constant 0 : i32
      %dma_start3A_57 = tpu.memref_slice %arg5[%mul3A_2, %dma_start3A_56] : memref<10240x64xf32, #tpu.memory_space<hbm>> -> memref<640x64xf32, #tpu.memory_space<hbm>>
      tpu.enqueue_dma source(%dma_start3A_57 : memref<640x64xf32, #tpu.memory_space<hbm>>) target(%dma_start3A_55 : memref<640x64xf32, #tpu.memory_space<vmem_shared>>) target_semaphore(%run_scoped3A : memref<!tpu.dma_semaphore, #tpu.memory_space<semaphore_mem>>)
      %dma_wait3A = arith.constant 0 : i32
      %dma_wait3A_58 = tpu.memref_slice %arg22[%mul3A_4, %dma_wait3A] : memref<10240x64xf32, #tpu.memory_space<vmem_shared>> -> memref<640x64xf32, #tpu.memory_space<vmem_shared>>
      %dma_wait3A_59 = arith.constant 0 : i32
      %dma_wait3A_60 = tpu.memref_slice %arg5[%mul3A_2, %dma_wait3A_59] : memref<10240x64xf32, #tpu.memory_space<hbm>> -> memref<640x64xf32, #tpu.memory_space<hbm>>
      tpu.wait_dma2 semaphore(%run_scoped3A : memref<!tpu.dma_semaphore, #tpu.memory_space<semaphore_mem>>) src(%dma_wait3A_60 : memref<640x64xf32, #tpu.memory_space<hbm>>) dst(%dma_wait3A_58 : memref<640x64xf32, #tpu.memory_space<vmem_shared>>)
      tpu.yield
    }) : () -> ()
    %broadcast_in_dim3A = arith.constant 0.000000e+00 : f32
    %broadcast_in_dim3A_5 = vector.broadcast %broadcast_in_dim3A : f32 to vector<16xf32>
    %scan3A = arith.constant 0 : i32
    %scan3A_6 = arith.constant 0 : i32
    %scan3A_7 = arith.constant 128 : i32
    %scan3A_8 = arith.addi %scan3A_6, %scan3A_7 : i32
    %scan3A_9 = arith.constant 1 : i32
    scf.for %scan3A_55 = %scan3A_6 to %scan3A_8 step %scan3A_9  : i32 {
      %swap3A = arith.index_cast %scan3A_55 : i32 to index
      %swap3A_56 = arith.constant 0 : index
      %swap3A_57 = tpu.vector_load %arg17[%swap3A, %swap3A_56] {strides = array<i32>} : memref<128x64xf32, #tpu.memory_space<vmem>>, vector<16xf32>,
      tpu.vector_store %arg17[%swap3A, %swap3A_56], %broadcast_in_dim3A_5 {strides = array<i32>} : memref<128x64xf32, #tpu.memory_space<vmem>>, vector<16xf32>,
      %swap3A_58 = arith.index_cast %scan3A_55 : i32 to index
      %swap3A_59 = arith.constant 16 : index
      %swap3A_60 = tpu.vector_load %arg17[%swap3A_58, %swap3A_59] {strides = array<i32>} : memref<128x64xf32, #tpu.memory_space<vmem>>, vector<16xf32>,
      tpu.vector_store %arg17[%swap3A_58, %swap3A_59], %broadcast_in_dim3A_5 {strides = array<i32>} : memref<128x64xf32, #tpu.memory_space<vmem>>, vector<16xf32>,
      %swap3A_61 = arith.index_cast %scan3A_55 : i32 to index
      %swap3A_62 = arith.constant 32 : index
      %swap3A_63 = tpu.vector_load %arg17[%swap3A_61, %swap3A_62] {strides = array<i32>} : memref<128x64xf32, #tpu.memory_space<vmem>>, vector<16xf32>,
      tpu.vector_store %arg17[%swap3A_61, %swap3A_62], %broadcast_in_dim3A_5 {strides = array<i32>} : memref<128x64xf32, #tpu.memory_space<vmem>>, vector<16xf32>,
      %swap3A_64 = arith.index_cast %scan3A_55 : i32 to index
      %swap3A_65 = arith.constant 48 : index
      %swap3A_66 = tpu.vector_load %arg17[%swap3A_64, %swap3A_65] {strides = array<i32>} : memref<128x64xf32, #tpu.memory_space<vmem>>, vector<16xf32>,
      tpu.vector_store %arg17[%swap3A_64, %swap3A_65], %broadcast_in_dim3A_5 {strides = array<i32>} : memref<128x64xf32, #tpu.memory_space<vmem>>, vector<16xf32>,
    }
    %scan3A_10 = arith.constant 128 : i32
    %scan3A_11 = arith.constant 0 : i32
    %scan3A_12 = arith.constant 0 : i32
    %scan3A_13 = arith.constant 40 : i32
    %scan3A_14 = arith.addi %scan3A_12, %scan3A_13 : i32
    %scan3A_15 = arith.constant 1 : i32
    scf.for %scan3A_55 = %scan3A_12 to %scan3A_14 step %scan3A_15  : i32 {
      %mul3A_56 = arith.constant 16 : i32
      %mul3A_57 = arith.muli %scan3A_55, %mul3A_56 : i32
      %swap3A = arith.index_cast %mul3A_57 : i32 to index
      %swap3A_58 = tpu.vector_load %arg19[%swap3A] {strides = array<i32>} : memref<640xf32, #tpu.memory_space<vmem>>, vector<16xf32>,
      tpu.vector_store %arg19[%swap3A], %broadcast_in_dim3A_5 {strides = array<i32>} : memref<640xf32, #tpu.memory_space<vmem>>, vector<16xf32>,
    }
    %scan3A_16 = arith.constant 40 : i32
    %mul3A_17 = arith.constant 640 : i32
    %mul3A_18 = arith.muli %arg1, %mul3A_17 : i32
    %add3A_19 = arith.constant 0 : i32
    %add3A_20 = arith.addi %mul3A_18, %add3A_19 : i32
    "tpu.region"() ({
      %run_scoped3A = tpu.sem_alloc : memref<!tpu.dma_semaphore, #tpu.memory_space<semaphore_mem>>
      %dma_start3A = arith.constant 0 : i32
      %dma_start3A_55 = tpu.memref_slice %arg20[%add3A_20, %dma_start3A] : memref<10240x64xf32, #tpu.memory_space<vmem_shared>> -> memref<128x64xf32, #tpu.memory_space<vmem_shared>>
      %dma_start3A_56 = arith.constant 0 : i32
      %dma_start3A_57 = tpu.memref_slice %arg20[%add3A_20, %dma_start3A_56] : memref<10240x64xf32, #tpu.memory_space<vmem_shared>> -> memref<128x64xf32, #tpu.memory_space<vmem_shared>>
      tpu.enqueue_dma source(%arg17 : memref<128x64xf32, #tpu.memory_space<vmem>>) target(%dma_start3A_57 : memref<128x64xf32, #tpu.memory_space<vmem_shared>>) target_semaphore(%run_scoped3A : memref<!tpu.dma_semaphore, #tpu.memory_space<semaphore_mem>>)
      %dma_wait3A = arith.constant 0 : i32
      %dma_wait3A_58 = tpu.memref_slice %arg20[%add3A_20, %dma_wait3A] : memref<10240x64xf32, #tpu.memory_space<vmem_shared>> -> memref<128x64xf32, #tpu.memory_space<vmem_shared>>
      %dma_wait3A_59 = arith.constant 0 : i32
      %dma_wait3A_60 = tpu.memref_slice %arg20[%add3A_20, %dma_wait3A_59] : memref<10240x64xf32, #tpu.memory_space<vmem_shared>> -> memref<128x64xf32, #tpu.memory_space<vmem_shared>>
      tpu.wait_dma2 semaphore(%run_scoped3A : memref<!tpu.dma_semaphore, #tpu.memory_space<semaphore_mem>>) src(%arg17 : memref<128x64xf32, #tpu.memory_space<vmem>>) dst(%dma_wait3A_60 : memref<128x64xf32, #tpu.memory_space<vmem_shared>>)
      tpu.yield
    }) : () -> ()
    %mul3A_21 = arith.constant 640 : i32
    %mul3A_22 = arith.muli %arg1, %mul3A_21 : i32
    %add3A_23 = arith.constant 128 : i32
    %add3A_24 = arith.addi %mul3A_22, %add3A_23 : i32
    "tpu.region"() ({
      %run_scoped3A = tpu.sem_alloc : memref<!tpu.dma_semaphore, #tpu.memory_space<semaphore_mem>>
      %dma_start3A = arith.constant 0 : i32
      %dma_start3A_55 = tpu.memref_slice %arg20[%add3A_24, %dma_start3A] : memref<10240x64xf32, #tpu.memory_space<vmem_shared>> -> memref<128x64xf32, #tpu.memory_space<vmem_shared>>
      %dma_start3A_56 = arith.constant 0 : i32
      %dma_start3A_57 = tpu.memref_slice %arg20[%add3A_24, %dma_start3A_56] : memref<10240x64xf32, #tpu.memory_space<vmem_shared>> -> memref<128x64xf32, #tpu.memory_space<vmem_shared>>
      tpu.enqueue_dma source(%arg17 : memref<128x64xf32, #tpu.memory_space<vmem>>) target(%dma_start3A_57 : memref<128x64xf32, #tpu.memory_space<vmem_shared>>) target_semaphore(%run_scoped3A : memref<!tpu.dma_semaphore, #tpu.memory_space<semaphore_mem>>)
      %dma_wait3A = arith.constant 0 : i32
      %dma_wait3A_58 = tpu.memref_slice %arg20[%add3A_24, %dma_wait3A] : memref<10240x64xf32, #tpu.memory_space<vmem_shared>> -> memref<128x64xf32, #tpu.memory_space<vmem_shared>>
      %dma_wait3A_59 = arith.constant 0 : i32
      %dma_wait3A_60 = tpu.memref_slice %arg20[%add3A_24, %dma_wait3A_59] : memref<10240x64xf32, #tpu.memory_space<vmem_shared>> -> memref<128x64xf32, #tpu.memory_space<vmem_shared>>
      tpu.wait_dma2 semaphore(%run_scoped3A : memref<!tpu.dma_semaphore, #tpu.memory_space<semaphore_mem>>) src(%arg17 : memref<128x64xf32, #tpu.memory_space<vmem>>) dst(%dma_wait3A_60 : memref<128x64xf32, #tpu.memory_space<vmem_shared>>)
      tpu.yield
    }) : () -> ()
    %mul3A_25 = arith.constant 640 : i32
    %mul3A_26 = arith.muli %arg1, %mul3A_25 : i32
    %add3A_27 = arith.constant 256 : i32
    %add3A_28 = arith.addi %mul3A_26, %add3A_27 : i32
    "tpu.region"() ({
      %run_scoped3A = tpu.sem_alloc : memref<!tpu.dma_semaphore, #tpu.memory_space<semaphore_mem>>
      %dma_start3A = arith.constant 0 : i32
      %dma_start3A_55 = tpu.memref_slice %arg20[%add3A_28, %dma_start3A] : memref<10240x64xf32, #tpu.memory_space<vmem_shared>> -> memref<128x64xf32, #tpu.memory_space<vmem_shared>>
      %dma_start3A_56 = arith.constant 0 : i32
      %dma_start3A_57 = tpu.memref_slice %arg20[%add3A_28, %dma_start3A_56] : memref<10240x64xf32, #tpu.memory_space<vmem_shared>> -> memref<128x64xf32, #tpu.memory_space<vmem_shared>>
      tpu.enqueue_dma source(%arg17 : memref<128x64xf32, #tpu.memory_space<vmem>>) target(%dma_start3A_57 : memref<128x64xf32, #tpu.memory_space<vmem_shared>>) target_semaphore(%run_scoped3A : memref<!tpu.dma_semaphore, #tpu.memory_space<semaphore_mem>>)
      %dma_wait3A = arith.constant 0 : i32
      %dma_wait3A_58 = tpu.memref_slice %arg20[%add3A_28, %dma_wait3A] : memref<10240x64xf32, #tpu.memory_space<vmem_shared>> -> memref<128x64xf32, #tpu.memory_space<vmem_shared>>
      %dma_wait3A_59 = arith.constant 0 : i32
      %dma_wait3A_60 = tpu.memref_slice %arg20[%add3A_28, %dma_wait3A_59] : memref<10240x64xf32, #tpu.memory_space<vmem_shared>> -> memref<128x64xf32, #tpu.memory_space<vmem_shared>>
      tpu.wait_dma2 semaphore(%run_scoped3A : memref<!tpu.dma_semaphore, #tpu.memory_space<semaphore_mem>>) src(%arg17 : memref<128x64xf32, #tpu.memory_space<vmem>>) dst(%dma_wait3A_60 : memref<128x64xf32, #tpu.memory_space<vmem_shared>>)
      tpu.yield
    }) : () -> ()
    %mul3A_29 = arith.constant 640 : i32
    %mul3A_30 = arith.muli %arg1, %mul3A_29 : i32
    %add3A_31 = arith.constant 384 : i32
    %add3A_32 = arith.addi %mul3A_30, %add3A_31 : i32
    "tpu.region"() ({
      %run_scoped3A = tpu.sem_alloc : memref<!tpu.dma_semaphore, #tpu.memory_space<semaphore_mem>>
      %dma_start3A = arith.constant 0 : i32
      %dma_start3A_55 = tpu.memref_slice %arg20[%add3A_32, %dma_start3A] : memref<10240x64xf32, #tpu.memory_space<vmem_shared>> -> memref<128x64xf32, #tpu.memory_space<vmem_shared>>
      %dma_start3A_56 = arith.constant 0 : i32
      %dma_start3A_57 = tpu.memref_slice %arg20[%add3A_32, %dma_start3A_56] : memref<10240x64xf32, #tpu.memory_space<vmem_shared>> -> memref<128x64xf32, #tpu.memory_space<vmem_shared>>
      tpu.enqueue_dma source(%arg17 : memref<128x64xf32, #tpu.memory_space<vmem>>) target(%dma_start3A_57 : memref<128x64xf32, #tpu.memory_space<vmem_shared>>) target_semaphore(%run_scoped3A : memref<!tpu.dma_semaphore, #tpu.memory_space<semaphore_mem>>)
      %dma_wait3A = arith.constant 0 : i32
      %dma_wait3A_58 = tpu.memref_slice %arg20[%add3A_32, %dma_wait3A] : memref<10240x64xf32, #tpu.memory_space<vmem_shared>> -> memref<128x64xf32, #tpu.memory_space<vmem_shared>>
      %dma_wait3A_59 = arith.constant 0 : i32
      %dma_wait3A_60 = tpu.memref_slice %arg20[%add3A_32, %dma_wait3A_59] : memref<10240x64xf32, #tpu.memory_space<vmem_shared>> -> memref<128x64xf32, #tpu.memory_space<vmem_shared>>
      tpu.wait_dma2 semaphore(%run_scoped3A : memref<!tpu.dma_semaphore, #tpu.memory_space<semaphore_mem>>) src(%arg17 : memref<128x64xf32, #tpu.memory_space<vmem>>) dst(%dma_wait3A_60 : memref<128x64xf32, #tpu.memory_space<vmem_shared>>)
      tpu.yield
    }) : () -> ()
    %mul3A_33 = arith.constant 640 : i32
    %mul3A_34 = arith.muli %arg1, %mul3A_33 : i32
    %add3A_35 = arith.constant 512 : i32
    %add3A_36 = arith.addi %mul3A_34, %add3A_35 : i32
    "tpu.region"() ({
      %run_scoped3A = tpu.sem_alloc : memref<!tpu.dma_semaphore, #tpu.memory_space<semaphore_mem>>
      %dma_start3A = arith.constant 0 : i32
      %dma_start3A_55 = tpu.memref_slice %arg20[%add3A_36, %dma_start3A] : memref<10240x64xf32, #tpu.memory_space<vmem_shared>> -> memref<128x64xf32, #tpu.memory_space<vmem_shared>>
      %dma_start3A_56 = arith.constant 0 : i32
      %dma_start3A_57 = tpu.memref_slice %arg20[%add3A_36, %dma_start3A_56] : memref<10240x64xf32, #tpu.memory_space<vmem_shared>> -> memref<128x64xf32, #tpu.memory_space<vmem_shared>>
      tpu.enqueue_dma source(%arg17 : memref<128x64xf32, #tpu.memory_space<vmem>>) target(%dma_start3A_57 : memref<128x64xf32, #tpu.memory_space<vmem_shared>>) target_semaphore(%run_scoped3A : memref<!tpu.dma_semaphore, #tpu.memory_space<semaphore_mem>>)
      %dma_wait3A = arith.constant 0 : i32
      %dma_wait3A_58 = tpu.memref_slice %arg20[%add3A_36, %dma_wait3A] : memref<10240x64xf32, #tpu.memory_space<vmem_shared>> -> memref<128x64xf32, #tpu.memory_space<vmem_shared>>
      %dma_wait3A_59 = arith.constant 0 : i32
      %dma_wait3A_60 = tpu.memref_slice %arg20[%add3A_36, %dma_wait3A_59] : memref<10240x64xf32, #tpu.memory_space<vmem_shared>> -> memref<128x64xf32, #tpu.memory_space<vmem_shared>>
      tpu.wait_dma2 semaphore(%run_scoped3A : memref<!tpu.dma_semaphore, #tpu.memory_space<semaphore_mem>>) src(%arg17 : memref<128x64xf32, #tpu.memory_space<vmem>>) dst(%dma_wait3A_60 : memref<128x64xf32, #tpu.memory_space<vmem_shared>>)
      tpu.yield
    }) : () -> ()
    %mul3A_37 = arith.constant 640 : i32
    %mul3A_38 = arith.muli %arg1, %mul3A_37 : i32
    "tpu.region"() ({
      %run_scoped3A = tpu.sem_alloc : memref<!tpu.dma_semaphore, #tpu.memory_space<semaphore_mem>>
      %dma_start3A = tpu.memref_slice %arg21[%mul3A_38] : memref<10240xf32, #tpu.memory_space<vmem_shared>> -> memref<640xf32, #tpu.memory_space<vmem_shared>>
      %dma_start3A_55 = tpu.memref_slice %arg21[%mul3A_38] : memref<10240xf32, #tpu.memory_space<vmem_shared>> -> memref<640xf32, #tpu.memory_space<vmem_shared>>
      tpu.enqueue_dma source(%arg19 : memref<640xf32, #tpu.memory_space<vmem>>) target(%dma_start3A_55 : memref<640xf32, #tpu.memory_space<vmem_shared>>) target_semaphore(%run_scoped3A : memref<!tpu.dma_semaphore, #tpu.memory_space<semaphore_mem>>)
      %dma_wait3A = tpu.memref_slice %arg21[%mul3A_38] : memref<10240xf32, #tpu.memory_space<vmem_shared>> -> memref<640xf32, #tpu.memory_space<vmem_shared>>
      %dma_wait3A_56 = tpu.memref_slice %arg21[%mul3A_38] : memref<10240xf32, #tpu.memory_space<vmem_shared>> -> memref<640xf32, #tpu.memory_space<vmem_shared>>
      tpu.wait_dma2 semaphore(%run_scoped3A : memref<!tpu.dma_semaphore, #tpu.memory_space<semaphore_mem>>) src(%arg19 : memref<640xf32, #tpu.memory_space<vmem>>) dst(%dma_wait3A_56 : memref<640xf32, #tpu.memory_space<vmem_shared>>)
      tpu.yield
    }) : () -> ()
    %barrier3A = arith.constant 0 : index
    tpu.barrier barrier_id(%barrier3A)
    %get3A = arith.constant 0 : index
    %get3A_39 = tpu.vector_load %arg11[%get3A] {strides = array<i32>} : memref<16xf32, #tpu.memory_space<vmem>>, vector<16xf32>,
    %scan3A_40 = arith.constant 0 : i32
    %scan3A_41 = arith.constant 0 : i32
    %scan3A_42 = arith.constant 2 : i32
    %scan3A_43 = arith.addi %scan3A_41, %scan3A_42 : i32
    %scan3A_44 = arith.constant 1 : i32
    scf.for %scan3A_55 = %scan3A_41 to %scan3A_43 step %scan3A_44  : i32 {
      %mul3A_56 = arith.constant 40 : i32
      %mul3A_57 = arith.muli %scan3A_55, %mul3A_56 : i32
      "tpu.region"() ({
        %run_scoped3A = tpu.sem_alloc : memref<!tpu.dma_semaphore, #tpu.memory_space<semaphore_mem>>
        %dma_start3A = arith.constant 0 : i32
        %dma_start3A_75 = tpu.memref_slice %arg6[%add3A, %mul3A_57, %dma_start3A] : memref<32x80x128xi32, #tpu.memory_space<hbm>> -> memref<1x40x128xi32, #tpu.memory_space<hbm>>
        %dma_start3A_76 = tpu.memref_squeeze %dma_start3A_75 : memref<1x40x128xi32, #tpu.memory_space<hbm>> -> memref<40x128xi32, #tpu.memory_space<hbm>>
        %dma_start3A_77 = arith.constant 0 : i32
        %dma_start3A_78 = tpu.memref_slice %arg6[%add3A, %mul3A_57, %dma_start3A_77] : memref<32x80x128xi32, #tpu.memory_space<hbm>> -> memref<1x40x128xi32, #tpu.memory_space<hbm>>
        %dma_start3A_79 = tpu.memref_squeeze %dma_start3A_78 : memref<1x40x128xi32, #tpu.memory_space<hbm>> -> memref<40x128xi32, #tpu.memory_space<hbm>>
        tpu.enqueue_dma source(%dma_start3A_79 : memref<40x128xi32, #tpu.memory_space<hbm>>) target(%arg14 : memref<40x128xi32, #tpu.memory_space<vmem>>) target_semaphore(%run_scoped3A : memref<!tpu.dma_semaphore, #tpu.memory_space<semaphore_mem>>)
        %dma_wait3A = arith.constant 0 : i32
        %dma_wait3A_80 = tpu.memref_slice %arg6[%add3A, %mul3A_57, %dma_wait3A] : memref<32x80x128xi32, #tpu.memory_space<hbm>> -> memref<1x40x128xi32, #tpu.memory_space<hbm>>
        %dma_wait3A_81 = tpu.memref_squeeze %dma_wait3A_80 : memref<1x40x128xi32, #tpu.memory_space<hbm>> -> memref<40x128xi32, #tpu.memory_space<hbm>>
        %dma_wait3A_82 = arith.constant 0 : i32
        %dma_wait3A_83 = tpu.memref_slice %arg6[%add3A, %mul3A_57, %dma_wait3A_82] : memref<32x80x128xi32, #tpu.memory_space<hbm>> -> memref<1x40x128xi32, #tpu.memory_space<hbm>>
        %dma_wait3A_84 = tpu.memref_squeeze %dma_wait3A_83 : memref<1x40x128xi32, #tpu.memory_space<hbm>> -> memref<40x128xi32, #tpu.memory_space<hbm>>
        tpu.wait_dma2 semaphore(%run_scoped3A : memref<!tpu.dma_semaphore, #tpu.memory_space<semaphore_mem>>) src(%dma_wait3A_84 : memref<40x128xi32, #tpu.memory_space<hbm>>) dst(%arg14 : memref<40x128xi32, #tpu.memory_space<vmem>>)
        tpu.yield
      }) : () -> ()
      %mul3A_58 = arith.constant 40 : i32
      %mul3A_59 = arith.muli %scan3A_55, %mul3A_58 : i32
      "tpu.region"() ({
        %run_scoped3A = tpu.sem_alloc : memref<!tpu.dma_semaphore, #tpu.memory_space<semaphore_mem>>
        %dma_start3A = arith.constant 0 : i32
        %dma_start3A_75 = tpu.memref_slice %arg7[%add3A, %mul3A_59, %dma_start3A] : memref<32x80x128xi32, #tpu.memory_space<hbm>> -> memref<1x40x128xi32, #tpu.memory_space<hbm>>
        %dma_start3A_76 = tpu.memref_squeeze %dma_start3A_75 : memref<1x40x128xi32, #tpu.memory_space<hbm>> -> memref<40x128xi32, #tpu.memory_space<hbm>>
        %dma_start3A_77 = arith.constant 0 : i32
        %dma_start3A_78 = tpu.memref_slice %arg7[%add3A, %mul3A_59, %dma_start3A_77] : memref<32x80x128xi32, #tpu.memory_space<hbm>> -> memref<1x40x128xi32, #tpu.memory_space<hbm>>
        %dma_start3A_79 = tpu.memref_squeeze %dma_start3A_78 : memref<1x40x128xi32, #tpu.memory_space<hbm>> -> memref<40x128xi32, #tpu.memory_space<hbm>>
        tpu.enqueue_dma source(%dma_start3A_79 : memref<40x128xi32, #tpu.memory_space<hbm>>) target(%arg15 : memref<40x128xi32, #tpu.memory_space<vmem>>) target_semaphore(%run_scoped3A : memref<!tpu.dma_semaphore, #tpu.memory_space<semaphore_mem>>)
        %dma_wait3A = arith.constant 0 : i32
        %dma_wait3A_80 = tpu.memref_slice %arg7[%add3A, %mul3A_59, %dma_wait3A] : memref<32x80x128xi32, #tpu.memory_space<hbm>> -> memref<1x40x128xi32, #tpu.memory_space<hbm>>
        %dma_wait3A_81 = tpu.memref_squeeze %dma_wait3A_80 : memref<1x40x128xi32, #tpu.memory_space<hbm>> -> memref<40x128xi32, #tpu.memory_space<hbm>>
        %dma_wait3A_82 = arith.constant 0 : i32
        %dma_wait3A_83 = tpu.memref_slice %arg7[%add3A, %mul3A_59, %dma_wait3A_82] : memref<32x80x128xi32, #tpu.memory_space<hbm>> -> memref<1x40x128xi32, #tpu.memory_space<hbm>>
        %dma_wait3A_84 = tpu.memref_squeeze %dma_wait3A_83 : memref<1x40x128xi32, #tpu.memory_space<hbm>> -> memref<40x128xi32, #tpu.memory_space<hbm>>
        tpu.wait_dma2 semaphore(%run_scoped3A : memref<!tpu.dma_semaphore, #tpu.memory_space<semaphore_mem>>) src(%dma_wait3A_84 : memref<40x128xi32, #tpu.memory_space<hbm>>) dst(%arg15 : memref<40x128xi32, #tpu.memory_space<vmem>>)
        tpu.yield
      }) : () -> ()
      %mul3A_60 = arith.constant 40 : i32
      %mul3A_61 = arith.muli %scan3A_55, %mul3A_60 : i32
      "tpu.region"() ({
        %run_scoped3A = tpu.sem_alloc : memref<!tpu.dma_semaphore, #tpu.memory_space<semaphore_mem>>
        %dma_start3A = arith.constant 0 : i32
        %dma_start3A_75 = tpu.memref_slice %arg8[%add3A, %mul3A_61, %dma_start3A] : memref<32x80x128xf32, #tpu.memory_space<hbm>> -> memref<1x40x128xf32, #tpu.memory_space<hbm>>
        %dma_start3A_76 = tpu.memref_squeeze %dma_start3A_75 : memref<1x40x128xf32, #tpu.memory_space<hbm>> -> memref<40x128xf32, #tpu.memory_space<hbm>>
        %dma_start3A_77 = arith.constant 0 : i32
        %dma_start3A_78 = tpu.memref_slice %arg8[%add3A, %mul3A_61, %dma_start3A_77] : memref<32x80x128xf32, #tpu.memory_space<hbm>> -> memref<1x40x128xf32, #tpu.memory_space<hbm>>
        %dma_start3A_79 = tpu.memref_squeeze %dma_start3A_78 : memref<1x40x128xf32, #tpu.memory_space<hbm>> -> memref<40x128xf32, #tpu.memory_space<hbm>>
        tpu.enqueue_dma source(%dma_start3A_79 : memref<40x128xf32, #tpu.memory_space<hbm>>) target(%arg16 : memref<40x128xf32, #tpu.memory_space<vmem>>) target_semaphore(%run_scoped3A : memref<!tpu.dma_semaphore, #tpu.memory_space<semaphore_mem>>)
        %dma_wait3A = arith.constant 0 : i32
        %dma_wait3A_80 = tpu.memref_slice %arg8[%add3A, %mul3A_61, %dma_wait3A] : memref<32x80x128xf32, #tpu.memory_space<hbm>> -> memref<1x40x128xf32, #tpu.memory_space<hbm>>
        %dma_wait3A_81 = tpu.memref_squeeze %dma_wait3A_80 : memref<1x40x128xf32, #tpu.memory_space<hbm>> -> memref<40x128xf32, #tpu.memory_space<hbm>>
        %dma_wait3A_82 = arith.constant 0 : i32
        %dma_wait3A_83 = tpu.memref_slice %arg8[%add3A, %mul3A_61, %dma_wait3A_82] : memref<32x80x128xf32, #tpu.memory_space<hbm>> -> memref<1x40x128xf32, #tpu.memory_space<hbm>>
        %dma_wait3A_84 = tpu.memref_squeeze %dma_wait3A_83 : memref<1x40x128xf32, #tpu.memory_space<hbm>> -> memref<40x128xf32, #tpu.memory_space<hbm>>
        tpu.wait_dma2 semaphore(%run_scoped3A : memref<!tpu.dma_semaphore, #tpu.memory_space<semaphore_mem>>) src(%dma_wait3A_84 : memref<40x128xf32, #tpu.memory_space<hbm>>) dst(%arg16 : memref<40x128xf32, #tpu.memory_space<vmem>>)
        tpu.yield
      }) : () -> ()
      %mul3A_62 = arith.constant 10240 : i32
      %mul3A_63 = arith.muli %add3A, %mul3A_62 : i32
      %mul3A_64 = arith.constant 40 : i32
      %mul3A_65 = arith.muli %scan3A_55, %mul3A_64 : i32
      %mul3A_66 = arith.constant 128 : i32
      %mul3A_67 = arith.muli %mul3A_65, %mul3A_66 : i32
      %add3A_68 = arith.addi %mul3A_63, %mul3A_67 : i32
      %scan3A_69 = arith.constant 0 : i32
      %scan3A_70 = arith.constant 0 : i32
      %scan3A_71 = arith.constant 40 : i32
      %scan3A_72 = arith.addi %scan3A_70, %scan3A_71 : i32
      %scan3A_73 = arith.constant 1 : i32
      scf.for %scan3A_75 = %scan3A_70 to %scan3A_72 step %scan3A_73  : i32 {
        %dma_start3A = arith.constant 0 : i32
        %dma_start3A_76 = tpu.memref_slice %arg14[%scan3A_75, %dma_start3A] : memref<40x128xi32, #tpu.memory_space<vmem>> -> memref<1x128xi32, #tpu.memory_space<vmem>>
        %dma_start3A_77 = tpu.memref_squeeze %dma_start3A_76 : memref<1x128xi32, #tpu.memory_space<vmem>> -> memref<128xi32, #tpu.memory_space<vmem>>
        %dma_start3A_78 = arith.constant 0 : i32
        %dma_start3A_79 = arith.constant 0 : i32
        %dma_start3A_80 = tpu.memref_slice %arg22[%dma_start3A_78, %dma_start3A_79] : memref<10240x64xf32, #tpu.memory_space<vmem_shared>> -> memref<10240x64xf32, #tpu.memory_space<vmem_shared>>
        tpu.enqueue_indirect_dma source(%dma_start3A_80 : memref<10240x64xf32, #tpu.memory_space<vmem_shared>>) target(%arg17 : memref<128x64xf32, #tpu.memory_space<vmem>>) offsets(%dma_start3A_77 : memref<128xi32, #tpu.memory_space<vmem>>) semaphore(%arg23 : memref<!tpu.dma_semaphore, #tpu.memory_space<semaphore_mem>>)
        %dma_wait3A = arith.constant 0 : i32
        %dma_wait3A_81 = tpu.memref_slice %arg14[%scan3A_75, %dma_wait3A] : memref<40x128xi32, #tpu.memory_space<vmem>> -> memref<1x128xi32, #tpu.memory_space<vmem>>
        %dma_wait3A_82 = tpu.memref_squeeze %dma_wait3A_81 : memref<1x128xi32, #tpu.memory_space<vmem>> -> memref<128xi32, #tpu.memory_space<vmem>>
        %dma_wait3A_83 = arith.constant 0 : i32
        %dma_wait3A_84 = arith.constant 0 : i32
        %dma_wait3A_85 = tpu.memref_slice %arg22[%dma_wait3A_83, %dma_wait3A_84] : memref<10240x64xf32, #tpu.memory_space<vmem_shared>> -> memref<10240x64xf32, #tpu.memory_space<vmem_shared>>
        tpu.wait_indirect_dma semaphore(%arg23 : memref<!tpu.dma_semaphore, #tpu.memory_space<semaphore_mem>>) src(%dma_wait3A_85 : memref<10240x64xf32, #tpu.memory_space<vmem_shared>>) dst(%arg17 : memref<128x64xf32, #tpu.memory_space<vmem>>)
        %get3A_86 = arith.index_cast %scan3A_75 : i32 to index
        %get3A_87 = arith.constant 0 : index
        %get3A_88 = tpu.vector_load %arg14[%get3A_86, %get3A_87] {strides = array<i32>} : memref<40x128xi32, #tpu.memory_space<vmem>>, vector<16xi32>,
        %get3A_89 = arith.index_cast %scan3A_75 : i32 to index
        %get3A_90 = arith.constant 0 : index
        %get3A_91 = tpu.vector_load %arg15[%get3A_89, %get3A_90] {strides = array<i32>} : memref<40x128xi32, #tpu.memory_space<vmem>>, vector<16xi32>,
        %get3A_92 = arith.index_cast %scan3A_75 : i32 to index
        %get3A_93 = arith.constant 0 : index
        %get3A_94 = tpu.vector_load %arg16[%get3A_92, %get3A_93] {strides = array<i32>} : memref<40x128xf32, #tpu.memory_space<vmem>>, vector<16xf32>,
        %gather3A = tpu.vector_load_idx %arg12[%get3A_88] : memref<10240xf32, #tpu.memory_space<vmem>>[vector<16xi32>], vector<16xf32>,
        %gather3A_95 = tpu.vector_load_idx %arg13[%get3A_91] : memref<10240xf32, #tpu.memory_space<vmem>>[vector<16xi32>], vector<16xf32>,
        %add3A_96 = arith.addf %gather3A, %gather3A_95 : vector<16xf32>
        %mul3A_97 = arith.mulf %get3A_94, %get3A_39 : vector<16xf32>
        %add3A_98 = arith.addf %add3A_96, %mul3A_97 : vector<16xf32>
        %mul3A_99 = arith.constant 2.000000e-01 : f32
        %mul3A_100 = vector.broadcast %mul3A_99 : f32 to vector<16xf32>
        %mul3A_101 = arith.mulf %mul3A_100, %add3A_98 : vector<16xf32>
        %max3A = arith.maximumf %add3A_98, %mul3A_101 : vector<16xf32>
        %exp3A = math.exp %max3A : vector<16xf32>
        %mul3A_102 = arith.constant 128 : i32
        %mul3A_103 = arith.muli %scan3A_75, %mul3A_102 : i32
        %add3A_104 = arith.addi %add3A_68, %mul3A_103 : i32
        %add3A_105 = arith.constant 0 : i32
        %add3A_106 = arith.addi %add3A_104, %add3A_105 : i32
        %iota3A = tpu.iota {dimensions = array<i32: 0>} : vector<16xi32>
        %add3A_107 = vector.broadcast %add3A_106 : i32 to vector<16xi32>
        %add3A_108 = arith.addi %add3A_107, %iota3A : vector<16xi32>
        %lt3A = arith.constant 320000 : i32
        %lt3A_109 = vector.broadcast %lt3A : i32 to vector<16xi32>
        %lt3A_110 = arith.cmpi slt, %add3A_108, %lt3A_109 : vector<16xi32>
        %jit3A = arith.constant 0.000000e+00 : f32
        %broadcast_in_dim3A_111 = vector.broadcast %jit3A : f32 to vector<16xf32>
        %select_n3A = arith.select %lt3A_110, %exp3A, %broadcast_in_dim3A_111 : vector<16xi1>, vector<16xf32>
        %swap3A = arith.constant 0 : index
        %swap3A_112 = tpu.vector_load %arg18[%swap3A] {strides = array<i32>} : memref<128xf32, #tpu.memory_space<vmem>>, vector<16xf32>,
        tpu.vector_store %arg18[%swap3A], %select_n3A {strides = array<i32>} : memref<128xf32, #tpu.memory_space<vmem>>, vector<16xf32>,
        %get3A_113 = arith.index_cast %scan3A_75 : i32 to index
        %get3A_114 = arith.constant 16 : index
        %get3A_115 = tpu.vector_load %arg14[%get3A_113, %get3A_114] {strides = array<i32>} : memref<40x128xi32, #tpu.memory_space<vmem>>, vector<16xi32>,
        %get3A_116 = arith.index_cast %scan3A_75 : i32 to index
        %get3A_117 = arith.constant 16 : index
        %get3A_118 = tpu.vector_load %arg15[%get3A_116, %get3A_117] {strides = array<i32>} : memref<40x128xi32, #tpu.memory_space<vmem>>, vector<16xi32>,
        %get3A_119 = arith.index_cast %scan3A_75 : i32 to index
        %get3A_120 = arith.constant 16 : index
        %get3A_121 = tpu.vector_load %arg16[%get3A_119, %get3A_120] {strides = array<i32>} : memref<40x128xf32, #tpu.memory_space<vmem>>, vector<16xf32>,
        %gather3A_122 = tpu.vector_load_idx %arg12[%get3A_115] : memref<10240xf32, #tpu.memory_space<vmem>>[vector<16xi32>], vector<16xf32>,
        %gather3A_123 = tpu.vector_load_idx %arg13[%get3A_118] : memref<10240xf32, #tpu.memory_space<vmem>>[vector<16xi32>], vector<16xf32>,
        %add3A_124 = arith.addf %gather3A_122, %gather3A_123 : vector<16xf32>
        %mul3A_125 = arith.mulf %get3A_121, %get3A_39 : vector<16xf32>
        %add3A_126 = arith.addf %add3A_124, %mul3A_125 : vector<16xf32>
        %mul3A_127 = arith.constant 2.000000e-01 : f32
        %mul3A_128 = vector.broadcast %mul3A_127 : f32 to vector<16xf32>
        %mul3A_129 = arith.mulf %mul3A_128, %add3A_126 : vector<16xf32>
        %max3A_130 = arith.maximumf %add3A_126, %mul3A_129 : vector<16xf32>
        %exp3A_131 = math.exp %max3A_130 : vector<16xf32>
        %mul3A_132 = arith.constant 128 : i32
        %mul3A_133 = arith.muli %scan3A_75, %mul3A_132 : i32
        %add3A_134 = arith.addi %add3A_68, %mul3A_133 : i32
        %add3A_135 = arith.constant 16 : i32
        %add3A_136 = arith.addi %add3A_134, %add3A_135 : i32
        %iota3A_137 = tpu.iota {dimensions = array<i32: 0>} : vector<16xi32>
        %add3A_138 = vector.broadcast %add3A_136 : i32 to vector<16xi32>
        %add3A_139 = arith.addi %add3A_138, %iota3A_137 : vector<16xi32>
        %lt3A_140 = arith.constant 320000 : i32
        %lt3A_141 = vector.broadcast %lt3A_140 : i32 to vector<16xi32>
        %lt3A_142 = arith.cmpi slt, %add3A_139, %lt3A_141 : vector<16xi32>
        %jit3A_143 = arith.constant 0.000000e+00 : f32
        %broadcast_in_dim3A_144 = vector.broadcast %jit3A_143 : f32 to vector<16xf32>
        %select_n3A_145 = arith.select %lt3A_142, %exp3A_131, %broadcast_in_dim3A_144 : vector<16xi1>, vector<16xf32>
        %swap3A_146 = arith.constant 16 : index
        %swap3A_147 = tpu.vector_load %arg18[%swap3A_146] {strides = array<i32>} : memref<128xf32, #tpu.memory_space<vmem>>, vector<16xf32>,
        tpu.vector_store %arg18[%swap3A_146], %select_n3A_145 {strides = array<i32>} : memref<128xf32, #tpu.memory_space<vmem>>, vector<16xf32>,
        %get3A_148 = arith.index_cast %scan3A_75 : i32 to index
        %get3A_149 = arith.constant 32 : index
        %get3A_150 = tpu.vector_load %arg14[%get3A_148, %get3A_149] {strides = array<i32>} : memref<40x128xi32, #tpu.memory_space<vmem>>, vector<16xi32>,
        %get3A_151 = arith.index_cast %scan3A_75 : i32 to index
        %get3A_152 = arith.constant 32 : index
        %get3A_153 = tpu.vector_load %arg15[%get3A_151, %get3A_152] {strides = array<i32>} : memref<40x128xi32, #tpu.memory_space<vmem>>, vector<16xi32>,
        %get3A_154 = arith.index_cast %scan3A_75 : i32 to index
        %get3A_155 = arith.constant 32 : index
        %get3A_156 = tpu.vector_load %arg16[%get3A_154, %get3A_155] {strides = array<i32>} : memref<40x128xf32, #tpu.memory_space<vmem>>, vector<16xf32>,
        %gather3A_157 = tpu.vector_load_idx %arg12[%get3A_150] : memref<10240xf32, #tpu.memory_space<vmem>>[vector<16xi32>], vector<16xf32>,
        %gather3A_158 = tpu.vector_load_idx %arg13[%get3A_153] : memref<10240xf32, #tpu.memory_space<vmem>>[vector<16xi32>], vector<16xf32>,
        %add3A_159 = arith.addf %gather3A_157, %gather3A_158 : vector<16xf32>
        %mul3A_160 = arith.mulf %get3A_156, %get3A_39 : vector<16xf32>
        %add3A_161 = arith.addf %add3A_159, %mul3A_160 : vector<16xf32>
        %mul3A_162 = arith.constant 2.000000e-01 : f32
        %mul3A_163 = vector.broadcast %mul3A_162 : f32 to vector<16xf32>
        %mul3A_164 = arith.mulf %mul3A_163, %add3A_161 : vector<16xf32>
        %max3A_165 = arith.maximumf %add3A_161, %mul3A_164 : vector<16xf32>
        %exp3A_166 = math.exp %max3A_165 : vector<16xf32>
        %mul3A_167 = arith.constant 128 : i32
        %mul3A_168 = arith.muli %scan3A_75, %mul3A_167 : i32
        %add3A_169 = arith.addi %add3A_68, %mul3A_168 : i32
        %add3A_170 = arith.constant 32 : i32
        %add3A_171 = arith.addi %add3A_169, %add3A_170 : i32
        %iota3A_172 = tpu.iota {dimensions = array<i32: 0>} : vector<16xi32>
        %add3A_173 = vector.broadcast %add3A_171 : i32 to vector<16xi32>
        %add3A_174 = arith.addi %add3A_173, %iota3A_172 : vector<16xi32>
        %lt3A_175 = arith.constant 320000 : i32
        %lt3A_176 = vector.broadcast %lt3A_175 : i32 to vector<16xi32>
        %lt3A_177 = arith.cmpi slt, %add3A_174, %lt3A_176 : vector<16xi32>
        %jit3A_178 = arith.constant 0.000000e+00 : f32
        %broadcast_in_dim3A_179 = vector.broadcast %jit3A_178 : f32 to vector<16xf32>
        %select_n3A_180 = arith.select %lt3A_177, %exp3A_166, %broadcast_in_dim3A_179 : vector<16xi1>, vector<16xf32>
        %swap3A_181 = arith.constant 32 : index
        %swap3A_182 = tpu.vector_load %arg18[%swap3A_181] {strides = array<i32>} : memref<128xf32, #tpu.memory_space<vmem>>, vector<16xf32>,
        tpu.vector_store %arg18[%swap3A_181], %select_n3A_180 {strides = array<i32>} : memref<128xf32, #tpu.memory_space<vmem>>, vector<16xf32>,
        %get3A_183 = arith.index_cast %scan3A_75 : i32 to index
        %get3A_184 = arith.constant 48 : index
        %get3A_185 = tpu.vector_load %arg14[%get3A_183, %get3A_184] {strides = array<i32>} : memref<40x128xi32, #tpu.memory_space<vmem>>, vector<16xi32>,
        %get3A_186 = arith.index_cast %scan3A_75 : i32 to index
        %get3A_187 = arith.constant 48 : index
        %get3A_188 = tpu.vector_load %arg15[%get3A_186, %get3A_187] {strides = array<i32>} : memref<40x128xi32, #tpu.memory_space<vmem>>, vector<16xi32>,
        %get3A_189 = arith.index_cast %scan3A_75 : i32 to index
        %get3A_190 = arith.constant 48 : index
        %get3A_191 = tpu.vector_load %arg16[%get3A_189, %get3A_190] {strides = array<i32>} : memref<40x128xf32, #tpu.memory_space<vmem>>, vector<16xf32>,
        %gather3A_192 = tpu.vector_load_idx %arg12[%get3A_185] : memref<10240xf32, #tpu.memory_space<vmem>>[vector<16xi32>], vector<16xf32>,
        %gather3A_193 = tpu.vector_load_idx %arg13[%get3A_188] : memref<10240xf32, #tpu.memory_space<vmem>>[vector<16xi32>], vector<16xf32>,
        %add3A_194 = arith.addf %gather3A_192, %gather3A_193 : vector<16xf32>
        %mul3A_195 = arith.mulf %get3A_191, %get3A_39 : vector<16xf32>
        %add3A_196 = arith.addf %add3A_194, %mul3A_195 : vector<16xf32>
        %mul3A_197 = arith.constant 2.000000e-01 : f32
        %mul3A_198 = vector.broadcast %mul3A_197 : f32 to vector<16xf32>
        %mul3A_199 = arith.mulf %mul3A_198, %add3A_196 : vector<16xf32>
        %max3A_200 = arith.maximumf %add3A_196, %mul3A_199 : vector<16xf32>
        %exp3A_201 = math.exp %max3A_200 : vector<16xf32>
        %mul3A_202 = arith.constant 128 : i32
        %mul3A_203 = arith.muli %scan3A_75, %mul3A_202 : i32
        %add3A_204 = arith.addi %add3A_68, %mul3A_203 : i32
        %add3A_205 = arith.constant 48 : i32
        %add3A_206 = arith.addi %add3A_204, %add3A_205 : i32
        %iota3A_207 = tpu.iota {dimensions = array<i32: 0>} : vector<16xi32>
        %add3A_208 = vector.broadcast %add3A_206 : i32 to vector<16xi32>
        %add3A_209 = arith.addi %add3A_208, %iota3A_207 : vector<16xi32>
        %lt3A_210 = arith.constant 320000 : i32
        %lt3A_211 = vector.broadcast %lt3A_210 : i32 to vector<16xi32>
        %lt3A_212 = arith.cmpi slt, %add3A_209, %lt3A_211 : vector<16xi32>
        %jit3A_213 = arith.constant 0.000000e+00 : f32
        %broadcast_in_dim3A_214 = vector.broadcast %jit3A_213 : f32 to vector<16xf32>
        %select_n3A_215 = arith.select %lt3A_212, %exp3A_201, %broadcast_in_dim3A_214 : vector<16xi1>, vector<16xf32>
        %swap3A_216 = arith.constant 48 : index
        %swap3A_217 = tpu.vector_load %arg18[%swap3A_216] {strides = array<i32>} : memref<128xf32, #tpu.memory_space<vmem>>, vector<16xf32>,
        tpu.vector_store %arg18[%swap3A_216], %select_n3A_215 {strides = array<i32>} : memref<128xf32, #tpu.memory_space<vmem>>, vector<16xf32>,
        %get3A_218 = arith.index_cast %scan3A_75 : i32 to index
        %get3A_219 = arith.constant 64 : index
        %get3A_220 = tpu.vector_load %arg14[%get3A_218, %get3A_219] {strides = array<i32>} : memref<40x128xi32, #tpu.memory_space<vmem>>, vector<16xi32>,
        %get3A_221 = arith.index_cast %scan3A_75 : i32 to index
        %get3A_222 = arith.constant 64 : index
        %get3A_223 = tpu.vector_load %arg15[%get3A_221, %get3A_222] {strides = array<i32>} : memref<40x128xi32, #tpu.memory_space<vmem>>, vector<16xi32>,
        %get3A_224 = arith.index_cast %scan3A_75 : i32 to index
        %get3A_225 = arith.constant 64 : index
        %get3A_226 = tpu.vector_load %arg16[%get3A_224, %get3A_225] {strides = array<i32>} : memref<40x128xf32, #tpu.memory_space<vmem>>, vector<16xf32>,
        %gather3A_227 = tpu.vector_load_idx %arg12[%get3A_220] : memref<10240xf32, #tpu.memory_space<vmem>>[vector<16xi32>], vector<16xf32>,
        %gather3A_228 = tpu.vector_load_idx %arg13[%get3A_223] : memref<10240xf32, #tpu.memory_space<vmem>>[vector<16xi32>], vector<16xf32>,
        %add3A_229 = arith.addf %gather3A_227, %gather3A_228 : vector<16xf32>
        %mul3A_230 = arith.mulf %get3A_226, %get3A_39 : vector<16xf32>
        %add3A_231 = arith.addf %add3A_229, %mul3A_230 : vector<16xf32>
        %mul3A_232 = arith.constant 2.000000e-01 : f32
        %mul3A_233 = vector.broadcast %mul3A_232 : f32 to vector<16xf32>
        %mul3A_234 = arith.mulf %mul3A_233, %add3A_231 : vector<16xf32>
        %max3A_235 = arith.maximumf %add3A_231, %mul3A_234 : vector<16xf32>
        %exp3A_236 = math.exp %max3A_235 : vector<16xf32>
        %mul3A_237 = arith.constant 128 : i32
        %mul3A_238 = arith.muli %scan3A_75, %mul3A_237 : i32
        %add3A_239 = arith.addi %add3A_68, %mul3A_238 : i32
        %add3A_240 = arith.constant 64 : i32
        %add3A_241 = arith.addi %add3A_239, %add3A_240 : i32
        %iota3A_242 = tpu.iota {dimensions = array<i32: 0>} : vector<16xi32>
        %add3A_243 = vector.broadcast %add3A_241 : i32 to vector<16xi32>
        %add3A_244 = arith.addi %add3A_243, %iota3A_242 : vector<16xi32>
        %lt3A_245 = arith.constant 320000 : i32
        %lt3A_246 = vector.broadcast %lt3A_245 : i32 to vector<16xi32>
        %lt3A_247 = arith.cmpi slt, %add3A_244, %lt3A_246 : vector<16xi32>
        %jit3A_248 = arith.constant 0.000000e+00 : f32
        %broadcast_in_dim3A_249 = vector.broadcast %jit3A_248 : f32 to vector<16xf32>
        %select_n3A_250 = arith.select %lt3A_247, %exp3A_236, %broadcast_in_dim3A_249 : vector<16xi1>, vector<16xf32>
        %swap3A_251 = arith.constant 64 : index
        %swap3A_252 = tpu.vector_load %arg18[%swap3A_251] {strides = array<i32>} : memref<128xf32, #tpu.memory_space<vmem>>, vector<16xf32>,
        tpu.vector_store %arg18[%swap3A_251], %select_n3A_250 {strides = array<i32>} : memref<128xf32, #tpu.memory_space<vmem>>, vector<16xf32>,
        %get3A_253 = arith.index_cast %scan3A_75 : i32 to index
        %get3A_254 = arith.constant 80 : index
        %get3A_255 = tpu.vector_load %arg14[%get3A_253, %get3A_254] {strides = array<i32>} : memref<40x128xi32, #tpu.memory_space<vmem>>, vector<16xi32>,
        %get3A_256 = arith.index_cast %scan3A_75 : i32 to index
        %get3A_257 = arith.constant 80 : index
        %get3A_258 = tpu.vector_load %arg15[%get3A_256, %get3A_257] {strides = array<i32>} : memref<40x128xi32, #tpu.memory_space<vmem>>, vector<16xi32>,
        %get3A_259 = arith.index_cast %scan3A_75 : i32 to index
        %get3A_260 = arith.constant 80 : index
        %get3A_261 = tpu.vector_load %arg16[%get3A_259, %get3A_260] {strides = array<i32>} : memref<40x128xf32, #tpu.memory_space<vmem>>, vector<16xf32>,
        %gather3A_262 = tpu.vector_load_idx %arg12[%get3A_255] : memref<10240xf32, #tpu.memory_space<vmem>>[vector<16xi32>], vector<16xf32>,
        %gather3A_263 = tpu.vector_load_idx %arg13[%get3A_258] : memref<10240xf32, #tpu.memory_space<vmem>>[vector<16xi32>], vector<16xf32>,
        %add3A_264 = arith.addf %gather3A_262, %gather3A_263 : vector<16xf32>
        %mul3A_265 = arith.mulf %get3A_261, %get3A_39 : vector<16xf32>
        %add3A_266 = arith.addf %add3A_264, %mul3A_265 : vector<16xf32>
        %mul3A_267 = arith.constant 2.000000e-01 : f32
        %mul3A_268 = vector.broadcast %mul3A_267 : f32 to vector<16xf32>
        %mul3A_269 = arith.mulf %mul3A_268, %add3A_266 : vector<16xf32>
        %max3A_270 = arith.maximumf %add3A_266, %mul3A_269 : vector<16xf32>
        %exp3A_271 = math.exp %max3A_270 : vector<16xf32>
        %mul3A_272 = arith.constant 128 : i32
        %mul3A_273 = arith.muli %scan3A_75, %mul3A_272 : i32
        %add3A_274 = arith.addi %add3A_68, %mul3A_273 : i32
        %add3A_275 = arith.constant 80 : i32
        %add3A_276 = arith.addi %add3A_274, %add3A_275 : i32
        %iota3A_277 = tpu.iota {dimensions = array<i32: 0>} : vector<16xi32>
        %add3A_278 = vector.broadcast %add3A_276 : i32 to vector<16xi32>
        %add3A_279 = arith.addi %add3A_278, %iota3A_277 : vector<16xi32>
        %lt3A_280 = arith.constant 320000 : i32
        %lt3A_281 = vector.broadcast %lt3A_280 : i32 to vector<16xi32>
        %lt3A_282 = arith.cmpi slt, %add3A_279, %lt3A_281 : vector<16xi32>
        %jit3A_283 = arith.constant 0.000000e+00 : f32
        %broadcast_in_dim3A_284 = vector.broadcast %jit3A_283 : f32 to vector<16xf32>
        %select_n3A_285 = arith.select %lt3A_282, %exp3A_271, %broadcast_in_dim3A_284 : vector<16xi1>, vector<16xf32>
        %swap3A_286 = arith.constant 80 : index
        %swap3A_287 = tpu.vector_load %arg18[%swap3A_286] {strides = array<i32>} : memref<128xf32, #tpu.memory_space<vmem>>, vector<16xf32>,
        tpu.vector_store %arg18[%swap3A_286], %select_n3A_285 {strides = array<i32>} : memref<128xf32, #tpu.memory_space<vmem>>, vector<16xf32>,
        %get3A_288 = arith.index_cast %scan3A_75 : i32 to index
        %get3A_289 = arith.constant 96 : index
        %get3A_290 = tpu.vector_load %arg14[%get3A_288, %get3A_289] {strides = array<i32>} : memref<40x128xi32, #tpu.memory_space<vmem>>, vector<16xi32>,
        %get3A_291 = arith.index_cast %scan3A_75 : i32 to index
        %get3A_292 = arith.constant 96 : index
        %get3A_293 = tpu.vector_load %arg15[%get3A_291, %get3A_292] {strides = array<i32>} : memref<40x128xi32, #tpu.memory_space<vmem>>, vector<16xi32>,
        %get3A_294 = arith.index_cast %scan3A_75 : i32 to index
        %get3A_295 = arith.constant 96 : index
        %get3A_296 = tpu.vector_load %arg16[%get3A_294, %get3A_295] {strides = array<i32>} : memref<40x128xf32, #tpu.memory_space<vmem>>, vector<16xf32>,
        %gather3A_297 = tpu.vector_load_idx %arg12[%get3A_290] : memref<10240xf32, #tpu.memory_space<vmem>>[vector<16xi32>], vector<16xf32>,
        %gather3A_298 = tpu.vector_load_idx %arg13[%get3A_293] : memref<10240xf32, #tpu.memory_space<vmem>>[vector<16xi32>], vector<16xf32>,
        %add3A_299 = arith.addf %gather3A_297, %gather3A_298 : vector<16xf32>
        %mul3A_300 = arith.mulf %get3A_296, %get3A_39 : vector<16xf32>
        %add3A_301 = arith.addf %add3A_299, %mul3A_300 : vector<16xf32>
        %mul3A_302 = arith.constant 2.000000e-01 : f32
        %mul3A_303 = vector.broadcast %mul3A_302 : f32 to vector<16xf32>
        %mul3A_304 = arith.mulf %mul3A_303, %add3A_301 : vector<16xf32>
        %max3A_305 = arith.maximumf %add3A_301, %mul3A_304 : vector<16xf32>
        %exp3A_306 = math.exp %max3A_305 : vector<16xf32>
        %mul3A_307 = arith.constant 128 : i32
        %mul3A_308 = arith.muli %scan3A_75, %mul3A_307 : i32
        %add3A_309 = arith.addi %add3A_68, %mul3A_308 : i32
        %add3A_310 = arith.constant 96 : i32
        %add3A_311 = arith.addi %add3A_309, %add3A_310 : i32
        %iota3A_312 = tpu.iota {dimensions = array<i32: 0>} : vector<16xi32>
        %add3A_313 = vector.broadcast %add3A_311 : i32 to vector<16xi32>
        %add3A_314 = arith.addi %add3A_313, %iota3A_312 : vector<16xi32>
        %lt3A_315 = arith.constant 320000 : i32
        %lt3A_316 = vector.broadcast %lt3A_315 : i32 to vector<16xi32>
        %lt3A_317 = arith.cmpi slt, %add3A_314, %lt3A_316 : vector<16xi32>
        %jit3A_318 = arith.constant 0.000000e+00 : f32
        %broadcast_in_dim3A_319 = vector.broadcast %jit3A_318 : f32 to vector<16xf32>
        %select_n3A_320 = arith.select %lt3A_317, %exp3A_306, %broadcast_in_dim3A_319 : vector<16xi1>, vector<16xf32>
        %swap3A_321 = arith.constant 96 : index
        %swap3A_322 = tpu.vector_load %arg18[%swap3A_321] {strides = array<i32>} : memref<128xf32, #tpu.memory_space<vmem>>, vector<16xf32>,
        tpu.vector_store %arg18[%swap3A_321], %select_n3A_320 {strides = array<i32>} : memref<128xf32, #tpu.memory_space<vmem>>, vector<16xf32>,
        %get3A_323 = arith.index_cast %scan3A_75 : i32 to index
        %get3A_324 = arith.constant 112 : index
        %get3A_325 = tpu.vector_load %arg14[%get3A_323, %get3A_324] {strides = array<i32>} : memref<40x128xi32, #tpu.memory_space<vmem>>, vector<16xi32>,
        %get3A_326 = arith.index_cast %scan3A_75 : i32 to index
        %get3A_327 = arith.constant 112 : index
        %get3A_328 = tpu.vector_load %arg15[%get3A_326, %get3A_327] {strides = array<i32>} : memref<40x128xi32, #tpu.memory_space<vmem>>, vector<16xi32>,
        %get3A_329 = arith.index_cast %scan3A_75 : i32 to index
        %get3A_330 = arith.constant 112 : index
        %get3A_331 = tpu.vector_load %arg16[%get3A_329, %get3A_330] {strides = array<i32>} : memref<40x128xf32, #tpu.memory_space<vmem>>, vector<16xf32>,
        %gather3A_332 = tpu.vector_load_idx %arg12[%get3A_325] : memref<10240xf32, #tpu.memory_space<vmem>>[vector<16xi32>], vector<16xf32>,
        %gather3A_333 = tpu.vector_load_idx %arg13[%get3A_328] : memref<10240xf32, #tpu.memory_space<vmem>>[vector<16xi32>], vector<16xf32>,
        %add3A_334 = arith.addf %gather3A_332, %gather3A_333 : vector<16xf32>
        %mul3A_335 = arith.mulf %get3A_331, %get3A_39 : vector<16xf32>
        %add3A_336 = arith.addf %add3A_334, %mul3A_335 : vector<16xf32>
        %mul3A_337 = arith.constant 2.000000e-01 : f32
        %mul3A_338 = vector.broadcast %mul3A_337 : f32 to vector<16xf32>
        %mul3A_339 = arith.mulf %mul3A_338, %add3A_336 : vector<16xf32>
        %max3A_340 = arith.maximumf %add3A_336, %mul3A_339 : vector<16xf32>
        %exp3A_341 = math.exp %max3A_340 : vector<16xf32>
        %mul3A_342 = arith.constant 128 : i32
        %mul3A_343 = arith.muli %scan3A_75, %mul3A_342 : i32
        %add3A_344 = arith.addi %add3A_68, %mul3A_343 : i32
        %add3A_345 = arith.constant 112 : i32
        %add3A_346 = arith.addi %add3A_344, %add3A_345 : i32
        %iota3A_347 = tpu.iota {dimensions = array<i32: 0>} : vector<16xi32>
        %add3A_348 = vector.broadcast %add3A_346 : i32 to vector<16xi32>
        %add3A_349 = arith.addi %add3A_348, %iota3A_347 : vector<16xi32>
        %lt3A_350 = arith.constant 320000 : i32
        %lt3A_351 = vector.broadcast %lt3A_350 : i32 to vector<16xi32>
        %lt3A_352 = arith.cmpi slt, %add3A_349, %lt3A_351 : vector<16xi32>
        %jit3A_353 = arith.constant 0.000000e+00 : f32
        %broadcast_in_dim3A_354 = vector.broadcast %jit3A_353 : f32 to vector<16xf32>
        %select_n3A_355 = arith.select %lt3A_352, %exp3A_341, %broadcast_in_dim3A_354 : vector<16xi1>, vector<16xf32>
        %swap3A_356 = arith.constant 112 : index
        %swap3A_357 = tpu.vector_load %arg18[%swap3A_356] {strides = array<i32>} : memref<128xf32, #tpu.memory_space<vmem>>, vector<16xf32>,
        tpu.vector_store %arg18[%swap3A_356], %select_n3A_355 {strides = array<i32>} : memref<128xf32, #tpu.memory_space<vmem>>, vector<16xf32>,
        %scan3A_358 = arith.constant 0 : i32
        %scan3A_359 = arith.constant 0 : i32
        %scan3A_360 = arith.constant 128 : i32
        %scan3A_361 = arith.addi %scan3A_359, %scan3A_360 : i32
        %scan3A_362 = arith.constant 1 : i32
        scf.for %scan3A_364 = %scan3A_359 to %scan3A_361 step %scan3A_362  : i32 {
          %broadcast_in_dim3A_365 = vector.broadcast %scan3A_364 : i32 to vector<16xi32>
          %gather3A_366 = tpu.vector_load_idx %arg18[%broadcast_in_dim3A_365] : memref<128xf32, #tpu.memory_space<vmem>>[vector<16xi32>], vector<16xf32>,
          %get3A_367 = arith.index_cast %scan3A_364 : i32 to index
          %get3A_368 = arith.constant 0 : index
          %get3A_369 = tpu.vector_load %arg17[%get3A_367, %get3A_368] {strides = array<i32>} : memref<128x64xf32, #tpu.memory_space<vmem>>, vector<16xf32>,
          %mul3A_370 = arith.mulf %get3A_369, %gather3A_366 : vector<16xf32>
          %swap3A_371 = arith.index_cast %scan3A_364 : i32 to index
          %swap3A_372 = arith.constant 0 : index
          %swap3A_373 = tpu.vector_load %arg17[%swap3A_371, %swap3A_372] {strides = array<i32>} : memref<128x64xf32, #tpu.memory_space<vmem>>, vector<16xf32>,
          tpu.vector_store %arg17[%swap3A_371, %swap3A_372], %mul3A_370 {strides = array<i32>} : memref<128x64xf32, #tpu.memory_space<vmem>>, vector<16xf32>,
          %get3A_374 = arith.index_cast %scan3A_364 : i32 to index
          %get3A_375 = arith.constant 16 : index
          %get3A_376 = tpu.vector_load %arg17[%get3A_374, %get3A_375] {strides = array<i32>} : memref<128x64xf32, #tpu.memory_space<vmem>>, vector<16xf32>,
          %mul3A_377 = arith.mulf %get3A_376, %gather3A_366 : vector<16xf32>
          %swap3A_378 = arith.index_cast %scan3A_364 : i32 to index
          %swap3A_379 = arith.constant 16 : index
          %swap3A_380 = tpu.vector_load %arg17[%swap3A_378, %swap3A_379] {strides = array<i32>} : memref<128x64xf32, #tpu.memory_space<vmem>>, vector<16xf32>,
          tpu.vector_store %arg17[%swap3A_378, %swap3A_379], %mul3A_377 {strides = array<i32>} : memref<128x64xf32, #tpu.memory_space<vmem>>, vector<16xf32>,
          %get3A_381 = arith.index_cast %scan3A_364 : i32 to index
          %get3A_382 = arith.constant 32 : index
          %get3A_383 = tpu.vector_load %arg17[%get3A_381, %get3A_382] {strides = array<i32>} : memref<128x64xf32, #tpu.memory_space<vmem>>, vector<16xf32>,
          %mul3A_384 = arith.mulf %get3A_383, %gather3A_366 : vector<16xf32>
          %swap3A_385 = arith.index_cast %scan3A_364 : i32 to index
          %swap3A_386 = arith.constant 32 : index
          %swap3A_387 = tpu.vector_load %arg17[%swap3A_385, %swap3A_386] {strides = array<i32>} : memref<128x64xf32, #tpu.memory_space<vmem>>, vector<16xf32>,
          tpu.vector_store %arg17[%swap3A_385, %swap3A_386], %mul3A_384 {strides = array<i32>} : memref<128x64xf32, #tpu.memory_space<vmem>>, vector<16xf32>,
          %get3A_388 = arith.index_cast %scan3A_364 : i32 to index
          %get3A_389 = arith.constant 48 : index
          %get3A_390 = tpu.vector_load %arg17[%get3A_388, %get3A_389] {strides = array<i32>} : memref<128x64xf32, #tpu.memory_space<vmem>>, vector<16xf32>,
          %mul3A_391 = arith.mulf %get3A_390, %gather3A_366 : vector<16xf32>
          %swap3A_392 = arith.index_cast %scan3A_364 : i32 to index
          %swap3A_393 = arith.constant 48 : index
          %swap3A_394 = tpu.vector_load %arg17[%swap3A_392, %swap3A_393] {strides = array<i32>} : memref<128x64xf32, #tpu.memory_space<vmem>>, vector<16xf32>,
          tpu.vector_store %arg17[%swap3A_392, %swap3A_393], %mul3A_391 {strides = array<i32>} : memref<128x64xf32, #tpu.memory_space<vmem>>, vector<16xf32>,
        }
        %scan3A_363 = arith.constant 128 : i32
        "tpu.region"() ({
          %run_scoped3A = tpu.sem_alloc : memref<!tpu.dma_semaphore, #tpu.memory_space<semaphore_mem>>
          %dma_start3A_364 = arith.constant 0 : i32
          %dma_start3A_365 = tpu.memref_slice %arg15[%scan3A_75, %dma_start3A_364] : memref<40x128xi32, #tpu.memory_space<vmem>> -> memref<1x128xi32, #tpu.memory_space<vmem>>
          %dma_start3A_366 = tpu.memref_squeeze %dma_start3A_365 : memref<1x128xi32, #tpu.memory_space<vmem>> -> memref<128xi32, #tpu.memory_space<vmem>>
          %dma_start3A_367 = arith.constant 0 : i32
          %dma_start3A_368 = arith.constant 0 : i32
          %dma_start3A_369 = tpu.memref_slice %arg20[%dma_start3A_367, %dma_start3A_368] : memref<10240x64xf32, #tpu.memory_space<vmem_shared>> -> memref<10240x64xf32, #tpu.memory_space<vmem_shared>>
          tpu.enqueue_indirect_dma source(%arg17 : memref<128x64xf32, #tpu.memory_space<vmem>>) target(%dma_start3A_369 : memref<10240x64xf32, #tpu.memory_space<vmem_shared>>) offsets(%dma_start3A_366 : memref<128xi32, #tpu.memory_space<vmem>>) semaphore(%run_scoped3A : memref<!tpu.dma_semaphore, #tpu.memory_space<semaphore_mem>>) {add = true}
          %dma_wait3A_370 = arith.constant 0 : i32
          %dma_wait3A_371 = tpu.memref_slice %arg15[%scan3A_75, %dma_wait3A_370] : memref<40x128xi32, #tpu.memory_space<vmem>> -> memref<1x128xi32, #tpu.memory_space<vmem>>
          %dma_wait3A_372 = tpu.memref_squeeze %dma_wait3A_371 : memref<1x128xi32, #tpu.memory_space<vmem>> -> memref<128xi32, #tpu.memory_space<vmem>>
          %dma_wait3A_373 = arith.constant 0 : i32
          %dma_wait3A_374 = arith.constant 0 : i32
          %dma_wait3A_375 = tpu.memref_slice %arg20[%dma_wait3A_373, %dma_wait3A_374] : memref<10240x64xf32, #tpu.memory_space<vmem_shared>> -> memref<10240x64xf32, #tpu.memory_space<vmem_shared>>
          tpu.wait_indirect_dma semaphore(%run_scoped3A : memref<!tpu.dma_semaphore, #tpu.memory_space<semaphore_mem>>) src(%arg17 : memref<128x64xf32, #tpu.memory_space<vmem>>) dst(%dma_wait3A_375 : memref<10240x64xf32, #tpu.memory_space<vmem_shared>>)
          tpu.yield
        }) : () -> ()
        "tpu.region"() ({
          %run_scoped3A = tpu.sem_alloc : memref<!tpu.dma_semaphore, #tpu.memory_space<semaphore_mem>>
          %dma_start3A_364 = arith.constant 0 : i32
          %dma_start3A_365 = tpu.memref_slice %arg15[%scan3A_75, %dma_start3A_364] : memref<40x128xi32, #tpu.memory_space<vmem>> -> memref<1x128xi32, #tpu.memory_space<vmem>>
          %dma_start3A_366 = tpu.memref_squeeze %dma_start3A_365 : memref<1x128xi32, #tpu.memory_space<vmem>> -> memref<128xi32, #tpu.memory_space<vmem>>
          %dma_start3A_367 = arith.constant 0 : i32
          %dma_start3A_368 = tpu.memref_slice %arg21[%dma_start3A_367] : memref<10240xf32, #tpu.memory_space<vmem_shared>> -> memref<10240xf32, #tpu.memory_space<vmem_shared>>
          tpu.enqueue_indirect_dma source(%arg18 : memref<128xf32, #tpu.memory_space<vmem>>) target(%dma_start3A_368 : memref<10240xf32, #tpu.memory_space<vmem_shared>>) offsets(%dma_start3A_366 : memref<128xi32, #tpu.memory_space<vmem>>) semaphore(%run_scoped3A : memref<!tpu.dma_semaphore, #tpu.memory_space<semaphore_mem>>) {add = true}
          %dma_wait3A_369 = arith.constant 0 : i32
          %dma_wait3A_370 = tpu.memref_slice %arg15[%scan3A_75, %dma_wait3A_369] : memref<40x128xi32, #tpu.memory_space<vmem>> -> memref<1x128xi32, #tpu.memory_space<vmem>>
          %dma_wait3A_371 = tpu.memref_squeeze %dma_wait3A_370 : memref<1x128xi32, #tpu.memory_space<vmem>> -> memref<128xi32, #tpu.memory_space<vmem>>
          %dma_wait3A_372 = arith.constant 0 : i32
          %dma_wait3A_373 = tpu.memref_slice %arg21[%dma_wait3A_372] : memref<10240xf32, #tpu.memory_space<vmem_shared>> -> memref<10240xf32, #tpu.memory_space<vmem_shared>>
          tpu.wait_indirect_dma semaphore(%run_scoped3A : memref<!tpu.dma_semaphore, #tpu.memory_space<semaphore_mem>>) src(%arg18 : memref<128xf32, #tpu.memory_space<vmem>>) dst(%dma_wait3A_373 : memref<10240xf32, #tpu.memory_space<vmem_shared>>)
          tpu.yield
        }) : () -> ()
      }
      %scan3A_74 = arith.constant 40 : i32
    }
    %scan3A_45 = arith.constant 2 : i32
    %barrier3A_46 = arith.constant 0 : index
    tpu.barrier barrier_id(%barrier3A_46)
    %mul3A_47 = arith.constant 640 : i32
    %mul3A_48 = arith.muli %arg1, %mul3A_47 : i32
    %mul3A_49 = arith.constant 640 : i32
    %mul3A_50 = arith.muli %arg1, %mul3A_49 : i32
    "tpu.region"() ({
      %run_scoped3A = tpu.sem_alloc : memref<!tpu.dma_semaphore, #tpu.memory_space<semaphore_mem>>
      %dma_start3A = arith.constant 0 : i32
      %dma_start3A_55 = tpu.memref_slice %arg9[%arg0, %mul3A_50, %dma_start3A] : memref<2x10240x64xf32, #tpu.memory_space<hbm>> -> memref<1x640x64xf32, #tpu.memory_space<hbm>>
      %dma_start3A_56 = tpu.memref_squeeze %dma_start3A_55 : memref<1x640x64xf32, #tpu.memory_space<hbm>> -> memref<640x64xf32, #tpu.memory_space<hbm>>
      %dma_start3A_57 = arith.constant 0 : i32
      %dma_start3A_58 = tpu.memref_slice %arg20[%mul3A_48, %dma_start3A_57] : memref<10240x64xf32, #tpu.memory_space<vmem_shared>> -> memref<640x64xf32, #tpu.memory_space<vmem_shared>>
      tpu.enqueue_dma source(%dma_start3A_58 : memref<640x64xf32, #tpu.memory_space<vmem_shared>>) target(%dma_start3A_56 : memref<640x64xf32, #tpu.memory_space<hbm>>) target_semaphore(%run_scoped3A : memref<!tpu.dma_semaphore, #tpu.memory_space<semaphore_mem>>)
      %dma_wait3A = arith.constant 0 : i32
      %dma_wait3A_59 = tpu.memref_slice %arg9[%arg0, %mul3A_50, %dma_wait3A] : memref<2x10240x64xf32, #tpu.memory_space<hbm>> -> memref<1x640x64xf32, #tpu.memory_space<hbm>>
      %dma_wait3A_60 = tpu.memref_squeeze %dma_wait3A_59 : memref<1x640x64xf32, #tpu.memory_space<hbm>> -> memref<640x64xf32, #tpu.memory_space<hbm>>
      %dma_wait3A_61 = arith.constant 0 : i32
      %dma_wait3A_62 = tpu.memref_slice %arg20[%mul3A_48, %dma_wait3A_61] : memref<10240x64xf32, #tpu.memory_space<vmem_shared>> -> memref<640x64xf32, #tpu.memory_space<vmem_shared>>
      tpu.wait_dma2 semaphore(%run_scoped3A : memref<!tpu.dma_semaphore, #tpu.memory_space<semaphore_mem>>) src(%dma_wait3A_62 : memref<640x64xf32, #tpu.memory_space<vmem_shared>>) dst(%dma_wait3A_60 : memref<640x64xf32, #tpu.memory_space<hbm>>)
      tpu.yield
    }) : () -> ()
    %mul3A_51 = arith.constant 640 : i32
    %mul3A_52 = arith.muli %arg1, %mul3A_51 : i32
    %mul3A_53 = arith.constant 640 : i32
    %mul3A_54 = arith.muli %arg1, %mul3A_53 : i32
    "tpu.region"() ({
      %run_scoped3A = tpu.sem_alloc : memref<!tpu.dma_semaphore, #tpu.memory_space<semaphore_mem>>
      %dma_start3A = tpu.memref_slice %arg10[%arg0, %mul3A_54] : memref<2x10240xf32, #tpu.memory_space<hbm>> -> memref<1x640xf32, #tpu.memory_space<hbm>>
      %dma_start3A_55 = tpu.memref_squeeze %dma_start3A : memref<1x640xf32, #tpu.memory_space<hbm>> -> memref<640xf32, #tpu.memory_space<hbm>>
      %dma_start3A_56 = tpu.memref_slice %arg21[%mul3A_52] : memref<10240xf32, #tpu.memory_space<vmem_shared>> -> memref<640xf32, #tpu.memory_space<vmem_shared>>
      tpu.enqueue_dma source(%dma_start3A_56 : memref<640xf32, #tpu.memory_space<vmem_shared>>) target(%dma_start3A_55 : memref<640xf32, #tpu.memory_space<hbm>>) target_semaphore(%run_scoped3A : memref<!tpu.dma_semaphore, #tpu.memory_space<semaphore_mem>>)
      %dma_wait3A = tpu.memref_slice %arg10[%arg0, %mul3A_54] : memref<2x10240xf32, #tpu.memory_space<hbm>> -> memref<1x640xf32, #tpu.memory_space<hbm>>
      %dma_wait3A_57 = tpu.memref_squeeze %dma_wait3A : memref<1x640xf32, #tpu.memory_space<hbm>> -> memref<640xf32, #tpu.memory_space<hbm>>
      %dma_wait3A_58 = tpu.memref_slice %arg21[%mul3A_52] : memref<10240xf32, #tpu.memory_space<vmem_shared>> -> memref<640xf32, #tpu.memory_space<vmem_shared>>
      tpu.wait_dma2 semaphore(%run_scoped3A : memref<!tpu.dma_semaphore, #tpu.memory_space<semaphore_mem>>) src(%dma_wait3A_58 : memref<640xf32, #tpu.memory_space<vmem_shared>>) dst(%dma_wait3A_57 : memref<640xf32, #tpu.memory_space<hbm>>)
      tpu.yield
    }) : () -> ()
    return
  }
}

#map = affine_map<(d0, d1) -> (0)>
#map1 = affine_map<(d0, d1) -> (0, 0)>
#map2 = affine_map<(d0, d1) -> (0, 0, 0)>
module attributes {stable_mosaic.version = 14 : i64} {
  func.func @_sc_edge_body(%arg0: i32, %arg1: i32, %arg2: memref<16xf32, #tpu.memory_space<hbm>>, %arg3: memref<10240xf32, #tpu.memory_space<hbm>>, %arg4: memref<10240xf32, #tpu.memory_space<hbm>>, %arg5: memref<10240x64xf32, #tpu.memory_space<hbm>>, %arg6: memref<32x80x128xi32, #tpu.memory_space<hbm>>, %arg7: memref<32x80x128xi32, #tpu.memory_space<hbm>>, %arg8: memref<32x80x128xf32, #tpu.memory_space<hbm>>, %arg9: memref<2x10240x64xf32, #tpu.memory_space<hbm>>, %arg10: memref<2x10240xf32, #tpu.memory_space<hbm>>, %arg11: memref<16xf32, #tpu.memory_space<vmem>>, %arg12: memref<10240xf32, #tpu.memory_space<vmem>>, %arg13: memref<10240xf32, #tpu.memory_space<vmem>>, %arg14: memref<40x128xi32, #tpu.memory_space<vmem>>, %arg15: memref<40x128xi32, #tpu.memory_space<vmem>>, %arg16: memref<40x128xf32, #tpu.memory_space<vmem>>, %arg17: memref<128x64xf32, #tpu.memory_space<vmem>>, %arg18: memref<128xf32, #tpu.memory_space<vmem>>, %arg19: memref<640xf32, #tpu.memory_space<vmem>>, %arg20: memref<10240x64xf32, #tpu.memory_space<vmem_shared>>, %arg21: memref<10240xf32, #tpu.memory_space<vmem_shared>>, %arg22: memref<10240x64xf32, #tpu.memory_space<vmem_shared>>, %arg23: memref<!tpu.dma_semaphore, #tpu.memory_space<semaphore_mem>>) attributes {dimension_semantics = [#tpu.dimension_semantics<core_parallel>, #tpu.dimension_semantics<subcore_parallel>], iteration_bounds = array<i64: 2, 16>, scalar_prefetch = 0 : i64, scratch_operands = 13 : i64, tpu.core_type = #tpu.core_type<sc_vector_subcore>, window_params = [{transform_indices = #map}, {transform_indices = #map}, {transform_indices = #map}, {transform_indices = #map1}, {transform_indices = #map2}, {transform_indices = #map2}, {transform_indices = #map2}, {transform_indices = #map2}, {transform_indices = #map1}]} {
    %mul3A = arith.constant 2 : i32
    %mul3A_0 = arith.muli %arg1, %mul3A : i32
    %add3A = arith.addi %mul3A_0, %arg0 : i32
    "tpu.region"() ({
      %run_scoped3A = tpu.sem_alloc : memref<!tpu.dma_semaphore, #tpu.memory_space<semaphore_mem>>
      tpu.enqueue_dma source(%arg2 : memref<16xf32, #tpu.memory_space<hbm>>) target(%arg11 : memref<16xf32, #tpu.memory_space<vmem>>) target_semaphore(%run_scoped3A : memref<!tpu.dma_semaphore, #tpu.memory_space<semaphore_mem>>)
      tpu.wait_dma2 semaphore(%run_scoped3A : memref<!tpu.dma_semaphore, #tpu.memory_space<semaphore_mem>>) src(%arg2 : memref<16xf32, #tpu.memory_space<hbm>>) dst(%arg11 : memref<16xf32, #tpu.memory_space<vmem>>)
      tpu.yield
    }) : () -> ()
    "tpu.region"() ({
      %run_scoped3A = tpu.sem_alloc : memref<!tpu.dma_semaphore, #tpu.memory_space<semaphore_mem>>
      tpu.enqueue_dma source(%arg3 : memref<10240xf32, #tpu.memory_space<hbm>>) target(%arg12 : memref<10240xf32, #tpu.memory_space<vmem>>) target_semaphore(%run_scoped3A : memref<!tpu.dma_semaphore, #tpu.memory_space<semaphore_mem>>)
      tpu.wait_dma2 semaphore(%run_scoped3A : memref<!tpu.dma_semaphore, #tpu.memory_space<semaphore_mem>>) src(%arg3 : memref<10240xf32, #tpu.memory_space<hbm>>) dst(%arg12 : memref<10240xf32, #tpu.memory_space<vmem>>)
      tpu.yield
    }) : () -> ()
    "tpu.region"() ({
      %run_scoped3A = tpu.sem_alloc : memref<!tpu.dma_semaphore, #tpu.memory_space<semaphore_mem>>
      tpu.enqueue_dma source(%arg4 : memref<10240xf32, #tpu.memory_space<hbm>>) target(%arg13 : memref<10240xf32, #tpu.memory_space<vmem>>) target_semaphore(%run_scoped3A : memref<!tpu.dma_semaphore, #tpu.memory_space<semaphore_mem>>)
      tpu.wait_dma2 semaphore(%run_scoped3A : memref<!tpu.dma_semaphore, #tpu.memory_space<semaphore_mem>>) src(%arg4 : memref<10240xf32, #tpu.memory_space<hbm>>) dst(%arg13 : memref<10240xf32, #tpu.memory_space<vmem>>)
      tpu.yield
    }) : () -> ()
    %mul3A_1 = arith.constant 640 : i32
    %mul3A_2 = arith.muli %arg1, %mul3A_1 : i32
    %mul3A_3 = arith.constant 640 : i32
    %mul3A_4 = arith.muli %arg1, %mul3A_3 : i32
    "tpu.region"() ({
      %run_scoped3A = tpu.sem_alloc : memref<!tpu.dma_semaphore, #tpu.memory_space<semaphore_mem>>
      %dma_start3A = arith.constant 0 : i32
      %dma_start3A_55 = tpu.memref_slice %arg22[%mul3A_4, %dma_start3A] : memref<10240x64xf32, #tpu.memory_space<vmem_shared>> -> memref<640x64xf32, #tpu.memory_space<vmem_shared>>
      %dma_start3A_56 = arith.constant 0 : i32
      %dma_start3A_57 = tpu.memref_slice %arg5[%mul3A_2, %dma_start3A_56] : memref<10240x64xf32, #tpu.memory_space<hbm>> -> memref<640x64xf32, #tpu.memory_space<hbm>>
      tpu.enqueue_dma source(%dma_start3A_57 : memref<640x64xf32, #tpu.memory_space<hbm>>) target(%dma_start3A_55 : memref<640x64xf32, #tpu.memory_space<vmem_shared>>) target_semaphore(%run_scoped3A : memref<!tpu.dma_semaphore, #tpu.memory_space<semaphore_mem>>)
      %dma_wait3A = arith.constant 0 : i32
      %dma_wait3A_58 = tpu.memref_slice %arg22[%mul3A_4, %dma_wait3A] : memref<10240x64xf32, #tpu.memory_space<vmem_shared>> -> memref<640x64xf32, #tpu.memory_space<vmem_shared>>
      %dma_wait3A_59 = arith.constant 0 : i32
      %dma_wait3A_60 = tpu.memref_slice %arg5[%mul3A_2, %dma_wait3A_59] : memref<10240x64xf32, #tpu.memory_space<hbm>> -> memref<640x64xf32, #tpu.memory_space<hbm>>
      tpu.wait_dma2 semaphore(%run_scoped3A : memref<!tpu.dma_semaphore, #tpu.memory_space<semaphore_mem>>) src(%dma_wait3A_60 : memref<640x64xf32, #tpu.memory_space<hbm>>) dst(%dma_wait3A_58 : memref<640x64xf32, #tpu.memory_space<vmem_shared>>)
      tpu.yield
    }) : () -> ()
    %broadcast_in_dim3A = arith.constant 0.000000e+00 : f32
    %broadcast_in_dim3A_5 = vector.broadcast %broadcast_in_dim3A : f32 to vector<16xf32>
    %scan3A = arith.constant 0 : i32
    %scan3A_6 = arith.constant 0 : i32
    %scan3A_7 = arith.constant 128 : i32
    %scan3A_8 = arith.addi %scan3A_6, %scan3A_7 : i32
    %scan3A_9 = arith.constant 1 : i32
    scf.for %scan3A_55 = %scan3A_6 to %scan3A_8 step %scan3A_9  : i32 {
      %swap3A = arith.index_cast %scan3A_55 : i32 to index
      %swap3A_56 = arith.constant 0 : index
      %swap3A_57 = tpu.vector_load %arg17[%swap3A, %swap3A_56] {strides = array<i32>} : memref<128x64xf32, #tpu.memory_space<vmem>>, vector<16xf32>,
      tpu.vector_store %arg17[%swap3A, %swap3A_56], %broadcast_in_dim3A_5 {strides = array<i32>} : memref<128x64xf32, #tpu.memory_space<vmem>>, vector<16xf32>,
      %swap3A_58 = arith.index_cast %scan3A_55 : i32 to index
      %swap3A_59 = arith.constant 16 : index
      %swap3A_60 = tpu.vector_load %arg17[%swap3A_58, %swap3A_59] {strides = array<i32>} : memref<128x64xf32, #tpu.memory_space<vmem>>, vector<16xf32>,
      tpu.vector_store %arg17[%swap3A_58, %swap3A_59], %broadcast_in_dim3A_5 {strides = array<i32>} : memref<128x64xf32, #tpu.memory_space<vmem>>, vector<16xf32>,
      %swap3A_61 = arith.index_cast %scan3A_55 : i32 to index
      %swap3A_62 = arith.constant 32 : index
      %swap3A_63 = tpu.vector_load %arg17[%swap3A_61, %swap3A_62] {strides = array<i32>} : memref<128x64xf32, #tpu.memory_space<vmem>>, vector<16xf32>,
      tpu.vector_store %arg17[%swap3A_61, %swap3A_62], %broadcast_in_dim3A_5 {strides = array<i32>} : memref<128x64xf32, #tpu.memory_space<vmem>>, vector<16xf32>,
      %swap3A_64 = arith.index_cast %scan3A_55 : i32 to index
      %swap3A_65 = arith.constant 48 : index
      %swap3A_66 = tpu.vector_load %arg17[%swap3A_64, %swap3A_65] {strides = array<i32>} : memref<128x64xf32, #tpu.memory_space<vmem>>, vector<16xf32>,
      tpu.vector_store %arg17[%swap3A_64, %swap3A_65], %broadcast_in_dim3A_5 {strides = array<i32>} : memref<128x64xf32, #tpu.memory_space<vmem>>, vector<16xf32>,
    }
    %scan3A_10 = arith.constant 128 : i32
    %scan3A_11 = arith.constant 0 : i32
    %scan3A_12 = arith.constant 0 : i32
    %scan3A_13 = arith.constant 40 : i32
    %scan3A_14 = arith.addi %scan3A_12, %scan3A_13 : i32
    %scan3A_15 = arith.constant 1 : i32
    scf.for %scan3A_55 = %scan3A_12 to %scan3A_14 step %scan3A_15  : i32 {
      %mul3A_56 = arith.constant 16 : i32
      %mul3A_57 = arith.muli %scan3A_55, %mul3A_56 : i32
      %swap3A = arith.index_cast %mul3A_57 : i32 to index
      %swap3A_58 = tpu.vector_load %arg19[%swap3A] {strides = array<i32>} : memref<640xf32, #tpu.memory_space<vmem>>, vector<16xf32>,
      tpu.vector_store %arg19[%swap3A], %broadcast_in_dim3A_5 {strides = array<i32>} : memref<640xf32, #tpu.memory_space<vmem>>, vector<16xf32>,
    }
    %scan3A_16 = arith.constant 40 : i32
    %mul3A_17 = arith.constant 640 : i32
    %mul3A_18 = arith.muli %arg1, %mul3A_17 : i32
    %add3A_19 = arith.constant 0 : i32
    %add3A_20 = arith.addi %mul3A_18, %add3A_19 : i32
    "tpu.region"() ({
      %run_scoped3A = tpu.sem_alloc : memref<!tpu.dma_semaphore, #tpu.memory_space<semaphore_mem>>
      %dma_start3A = arith.constant 0 : i32
      %dma_start3A_55 = tpu.memref_slice %arg20[%add3A_20, %dma_start3A] : memref<10240x64xf32, #tpu.memory_space<vmem_shared>> -> memref<128x64xf32, #tpu.memory_space<vmem_shared>>
      %dma_start3A_56 = arith.constant 0 : i32
      %dma_start3A_57 = tpu.memref_slice %arg20[%add3A_20, %dma_start3A_56] : memref<10240x64xf32, #tpu.memory_space<vmem_shared>> -> memref<128x64xf32, #tpu.memory_space<vmem_shared>>
      tpu.enqueue_dma source(%arg17 : memref<128x64xf32, #tpu.memory_space<vmem>>) target(%dma_start3A_57 : memref<128x64xf32, #tpu.memory_space<vmem_shared>>) target_semaphore(%run_scoped3A : memref<!tpu.dma_semaphore, #tpu.memory_space<semaphore_mem>>)
      %dma_wait3A = arith.constant 0 : i32
      %dma_wait3A_58 = tpu.memref_slice %arg20[%add3A_20, %dma_wait3A] : memref<10240x64xf32, #tpu.memory_space<vmem_shared>> -> memref<128x64xf32, #tpu.memory_space<vmem_shared>>
      %dma_wait3A_59 = arith.constant 0 : i32
      %dma_wait3A_60 = tpu.memref_slice %arg20[%add3A_20, %dma_wait3A_59] : memref<10240x64xf32, #tpu.memory_space<vmem_shared>> -> memref<128x64xf32, #tpu.memory_space<vmem_shared>>
      tpu.wait_dma2 semaphore(%run_scoped3A : memref<!tpu.dma_semaphore, #tpu.memory_space<semaphore_mem>>) src(%arg17 : memref<128x64xf32, #tpu.memory_space<vmem>>) dst(%dma_wait3A_60 : memref<128x64xf32, #tpu.memory_space<vmem_shared>>)
      tpu.yield
    }) : () -> ()
    %mul3A_21 = arith.constant 640 : i32
    %mul3A_22 = arith.muli %arg1, %mul3A_21 : i32
    %add3A_23 = arith.constant 128 : i32
    %add3A_24 = arith.addi %mul3A_22, %add3A_23 : i32
    "tpu.region"() ({
      %run_scoped3A = tpu.sem_alloc : memref<!tpu.dma_semaphore, #tpu.memory_space<semaphore_mem>>
      %dma_start3A = arith.constant 0 : i32
      %dma_start3A_55 = tpu.memref_slice %arg20[%add3A_24, %dma_start3A] : memref<10240x64xf32, #tpu.memory_space<vmem_shared>> -> memref<128x64xf32, #tpu.memory_space<vmem_shared>>
      %dma_start3A_56 = arith.constant 0 : i32
      %dma_start3A_57 = tpu.memref_slice %arg20[%add3A_24, %dma_start3A_56] : memref<10240x64xf32, #tpu.memory_space<vmem_shared>> -> memref<128x64xf32, #tpu.memory_space<vmem_shared>>
      tpu.enqueue_dma source(%arg17 : memref<128x64xf32, #tpu.memory_space<vmem>>) target(%dma_start3A_57 : memref<128x64xf32, #tpu.memory_space<vmem_shared>>) target_semaphore(%run_scoped3A : memref<!tpu.dma_semaphore, #tpu.memory_space<semaphore_mem>>)
      %dma_wait3A = arith.constant 0 : i32
      %dma_wait3A_58 = tpu.memref_slice %arg20[%add3A_24, %dma_wait3A] : memref<10240x64xf32, #tpu.memory_space<vmem_shared>> -> memref<128x64xf32, #tpu.memory_space<vmem_shared>>
      %dma_wait3A_59 = arith.constant 0 : i32
      %dma_wait3A_60 = tpu.memref_slice %arg20[%add3A_24, %dma_wait3A_59] : memref<10240x64xf32, #tpu.memory_space<vmem_shared>> -> memref<128x64xf32, #tpu.memory_space<vmem_shared>>
      tpu.wait_dma2 semaphore(%run_scoped3A : memref<!tpu.dma_semaphore, #tpu.memory_space<semaphore_mem>>) src(%arg17 : memref<128x64xf32, #tpu.memory_space<vmem>>) dst(%dma_wait3A_60 : memref<128x64xf32, #tpu.memory_space<vmem_shared>>)
      tpu.yield
    }) : () -> ()
    %mul3A_25 = arith.constant 640 : i32
    %mul3A_26 = arith.muli %arg1, %mul3A_25 : i32
    %add3A_27 = arith.constant 256 : i32
    %add3A_28 = arith.addi %mul3A_26, %add3A_27 : i32
    "tpu.region"() ({
      %run_scoped3A = tpu.sem_alloc : memref<!tpu.dma_semaphore, #tpu.memory_space<semaphore_mem>>
      %dma_start3A = arith.constant 0 : i32
      %dma_start3A_55 = tpu.memref_slice %arg20[%add3A_28, %dma_start3A] : memref<10240x64xf32, #tpu.memory_space<vmem_shared>> -> memref<128x64xf32, #tpu.memory_space<vmem_shared>>
      %dma_start3A_56 = arith.constant 0 : i32
      %dma_start3A_57 = tpu.memref_slice %arg20[%add3A_28, %dma_start3A_56] : memref<10240x64xf32, #tpu.memory_space<vmem_shared>> -> memref<128x64xf32, #tpu.memory_space<vmem_shared>>
      tpu.enqueue_dma source(%arg17 : memref<128x64xf32, #tpu.memory_space<vmem>>) target(%dma_start3A_57 : memref<128x64xf32, #tpu.memory_space<vmem_shared>>) target_semaphore(%run_scoped3A : memref<!tpu.dma_semaphore, #tpu.memory_space<semaphore_mem>>)
      %dma_wait3A = arith.constant 0 : i32
      %dma_wait3A_58 = tpu.memref_slice %arg20[%add3A_28, %dma_wait3A] : memref<10240x64xf32, #tpu.memory_space<vmem_shared>> -> memref<128x64xf32, #tpu.memory_space<vmem_shared>>
      %dma_wait3A_59 = arith.constant 0 : i32
      %dma_wait3A_60 = tpu.memref_slice %arg20[%add3A_28, %dma_wait3A_59] : memref<10240x64xf32, #tpu.memory_space<vmem_shared>> -> memref<128x64xf32, #tpu.memory_space<vmem_shared>>
      tpu.wait_dma2 semaphore(%run_scoped3A : memref<!tpu.dma_semaphore, #tpu.memory_space<semaphore_mem>>) src(%arg17 : memref<128x64xf32, #tpu.memory_space<vmem>>) dst(%dma_wait3A_60 : memref<128x64xf32, #tpu.memory_space<vmem_shared>>)
      tpu.yield
    }) : () -> ()
    %mul3A_29 = arith.constant 640 : i32
    %mul3A_30 = arith.muli %arg1, %mul3A_29 : i32
    %add3A_31 = arith.constant 384 : i32
    %add3A_32 = arith.addi %mul3A_30, %add3A_31 : i32
    "tpu.region"() ({
      %run_scoped3A = tpu.sem_alloc : memref<!tpu.dma_semaphore, #tpu.memory_space<semaphore_mem>>
      %dma_start3A = arith.constant 0 : i32
      %dma_start3A_55 = tpu.memref_slice %arg20[%add3A_32, %dma_start3A] : memref<10240x64xf32, #tpu.memory_space<vmem_shared>> -> memref<128x64xf32, #tpu.memory_space<vmem_shared>>
      %dma_start3A_56 = arith.constant 0 : i32
      %dma_start3A_57 = tpu.memref_slice %arg20[%add3A_32, %dma_start3A_56] : memref<10240x64xf32, #tpu.memory_space<vmem_shared>> -> memref<128x64xf32, #tpu.memory_space<vmem_shared>>
      tpu.enqueue_dma source(%arg17 : memref<128x64xf32, #tpu.memory_space<vmem>>) target(%dma_start3A_57 : memref<128x64xf32, #tpu.memory_space<vmem_shared>>) target_semaphore(%run_scoped3A : memref<!tpu.dma_semaphore, #tpu.memory_space<semaphore_mem>>)
      %dma_wait3A = arith.constant 0 : i32
      %dma_wait3A_58 = tpu.memref_slice %arg20[%add3A_32, %dma_wait3A] : memref<10240x64xf32, #tpu.memory_space<vmem_shared>> -> memref<128x64xf32, #tpu.memory_space<vmem_shared>>
      %dma_wait3A_59 = arith.constant 0 : i32
      %dma_wait3A_60 = tpu.memref_slice %arg20[%add3A_32, %dma_wait3A_59] : memref<10240x64xf32, #tpu.memory_space<vmem_shared>> -> memref<128x64xf32, #tpu.memory_space<vmem_shared>>
      tpu.wait_dma2 semaphore(%run_scoped3A : memref<!tpu.dma_semaphore, #tpu.memory_space<semaphore_mem>>) src(%arg17 : memref<128x64xf32, #tpu.memory_space<vmem>>) dst(%dma_wait3A_60 : memref<128x64xf32, #tpu.memory_space<vmem_shared>>)
      tpu.yield
    }) : () -> ()
    %mul3A_33 = arith.constant 640 : i32
    %mul3A_34 = arith.muli %arg1, %mul3A_33 : i32
    %add3A_35 = arith.constant 512 : i32
    %add3A_36 = arith.addi %mul3A_34, %add3A_35 : i32
    "tpu.region"() ({
      %run_scoped3A = tpu.sem_alloc : memref<!tpu.dma_semaphore, #tpu.memory_space<semaphore_mem>>
      %dma_start3A = arith.constant 0 : i32
      %dma_start3A_55 = tpu.memref_slice %arg20[%add3A_36, %dma_start3A] : memref<10240x64xf32, #tpu.memory_space<vmem_shared>> -> memref<128x64xf32, #tpu.memory_space<vmem_shared>>
      %dma_start3A_56 = arith.constant 0 : i32
      %dma_start3A_57 = tpu.memref_slice %arg20[%add3A_36, %dma_start3A_56] : memref<10240x64xf32, #tpu.memory_space<vmem_shared>> -> memref<128x64xf32, #tpu.memory_space<vmem_shared>>
      tpu.enqueue_dma source(%arg17 : memref<128x64xf32, #tpu.memory_space<vmem>>) target(%dma_start3A_57 : memref<128x64xf32, #tpu.memory_space<vmem_shared>>) target_semaphore(%run_scoped3A : memref<!tpu.dma_semaphore, #tpu.memory_space<semaphore_mem>>)
      %dma_wait3A = arith.constant 0 : i32
      %dma_wait3A_58 = tpu.memref_slice %arg20[%add3A_36, %dma_wait3A] : memref<10240x64xf32, #tpu.memory_space<vmem_shared>> -> memref<128x64xf32, #tpu.memory_space<vmem_shared>>
      %dma_wait3A_59 = arith.constant 0 : i32
      %dma_wait3A_60 = tpu.memref_slice %arg20[%add3A_36, %dma_wait3A_59] : memref<10240x64xf32, #tpu.memory_space<vmem_shared>> -> memref<128x64xf32, #tpu.memory_space<vmem_shared>>
      tpu.wait_dma2 semaphore(%run_scoped3A : memref<!tpu.dma_semaphore, #tpu.memory_space<semaphore_mem>>) src(%arg17 : memref<128x64xf32, #tpu.memory_space<vmem>>) dst(%dma_wait3A_60 : memref<128x64xf32, #tpu.memory_space<vmem_shared>>)
      tpu.yield
    }) : () -> ()
    %mul3A_37 = arith.constant 640 : i32
    %mul3A_38 = arith.muli %arg1, %mul3A_37 : i32
    "tpu.region"() ({
      %run_scoped3A = tpu.sem_alloc : memref<!tpu.dma_semaphore, #tpu.memory_space<semaphore_mem>>
      %dma_start3A = tpu.memref_slice %arg21[%mul3A_38] : memref<10240xf32, #tpu.memory_space<vmem_shared>> -> memref<640xf32, #tpu.memory_space<vmem_shared>>
      %dma_start3A_55 = tpu.memref_slice %arg21[%mul3A_38] : memref<10240xf32, #tpu.memory_space<vmem_shared>> -> memref<640xf32, #tpu.memory_space<vmem_shared>>
      tpu.enqueue_dma source(%arg19 : memref<640xf32, #tpu.memory_space<vmem>>) target(%dma_start3A_55 : memref<640xf32, #tpu.memory_space<vmem_shared>>) target_semaphore(%run_scoped3A : memref<!tpu.dma_semaphore, #tpu.memory_space<semaphore_mem>>)
      %dma_wait3A = tpu.memref_slice %arg21[%mul3A_38] : memref<10240xf32, #tpu.memory_space<vmem_shared>> -> memref<640xf32, #tpu.memory_space<vmem_shared>>
      %dma_wait3A_56 = tpu.memref_slice %arg21[%mul3A_38] : memref<10240xf32, #tpu.memory_space<vmem_shared>> -> memref<640xf32, #tpu.memory_space<vmem_shared>>
      tpu.wait_dma2 semaphore(%run_scoped3A : memref<!tpu.dma_semaphore, #tpu.memory_space<semaphore_mem>>) src(%arg19 : memref<640xf32, #tpu.memory_space<vmem>>) dst(%dma_wait3A_56 : memref<640xf32, #tpu.memory_space<vmem_shared>>)
      tpu.yield
    }) : () -> ()
    %barrier3A = arith.constant 0 : index
    tpu.barrier barrier_id(%barrier3A)
    %get3A = arith.constant 0 : index
    %get3A_39 = tpu.vector_load %arg11[%get3A] {strides = array<i32>} : memref<16xf32, #tpu.memory_space<vmem>>, vector<16xf32>,
    %scan3A_40 = arith.constant 0 : i32
    %scan3A_41 = arith.constant 0 : i32
    %scan3A_42 = arith.constant 2 : i32
    %scan3A_43 = arith.addi %scan3A_41, %scan3A_42 : i32
    %scan3A_44 = arith.constant 1 : i32
    scf.for %scan3A_55 = %scan3A_41 to %scan3A_43 step %scan3A_44  : i32 {
      %mul3A_56 = arith.constant 40 : i32
      %mul3A_57 = arith.muli %scan3A_55, %mul3A_56 : i32
      "tpu.region"() ({
        %run_scoped3A = tpu.sem_alloc : memref<!tpu.dma_semaphore, #tpu.memory_space<semaphore_mem>>
        %dma_start3A = arith.constant 0 : i32
        %dma_start3A_75 = tpu.memref_slice %arg6[%add3A, %mul3A_57, %dma_start3A] : memref<32x80x128xi32, #tpu.memory_space<hbm>> -> memref<1x40x128xi32, #tpu.memory_space<hbm>>
        %dma_start3A_76 = tpu.memref_squeeze %dma_start3A_75 : memref<1x40x128xi32, #tpu.memory_space<hbm>> -> memref<40x128xi32, #tpu.memory_space<hbm>>
        %dma_start3A_77 = arith.constant 0 : i32
        %dma_start3A_78 = tpu.memref_slice %arg6[%add3A, %mul3A_57, %dma_start3A_77] : memref<32x80x128xi32, #tpu.memory_space<hbm>> -> memref<1x40x128xi32, #tpu.memory_space<hbm>>
        %dma_start3A_79 = tpu.memref_squeeze %dma_start3A_78 : memref<1x40x128xi32, #tpu.memory_space<hbm>> -> memref<40x128xi32, #tpu.memory_space<hbm>>
        tpu.enqueue_dma source(%dma_start3A_79 : memref<40x128xi32, #tpu.memory_space<hbm>>) target(%arg14 : memref<40x128xi32, #tpu.memory_space<vmem>>) target_semaphore(%run_scoped3A : memref<!tpu.dma_semaphore, #tpu.memory_space<semaphore_mem>>)
        %dma_wait3A = arith.constant 0 : i32
        %dma_wait3A_80 = tpu.memref_slice %arg6[%add3A, %mul3A_57, %dma_wait3A] : memref<32x80x128xi32, #tpu.memory_space<hbm>> -> memref<1x40x128xi32, #tpu.memory_space<hbm>>
        %dma_wait3A_81 = tpu.memref_squeeze %dma_wait3A_80 : memref<1x40x128xi32, #tpu.memory_space<hbm>> -> memref<40x128xi32, #tpu.memory_space<hbm>>
        %dma_wait3A_82 = arith.constant 0 : i32
        %dma_wait3A_83 = tpu.memref_slice %arg6[%add3A, %mul3A_57, %dma_wait3A_82] : memref<32x80x128xi32, #tpu.memory_space<hbm>> -> memref<1x40x128xi32, #tpu.memory_space<hbm>>
        %dma_wait3A_84 = tpu.memref_squeeze %dma_wait3A_83 : memref<1x40x128xi32, #tpu.memory_space<hbm>> -> memref<40x128xi32, #tpu.memory_space<hbm>>
        tpu.wait_dma2 semaphore(%run_scoped3A : memref<!tpu.dma_semaphore, #tpu.memory_space<semaphore_mem>>) src(%dma_wait3A_84 : memref<40x128xi32, #tpu.memory_space<hbm>>) dst(%arg14 : memref<40x128xi32, #tpu.memory_space<vmem>>)
        tpu.yield
      }) : () -> ()
      %mul3A_58 = arith.constant 40 : i32
      %mul3A_59 = arith.muli %scan3A_55, %mul3A_58 : i32
      "tpu.region"() ({
        %run_scoped3A = tpu.sem_alloc : memref<!tpu.dma_semaphore, #tpu.memory_space<semaphore_mem>>
        %dma_start3A = arith.constant 0 : i32
        %dma_start3A_75 = tpu.memref_slice %arg7[%add3A, %mul3A_59, %dma_start3A] : memref<32x80x128xi32, #tpu.memory_space<hbm>> -> memref<1x40x128xi32, #tpu.memory_space<hbm>>
        %dma_start3A_76 = tpu.memref_squeeze %dma_start3A_75 : memref<1x40x128xi32, #tpu.memory_space<hbm>> -> memref<40x128xi32, #tpu.memory_space<hbm>>
        %dma_start3A_77 = arith.constant 0 : i32
        %dma_start3A_78 = tpu.memref_slice %arg7[%add3A, %mul3A_59, %dma_start3A_77] : memref<32x80x128xi32, #tpu.memory_space<hbm>> -> memref<1x40x128xi32, #tpu.memory_space<hbm>>
        %dma_start3A_79 = tpu.memref_squeeze %dma_start3A_78 : memref<1x40x128xi32, #tpu.memory_space<hbm>> -> memref<40x128xi32, #tpu.memory_space<hbm>>
        tpu.enqueue_dma source(%dma_start3A_79 : memref<40x128xi32, #tpu.memory_space<hbm>>) target(%arg15 : memref<40x128xi32, #tpu.memory_space<vmem>>) target_semaphore(%run_scoped3A : memref<!tpu.dma_semaphore, #tpu.memory_space<semaphore_mem>>)
        %dma_wait3A = arith.constant 0 : i32
        %dma_wait3A_80 = tpu.memref_slice %arg7[%add3A, %mul3A_59, %dma_wait3A] : memref<32x80x128xi32, #tpu.memory_space<hbm>> -> memref<1x40x128xi32, #tpu.memory_space<hbm>>
        %dma_wait3A_81 = tpu.memref_squeeze %dma_wait3A_80 : memref<1x40x128xi32, #tpu.memory_space<hbm>> -> memref<40x128xi32, #tpu.memory_space<hbm>>
        %dma_wait3A_82 = arith.constant 0 : i32
        %dma_wait3A_83 = tpu.memref_slice %arg7[%add3A, %mul3A_59, %dma_wait3A_82] : memref<32x80x128xi32, #tpu.memory_space<hbm>> -> memref<1x40x128xi32, #tpu.memory_space<hbm>>
        %dma_wait3A_84 = tpu.memref_squeeze %dma_wait3A_83 : memref<1x40x128xi32, #tpu.memory_space<hbm>> -> memref<40x128xi32, #tpu.memory_space<hbm>>
        tpu.wait_dma2 semaphore(%run_scoped3A : memref<!tpu.dma_semaphore, #tpu.memory_space<semaphore_mem>>) src(%dma_wait3A_84 : memref<40x128xi32, #tpu.memory_space<hbm>>) dst(%arg15 : memref<40x128xi32, #tpu.memory_space<vmem>>)
        tpu.yield
      }) : () -> ()
      %mul3A_60 = arith.constant 40 : i32
      %mul3A_61 = arith.muli %scan3A_55, %mul3A_60 : i32
      "tpu.region"() ({
        %run_scoped3A = tpu.sem_alloc : memref<!tpu.dma_semaphore, #tpu.memory_space<semaphore_mem>>
        %dma_start3A = arith.constant 0 : i32
        %dma_start3A_75 = tpu.memref_slice %arg8[%add3A, %mul3A_61, %dma_start3A] : memref<32x80x128xf32, #tpu.memory_space<hbm>> -> memref<1x40x128xf32, #tpu.memory_space<hbm>>
        %dma_start3A_76 = tpu.memref_squeeze %dma_start3A_75 : memref<1x40x128xf32, #tpu.memory_space<hbm>> -> memref<40x128xf32, #tpu.memory_space<hbm>>
        %dma_start3A_77 = arith.constant 0 : i32
        %dma_start3A_78 = tpu.memref_slice %arg8[%add3A, %mul3A_61, %dma_start3A_77] : memref<32x80x128xf32, #tpu.memory_space<hbm>> -> memref<1x40x128xf32, #tpu.memory_space<hbm>>
        %dma_start3A_79 = tpu.memref_squeeze %dma_start3A_78 : memref<1x40x128xf32, #tpu.memory_space<hbm>> -> memref<40x128xf32, #tpu.memory_space<hbm>>
        tpu.enqueue_dma source(%dma_start3A_79 : memref<40x128xf32, #tpu.memory_space<hbm>>) target(%arg16 : memref<40x128xf32, #tpu.memory_space<vmem>>) target_semaphore(%run_scoped3A : memref<!tpu.dma_semaphore, #tpu.memory_space<semaphore_mem>>)
        %dma_wait3A = arith.constant 0 : i32
        %dma_wait3A_80 = tpu.memref_slice %arg8[%add3A, %mul3A_61, %dma_wait3A] : memref<32x80x128xf32, #tpu.memory_space<hbm>> -> memref<1x40x128xf32, #tpu.memory_space<hbm>>
        %dma_wait3A_81 = tpu.memref_squeeze %dma_wait3A_80 : memref<1x40x128xf32, #tpu.memory_space<hbm>> -> memref<40x128xf32, #tpu.memory_space<hbm>>
        %dma_wait3A_82 = arith.constant 0 : i32
        %dma_wait3A_83 = tpu.memref_slice %arg8[%add3A, %mul3A_61, %dma_wait3A_82] : memref<32x80x128xf32, #tpu.memory_space<hbm>> -> memref<1x40x128xf32, #tpu.memory_space<hbm>>
        %dma_wait3A_84 = tpu.memref_squeeze %dma_wait3A_83 : memref<1x40x128xf32, #tpu.memory_space<hbm>> -> memref<40x128xf32, #tpu.memory_space<hbm>>
        tpu.wait_dma2 semaphore(%run_scoped3A : memref<!tpu.dma_semaphore, #tpu.memory_space<semaphore_mem>>) src(%dma_wait3A_84 : memref<40x128xf32, #tpu.memory_space<hbm>>) dst(%arg16 : memref<40x128xf32, #tpu.memory_space<vmem>>)
        tpu.yield
      }) : () -> ()
      %mul3A_62 = arith.constant 10240 : i32
      %mul3A_63 = arith.muli %add3A, %mul3A_62 : i32
      %mul3A_64 = arith.constant 40 : i32
      %mul3A_65 = arith.muli %scan3A_55, %mul3A_64 : i32
      %mul3A_66 = arith.constant 128 : i32
      %mul3A_67 = arith.muli %mul3A_65, %mul3A_66 : i32
      %add3A_68 = arith.addi %mul3A_63, %mul3A_67 : i32
      %scan3A_69 = arith.constant 0 : i32
      %scan3A_70 = arith.constant 0 : i32
      %scan3A_71 = arith.constant 40 : i32
      %scan3A_72 = arith.addi %scan3A_70, %scan3A_71 : i32
      %scan3A_73 = arith.constant 1 : i32
      scf.for %scan3A_75 = %scan3A_70 to %scan3A_72 step %scan3A_73  : i32 {
        %dma_start3A = arith.constant 0 : i32
        %dma_start3A_76 = tpu.memref_slice %arg14[%scan3A_75, %dma_start3A] : memref<40x128xi32, #tpu.memory_space<vmem>> -> memref<1x128xi32, #tpu.memory_space<vmem>>
        %dma_start3A_77 = tpu.memref_squeeze %dma_start3A_76 : memref<1x128xi32, #tpu.memory_space<vmem>> -> memref<128xi32, #tpu.memory_space<vmem>>
        %dma_start3A_78 = arith.constant 0 : i32
        %dma_start3A_79 = arith.constant 0 : i32
        %dma_start3A_80 = tpu.memref_slice %arg22[%dma_start3A_78, %dma_start3A_79] : memref<10240x64xf32, #tpu.memory_space<vmem_shared>> -> memref<10240x64xf32, #tpu.memory_space<vmem_shared>>
        tpu.enqueue_indirect_dma source(%dma_start3A_80 : memref<10240x64xf32, #tpu.memory_space<vmem_shared>>) target(%arg17 : memref<128x64xf32, #tpu.memory_space<vmem>>) offsets(%dma_start3A_77 : memref<128xi32, #tpu.memory_space<vmem>>) semaphore(%arg23 : memref<!tpu.dma_semaphore, #tpu.memory_space<semaphore_mem>>)
        %dma_wait3A = arith.constant 0 : i32
        %dma_wait3A_81 = tpu.memref_slice %arg14[%scan3A_75, %dma_wait3A] : memref<40x128xi32, #tpu.memory_space<vmem>> -> memref<1x128xi32, #tpu.memory_space<vmem>>
        %dma_wait3A_82 = tpu.memref_squeeze %dma_wait3A_81 : memref<1x128xi32, #tpu.memory_space<vmem>> -> memref<128xi32, #tpu.memory_space<vmem>>
        %dma_wait3A_83 = arith.constant 0 : i32
        %dma_wait3A_84 = arith.constant 0 : i32
        %dma_wait3A_85 = tpu.memref_slice %arg22[%dma_wait3A_83, %dma_wait3A_84] : memref<10240x64xf32, #tpu.memory_space<vmem_shared>> -> memref<10240x64xf32, #tpu.memory_space<vmem_shared>>
        tpu.wait_indirect_dma semaphore(%arg23 : memref<!tpu.dma_semaphore, #tpu.memory_space<semaphore_mem>>) src(%dma_wait3A_85 : memref<10240x64xf32, #tpu.memory_space<vmem_shared>>) dst(%arg17 : memref<128x64xf32, #tpu.memory_space<vmem>>)
        %get3A_86 = arith.index_cast %scan3A_75 : i32 to index
        %get3A_87 = arith.constant 0 : index
        %get3A_88 = tpu.vector_load %arg14[%get3A_86, %get3A_87] {strides = array<i32>} : memref<40x128xi32, #tpu.memory_space<vmem>>, vector<16xi32>,
        %get3A_89 = arith.index_cast %scan3A_75 : i32 to index
        %get3A_90 = arith.constant 0 : index
        %get3A_91 = tpu.vector_load %arg15[%get3A_89, %get3A_90] {strides = array<i32>} : memref<40x128xi32, #tpu.memory_space<vmem>>, vector<16xi32>,
        %get3A_92 = arith.index_cast %scan3A_75 : i32 to index
        %get3A_93 = arith.constant 0 : index
        %get3A_94 = tpu.vector_load %arg16[%get3A_92, %get3A_93] {strides = array<i32>} : memref<40x128xf32, #tpu.memory_space<vmem>>, vector<16xf32>,
        %gather3A = tpu.vector_load_idx %arg12[%get3A_88] : memref<10240xf32, #tpu.memory_space<vmem>>[vector<16xi32>], vector<16xf32>,
        %gather3A_95 = tpu.vector_load_idx %arg13[%get3A_91] : memref<10240xf32, #tpu.memory_space<vmem>>[vector<16xi32>], vector<16xf32>,
        %add3A_96 = arith.addf %gather3A, %gather3A_95 : vector<16xf32>
        %mul3A_97 = arith.mulf %get3A_94, %get3A_39 : vector<16xf32>
        %add3A_98 = arith.addf %add3A_96, %mul3A_97 : vector<16xf32>
        %mul3A_99 = arith.constant 2.000000e-01 : f32
        %mul3A_100 = vector.broadcast %mul3A_99 : f32 to vector<16xf32>
        %mul3A_101 = arith.mulf %mul3A_100, %add3A_98 : vector<16xf32>
        %max3A = arith.maximumf %add3A_98, %mul3A_101 : vector<16xf32>
        %exp3A = math.exp %max3A : vector<16xf32>
        %mul3A_102 = arith.constant 128 : i32
        %mul3A_103 = arith.muli %scan3A_75, %mul3A_102 : i32
        %add3A_104 = arith.addi %add3A_68, %mul3A_103 : i32
        %add3A_105 = arith.constant 0 : i32
        %add3A_106 = arith.addi %add3A_104, %add3A_105 : i32
        %iota3A = tpu.iota {dimensions = array<i32: 0>} : vector<16xi32>
        %add3A_107 = vector.broadcast %add3A_106 : i32 to vector<16xi32>
        %add3A_108 = arith.addi %add3A_107, %iota3A : vector<16xi32>
        %lt3A = arith.constant 320000 : i32
        %lt3A_109 = vector.broadcast %lt3A : i32 to vector<16xi32>
        %lt3A_110 = arith.cmpi slt, %add3A_108, %lt3A_109 : vector<16xi32>
        %jit3A = arith.constant 0.000000e+00 : f32
        %broadcast_in_dim3A_111 = vector.broadcast %jit3A : f32 to vector<16xf32>
        %select_n3A = arith.select %lt3A_110, %exp3A, %broadcast_in_dim3A_111 : vector<16xi1>, vector<16xf32>
        %swap3A = arith.constant 0 : index
        %swap3A_112 = tpu.vector_load %arg18[%swap3A] {strides = array<i32>} : memref<128xf32, #tpu.memory_space<vmem>>, vector<16xf32>,
        tpu.vector_store %arg18[%swap3A], %select_n3A {strides = array<i32>} : memref<128xf32, #tpu.memory_space<vmem>>, vector<16xf32>,
        %get3A_113 = arith.index_cast %scan3A_75 : i32 to index
        %get3A_114 = arith.constant 16 : index
        %get3A_115 = tpu.vector_load %arg14[%get3A_113, %get3A_114] {strides = array<i32>} : memref<40x128xi32, #tpu.memory_space<vmem>>, vector<16xi32>,
        %get3A_116 = arith.index_cast %scan3A_75 : i32 to index
        %get3A_117 = arith.constant 16 : index
        %get3A_118 = tpu.vector_load %arg15[%get3A_116, %get3A_117] {strides = array<i32>} : memref<40x128xi32, #tpu.memory_space<vmem>>, vector<16xi32>,
        %get3A_119 = arith.index_cast %scan3A_75 : i32 to index
        %get3A_120 = arith.constant 16 : index
        %get3A_121 = tpu.vector_load %arg16[%get3A_119, %get3A_120] {strides = array<i32>} : memref<40x128xf32, #tpu.memory_space<vmem>>, vector<16xf32>,
        %gather3A_122 = tpu.vector_load_idx %arg12[%get3A_115] : memref<10240xf32, #tpu.memory_space<vmem>>[vector<16xi32>], vector<16xf32>,
        %gather3A_123 = tpu.vector_load_idx %arg13[%get3A_118] : memref<10240xf32, #tpu.memory_space<vmem>>[vector<16xi32>], vector<16xf32>,
        %add3A_124 = arith.addf %gather3A_122, %gather3A_123 : vector<16xf32>
        %mul3A_125 = arith.mulf %get3A_121, %get3A_39 : vector<16xf32>
        %add3A_126 = arith.addf %add3A_124, %mul3A_125 : vector<16xf32>
        %mul3A_127 = arith.constant 2.000000e-01 : f32
        %mul3A_128 = vector.broadcast %mul3A_127 : f32 to vector<16xf32>
        %mul3A_129 = arith.mulf %mul3A_128, %add3A_126 : vector<16xf32>
        %max3A_130 = arith.maximumf %add3A_126, %mul3A_129 : vector<16xf32>
        %exp3A_131 = math.exp %max3A_130 : vector<16xf32>
        %mul3A_132 = arith.constant 128 : i32
        %mul3A_133 = arith.muli %scan3A_75, %mul3A_132 : i32
        %add3A_134 = arith.addi %add3A_68, %mul3A_133 : i32
        %add3A_135 = arith.constant 16 : i32
        %add3A_136 = arith.addi %add3A_134, %add3A_135 : i32
        %iota3A_137 = tpu.iota {dimensions = array<i32: 0>} : vector<16xi32>
        %add3A_138 = vector.broadcast %add3A_136 : i32 to vector<16xi32>
        %add3A_139 = arith.addi %add3A_138, %iota3A_137 : vector<16xi32>
        %lt3A_140 = arith.constant 320000 : i32
        %lt3A_141 = vector.broadcast %lt3A_140 : i32 to vector<16xi32>
        %lt3A_142 = arith.cmpi slt, %add3A_139, %lt3A_141 : vector<16xi32>
        %jit3A_143 = arith.constant 0.000000e+00 : f32
        %broadcast_in_dim3A_144 = vector.broadcast %jit3A_143 : f32 to vector<16xf32>
        %select_n3A_145 = arith.select %lt3A_142, %exp3A_131, %broadcast_in_dim3A_144 : vector<16xi1>, vector<16xf32>
        %swap3A_146 = arith.constant 16 : index
        %swap3A_147 = tpu.vector_load %arg18[%swap3A_146] {strides = array<i32>} : memref<128xf32, #tpu.memory_space<vmem>>, vector<16xf32>,
        tpu.vector_store %arg18[%swap3A_146], %select_n3A_145 {strides = array<i32>} : memref<128xf32, #tpu.memory_space<vmem>>, vector<16xf32>,
        %get3A_148 = arith.index_cast %scan3A_75 : i32 to index
        %get3A_149 = arith.constant 32 : index
        %get3A_150 = tpu.vector_load %arg14[%get3A_148, %get3A_149] {strides = array<i32>} : memref<40x128xi32, #tpu.memory_space<vmem>>, vector<16xi32>,
        %get3A_151 = arith.index_cast %scan3A_75 : i32 to index
        %get3A_152 = arith.constant 32 : index
        %get3A_153 = tpu.vector_load %arg15[%get3A_151, %get3A_152] {strides = array<i32>} : memref<40x128xi32, #tpu.memory_space<vmem>>, vector<16xi32>,
        %get3A_154 = arith.index_cast %scan3A_75 : i32 to index
        %get3A_155 = arith.constant 32 : index
        %get3A_156 = tpu.vector_load %arg16[%get3A_154, %get3A_155] {strides = array<i32>} : memref<40x128xf32, #tpu.memory_space<vmem>>, vector<16xf32>,
        %gather3A_157 = tpu.vector_load_idx %arg12[%get3A_150] : memref<10240xf32, #tpu.memory_space<vmem>>[vector<16xi32>], vector<16xf32>,
        %gather3A_158 = tpu.vector_load_idx %arg13[%get3A_153] : memref<10240xf32, #tpu.memory_space<vmem>>[vector<16xi32>], vector<16xf32>,
        %add3A_159 = arith.addf %gather3A_157, %gather3A_158 : vector<16xf32>
        %mul3A_160 = arith.mulf %get3A_156, %get3A_39 : vector<16xf32>
        %add3A_161 = arith.addf %add3A_159, %mul3A_160 : vector<16xf32>
        %mul3A_162 = arith.constant 2.000000e-01 : f32
        %mul3A_163 = vector.broadcast %mul3A_162 : f32 to vector<16xf32>
        %mul3A_164 = arith.mulf %mul3A_163, %add3A_161 : vector<16xf32>
        %max3A_165 = arith.maximumf %add3A_161, %mul3A_164 : vector<16xf32>
        %exp3A_166 = math.exp %max3A_165 : vector<16xf32>
        %mul3A_167 = arith.constant 128 : i32
        %mul3A_168 = arith.muli %scan3A_75, %mul3A_167 : i32
        %add3A_169 = arith.addi %add3A_68, %mul3A_168 : i32
        %add3A_170 = arith.constant 32 : i32
        %add3A_171 = arith.addi %add3A_169, %add3A_170 : i32
        %iota3A_172 = tpu.iota {dimensions = array<i32: 0>} : vector<16xi32>
        %add3A_173 = vector.broadcast %add3A_171 : i32 to vector<16xi32>
        %add3A_174 = arith.addi %add3A_173, %iota3A_172 : vector<16xi32>
        %lt3A_175 = arith.constant 320000 : i32
        %lt3A_176 = vector.broadcast %lt3A_175 : i32 to vector<16xi32>
        %lt3A_177 = arith.cmpi slt, %add3A_174, %lt3A_176 : vector<16xi32>
        %jit3A_178 = arith.constant 0.000000e+00 : f32
        %broadcast_in_dim3A_179 = vector.broadcast %jit3A_178 : f32 to vector<16xf32>
        %select_n3A_180 = arith.select %lt3A_177, %exp3A_166, %broadcast_in_dim3A_179 : vector<16xi1>, vector<16xf32>
        %swap3A_181 = arith.constant 32 : index
        %swap3A_182 = tpu.vector_load %arg18[%swap3A_181] {strides = array<i32>} : memref<128xf32, #tpu.memory_space<vmem>>, vector<16xf32>,
        tpu.vector_store %arg18[%swap3A_181], %select_n3A_180 {strides = array<i32>} : memref<128xf32, #tpu.memory_space<vmem>>, vector<16xf32>,
        %get3A_183 = arith.index_cast %scan3A_75 : i32 to index
        %get3A_184 = arith.constant 48 : index
        %get3A_185 = tpu.vector_load %arg14[%get3A_183, %get3A_184] {strides = array<i32>} : memref<40x128xi32, #tpu.memory_space<vmem>>, vector<16xi32>,
        %get3A_186 = arith.index_cast %scan3A_75 : i32 to index
        %get3A_187 = arith.constant 48 : index
        %get3A_188 = tpu.vector_load %arg15[%get3A_186, %get3A_187] {strides = array<i32>} : memref<40x128xi32, #tpu.memory_space<vmem>>, vector<16xi32>,
        %get3A_189 = arith.index_cast %scan3A_75 : i32 to index
        %get3A_190 = arith.constant 48 : index
        %get3A_191 = tpu.vector_load %arg16[%get3A_189, %get3A_190] {strides = array<i32>} : memref<40x128xf32, #tpu.memory_space<vmem>>, vector<16xf32>,
        %gather3A_192 = tpu.vector_load_idx %arg12[%get3A_185] : memref<10240xf32, #tpu.memory_space<vmem>>[vector<16xi32>], vector<16xf32>,
        %gather3A_193 = tpu.vector_load_idx %arg13[%get3A_188] : memref<10240xf32, #tpu.memory_space<vmem>>[vector<16xi32>], vector<16xf32>,
        %add3A_194 = arith.addf %gather3A_192, %gather3A_193 : vector<16xf32>
        %mul3A_195 = arith.mulf %get3A_191, %get3A_39 : vector<16xf32>
        %add3A_196 = arith.addf %add3A_194, %mul3A_195 : vector<16xf32>
        %mul3A_197 = arith.constant 2.000000e-01 : f32
        %mul3A_198 = vector.broadcast %mul3A_197 : f32 to vector<16xf32>
        %mul3A_199 = arith.mulf %mul3A_198, %add3A_196 : vector<16xf32>
        %max3A_200 = arith.maximumf %add3A_196, %mul3A_199 : vector<16xf32>
        %exp3A_201 = math.exp %max3A_200 : vector<16xf32>
        %mul3A_202 = arith.constant 128 : i32
        %mul3A_203 = arith.muli %scan3A_75, %mul3A_202 : i32
        %add3A_204 = arith.addi %add3A_68, %mul3A_203 : i32
        %add3A_205 = arith.constant 48 : i32
        %add3A_206 = arith.addi %add3A_204, %add3A_205 : i32
        %iota3A_207 = tpu.iota {dimensions = array<i32: 0>} : vector<16xi32>
        %add3A_208 = vector.broadcast %add3A_206 : i32 to vector<16xi32>
        %add3A_209 = arith.addi %add3A_208, %iota3A_207 : vector<16xi32>
        %lt3A_210 = arith.constant 320000 : i32
        %lt3A_211 = vector.broadcast %lt3A_210 : i32 to vector<16xi32>
        %lt3A_212 = arith.cmpi slt, %add3A_209, %lt3A_211 : vector<16xi32>
        %jit3A_213 = arith.constant 0.000000e+00 : f32
        %broadcast_in_dim3A_214 = vector.broadcast %jit3A_213 : f32 to vector<16xf32>
        %select_n3A_215 = arith.select %lt3A_212, %exp3A_201, %broadcast_in_dim3A_214 : vector<16xi1>, vector<16xf32>
        %swap3A_216 = arith.constant 48 : index
        %swap3A_217 = tpu.vector_load %arg18[%swap3A_216] {strides = array<i32>} : memref<128xf32, #tpu.memory_space<vmem>>, vector<16xf32>,
        tpu.vector_store %arg18[%swap3A_216], %select_n3A_215 {strides = array<i32>} : memref<128xf32, #tpu.memory_space<vmem>>, vector<16xf32>,
        %get3A_218 = arith.index_cast %scan3A_75 : i32 to index
        %get3A_219 = arith.constant 64 : index
        %get3A_220 = tpu.vector_load %arg14[%get3A_218, %get3A_219] {strides = array<i32>} : memref<40x128xi32, #tpu.memory_space<vmem>>, vector<16xi32>,
        %get3A_221 = arith.index_cast %scan3A_75 : i32 to index
        %get3A_222 = arith.constant 64 : index
        %get3A_223 = tpu.vector_load %arg15[%get3A_221, %get3A_222] {strides = array<i32>} : memref<40x128xi32, #tpu.memory_space<vmem>>, vector<16xi32>,
        %get3A_224 = arith.index_cast %scan3A_75 : i32 to index
        %get3A_225 = arith.constant 64 : index
        %get3A_226 = tpu.vector_load %arg16[%get3A_224, %get3A_225] {strides = array<i32>} : memref<40x128xf32, #tpu.memory_space<vmem>>, vector<16xf32>,
        %gather3A_227 = tpu.vector_load_idx %arg12[%get3A_220] : memref<10240xf32, #tpu.memory_space<vmem>>[vector<16xi32>], vector<16xf32>,
        %gather3A_228 = tpu.vector_load_idx %arg13[%get3A_223] : memref<10240xf32, #tpu.memory_space<vmem>>[vector<16xi32>], vector<16xf32>,
        %add3A_229 = arith.addf %gather3A_227, %gather3A_228 : vector<16xf32>
        %mul3A_230 = arith.mulf %get3A_226, %get3A_39 : vector<16xf32>
        %add3A_231 = arith.addf %add3A_229, %mul3A_230 : vector<16xf32>
        %mul3A_232 = arith.constant 2.000000e-01 : f32
        %mul3A_233 = vector.broadcast %mul3A_232 : f32 to vector<16xf32>
        %mul3A_234 = arith.mulf %mul3A_233, %add3A_231 : vector<16xf32>
        %max3A_235 = arith.maximumf %add3A_231, %mul3A_234 : vector<16xf32>
        %exp3A_236 = math.exp %max3A_235 : vector<16xf32>
        %mul3A_237 = arith.constant 128 : i32
        %mul3A_238 = arith.muli %scan3A_75, %mul3A_237 : i32
        %add3A_239 = arith.addi %add3A_68, %mul3A_238 : i32
        %add3A_240 = arith.constant 64 : i32
        %add3A_241 = arith.addi %add3A_239, %add3A_240 : i32
        %iota3A_242 = tpu.iota {dimensions = array<i32: 0>} : vector<16xi32>
        %add3A_243 = vector.broadcast %add3A_241 : i32 to vector<16xi32>
        %add3A_244 = arith.addi %add3A_243, %iota3A_242 : vector<16xi32>
        %lt3A_245 = arith.constant 320000 : i32
        %lt3A_246 = vector.broadcast %lt3A_245 : i32 to vector<16xi32>
        %lt3A_247 = arith.cmpi slt, %add3A_244, %lt3A_246 : vector<16xi32>
        %jit3A_248 = arith.constant 0.000000e+00 : f32
        %broadcast_in_dim3A_249 = vector.broadcast %jit3A_248 : f32 to vector<16xf32>
        %select_n3A_250 = arith.select %lt3A_247, %exp3A_236, %broadcast_in_dim3A_249 : vector<16xi1>, vector<16xf32>
        %swap3A_251 = arith.constant 64 : index
        %swap3A_252 = tpu.vector_load %arg18[%swap3A_251] {strides = array<i32>} : memref<128xf32, #tpu.memory_space<vmem>>, vector<16xf32>,
        tpu.vector_store %arg18[%swap3A_251], %select_n3A_250 {strides = array<i32>} : memref<128xf32, #tpu.memory_space<vmem>>, vector<16xf32>,
        %get3A_253 = arith.index_cast %scan3A_75 : i32 to index
        %get3A_254 = arith.constant 80 : index
        %get3A_255 = tpu.vector_load %arg14[%get3A_253, %get3A_254] {strides = array<i32>} : memref<40x128xi32, #tpu.memory_space<vmem>>, vector<16xi32>,
        %get3A_256 = arith.index_cast %scan3A_75 : i32 to index
        %get3A_257 = arith.constant 80 : index
        %get3A_258 = tpu.vector_load %arg15[%get3A_256, %get3A_257] {strides = array<i32>} : memref<40x128xi32, #tpu.memory_space<vmem>>, vector<16xi32>,
        %get3A_259 = arith.index_cast %scan3A_75 : i32 to index
        %get3A_260 = arith.constant 80 : index
        %get3A_261 = tpu.vector_load %arg16[%get3A_259, %get3A_260] {strides = array<i32>} : memref<40x128xf32, #tpu.memory_space<vmem>>, vector<16xf32>,
        %gather3A_262 = tpu.vector_load_idx %arg12[%get3A_255] : memref<10240xf32, #tpu.memory_space<vmem>>[vector<16xi32>], vector<16xf32>,
        %gather3A_263 = tpu.vector_load_idx %arg13[%get3A_258] : memref<10240xf32, #tpu.memory_space<vmem>>[vector<16xi32>], vector<16xf32>,
        %add3A_264 = arith.addf %gather3A_262, %gather3A_263 : vector<16xf32>
        %mul3A_265 = arith.mulf %get3A_261, %get3A_39 : vector<16xf32>
        %add3A_266 = arith.addf %add3A_264, %mul3A_265 : vector<16xf32>
        %mul3A_267 = arith.constant 2.000000e-01 : f32
        %mul3A_268 = vector.broadcast %mul3A_267 : f32 to vector<16xf32>
        %mul3A_269 = arith.mulf %mul3A_268, %add3A_266 : vector<16xf32>
        %max3A_270 = arith.maximumf %add3A_266, %mul3A_269 : vector<16xf32>
        %exp3A_271 = math.exp %max3A_270 : vector<16xf32>
        %mul3A_272 = arith.constant 128 : i32
        %mul3A_273 = arith.muli %scan3A_75, %mul3A_272 : i32
        %add3A_274 = arith.addi %add3A_68, %mul3A_273 : i32
        %add3A_275 = arith.constant 80 : i32
        %add3A_276 = arith.addi %add3A_274, %add3A_275 : i32
        %iota3A_277 = tpu.iota {dimensions = array<i32: 0>} : vector<16xi32>
        %add3A_278 = vector.broadcast %add3A_276 : i32 to vector<16xi32>
        %add3A_279 = arith.addi %add3A_278, %iota3A_277 : vector<16xi32>
        %lt3A_280 = arith.constant 320000 : i32
        %lt3A_281 = vector.broadcast %lt3A_280 : i32 to vector<16xi32>
        %lt3A_282 = arith.cmpi slt, %add3A_279, %lt3A_281 : vector<16xi32>
        %jit3A_283 = arith.constant 0.000000e+00 : f32
        %broadcast_in_dim3A_284 = vector.broadcast %jit3A_283 : f32 to vector<16xf32>
        %select_n3A_285 = arith.select %lt3A_282, %exp3A_271, %broadcast_in_dim3A_284 : vector<16xi1>, vector<16xf32>
        %swap3A_286 = arith.constant 80 : index
        %swap3A_287 = tpu.vector_load %arg18[%swap3A_286] {strides = array<i32>} : memref<128xf32, #tpu.memory_space<vmem>>, vector<16xf32>,
        tpu.vector_store %arg18[%swap3A_286], %select_n3A_285 {strides = array<i32>} : memref<128xf32, #tpu.memory_space<vmem>>, vector<16xf32>,
        %get3A_288 = arith.index_cast %scan3A_75 : i32 to index
        %get3A_289 = arith.constant 96 : index
        %get3A_290 = tpu.vector_load %arg14[%get3A_288, %get3A_289] {strides = array<i32>} : memref<40x128xi32, #tpu.memory_space<vmem>>, vector<16xi32>,
        %get3A_291 = arith.index_cast %scan3A_75 : i32 to index
        %get3A_292 = arith.constant 96 : index
        %get3A_293 = tpu.vector_load %arg15[%get3A_291, %get3A_292] {strides = array<i32>} : memref<40x128xi32, #tpu.memory_space<vmem>>, vector<16xi32>,
        %get3A_294 = arith.index_cast %scan3A_75 : i32 to index
        %get3A_295 = arith.constant 96 : index
        %get3A_296 = tpu.vector_load %arg16[%get3A_294, %get3A_295] {strides = array<i32>} : memref<40x128xf32, #tpu.memory_space<vmem>>, vector<16xf32>,
        %gather3A_297 = tpu.vector_load_idx %arg12[%get3A_290] : memref<10240xf32, #tpu.memory_space<vmem>>[vector<16xi32>], vector<16xf32>,
        %gather3A_298 = tpu.vector_load_idx %arg13[%get3A_293] : memref<10240xf32, #tpu.memory_space<vmem>>[vector<16xi32>], vector<16xf32>,
        %add3A_299 = arith.addf %gather3A_297, %gather3A_298 : vector<16xf32>
        %mul3A_300 = arith.mulf %get3A_296, %get3A_39 : vector<16xf32>
        %add3A_301 = arith.addf %add3A_299, %mul3A_300 : vector<16xf32>
        %mul3A_302 = arith.constant 2.000000e-01 : f32
        %mul3A_303 = vector.broadcast %mul3A_302 : f32 to vector<16xf32>
        %mul3A_304 = arith.mulf %mul3A_303, %add3A_301 : vector<16xf32>
        %max3A_305 = arith.maximumf %add3A_301, %mul3A_304 : vector<16xf32>
        %exp3A_306 = math.exp %max3A_305 : vector<16xf32>
        %mul3A_307 = arith.constant 128 : i32
        %mul3A_308 = arith.muli %scan3A_75, %mul3A_307 : i32
        %add3A_309 = arith.addi %add3A_68, %mul3A_308 : i32
        %add3A_310 = arith.constant 96 : i32
        %add3A_311 = arith.addi %add3A_309, %add3A_310 : i32
        %iota3A_312 = tpu.iota {dimensions = array<i32: 0>} : vector<16xi32>
        %add3A_313 = vector.broadcast %add3A_311 : i32 to vector<16xi32>
        %add3A_314 = arith.addi %add3A_313, %iota3A_312 : vector<16xi32>
        %lt3A_315 = arith.constant 320000 : i32
        %lt3A_316 = vector.broadcast %lt3A_315 : i32 to vector<16xi32>
        %lt3A_317 = arith.cmpi slt, %add3A_314, %lt3A_316 : vector<16xi32>
        %jit3A_318 = arith.constant 0.000000e+00 : f32
        %broadcast_in_dim3A_319 = vector.broadcast %jit3A_318 : f32 to vector<16xf32>
        %select_n3A_320 = arith.select %lt3A_317, %exp3A_306, %broadcast_in_dim3A_319 : vector<16xi1>, vector<16xf32>
        %swap3A_321 = arith.constant 96 : index
        %swap3A_322 = tpu.vector_load %arg18[%swap3A_321] {strides = array<i32>} : memref<128xf32, #tpu.memory_space<vmem>>, vector<16xf32>,
        tpu.vector_store %arg18[%swap3A_321], %select_n3A_320 {strides = array<i32>} : memref<128xf32, #tpu.memory_space<vmem>>, vector<16xf32>,
        %get3A_323 = arith.index_cast %scan3A_75 : i32 to index
        %get3A_324 = arith.constant 112 : index
        %get3A_325 = tpu.vector_load %arg14[%get3A_323, %get3A_324] {strides = array<i32>} : memref<40x128xi32, #tpu.memory_space<vmem>>, vector<16xi32>,
        %get3A_326 = arith.index_cast %scan3A_75 : i32 to index
        %get3A_327 = arith.constant 112 : index
        %get3A_328 = tpu.vector_load %arg15[%get3A_326, %get3A_327] {strides = array<i32>} : memref<40x128xi32, #tpu.memory_space<vmem>>, vector<16xi32>,
        %get3A_329 = arith.index_cast %scan3A_75 : i32 to index
        %get3A_330 = arith.constant 112 : index
        %get3A_331 = tpu.vector_load %arg16[%get3A_329, %get3A_330] {strides = array<i32>} : memref<40x128xf32, #tpu.memory_space<vmem>>, vector<16xf32>,
        %gather3A_332 = tpu.vector_load_idx %arg12[%get3A_325] : memref<10240xf32, #tpu.memory_space<vmem>>[vector<16xi32>], vector<16xf32>,
        %gather3A_333 = tpu.vector_load_idx %arg13[%get3A_328] : memref<10240xf32, #tpu.memory_space<vmem>>[vector<16xi32>], vector<16xf32>,
        %add3A_334 = arith.addf %gather3A_332, %gather3A_333 : vector<16xf32>
        %mul3A_335 = arith.mulf %get3A_331, %get3A_39 : vector<16xf32>
        %add3A_336 = arith.addf %add3A_334, %mul3A_335 : vector<16xf32>
        %mul3A_337 = arith.constant 2.000000e-01 : f32
        %mul3A_338 = vector.broadcast %mul3A_337 : f32 to vector<16xf32>
        %mul3A_339 = arith.mulf %mul3A_338, %add3A_336 : vector<16xf32>
        %max3A_340 = arith.maximumf %add3A_336, %mul3A_339 : vector<16xf32>
        %exp3A_341 = math.exp %max3A_340 : vector<16xf32>
        %mul3A_342 = arith.constant 128 : i32
        %mul3A_343 = arith.muli %scan3A_75, %mul3A_342 : i32
        %add3A_344 = arith.addi %add3A_68, %mul3A_343 : i32
        %add3A_345 = arith.constant 112 : i32
        %add3A_346 = arith.addi %add3A_344, %add3A_345 : i32
        %iota3A_347 = tpu.iota {dimensions = array<i32: 0>} : vector<16xi32>
        %add3A_348 = vector.broadcast %add3A_346 : i32 to vector<16xi32>
        %add3A_349 = arith.addi %add3A_348, %iota3A_347 : vector<16xi32>
        %lt3A_350 = arith.constant 320000 : i32
        %lt3A_351 = vector.broadcast %lt3A_350 : i32 to vector<16xi32>
        %lt3A_352 = arith.cmpi slt, %add3A_349, %lt3A_351 : vector<16xi32>
        %jit3A_353 = arith.constant 0.000000e+00 : f32
        %broadcast_in_dim3A_354 = vector.broadcast %jit3A_353 : f32 to vector<16xf32>
        %select_n3A_355 = arith.select %lt3A_352, %exp3A_341, %broadcast_in_dim3A_354 : vector<16xi1>, vector<16xf32>
        %swap3A_356 = arith.constant 112 : index
        %swap3A_357 = tpu.vector_load %arg18[%swap3A_356] {strides = array<i32>} : memref<128xf32, #tpu.memory_space<vmem>>, vector<16xf32>,
        tpu.vector_store %arg18[%swap3A_356], %select_n3A_355 {strides = array<i32>} : memref<128xf32, #tpu.memory_space<vmem>>, vector<16xf32>,
        %scan3A_358 = arith.constant 0 : i32
        %scan3A_359 = arith.constant 0 : i32
        %scan3A_360 = arith.constant 128 : i32
        %scan3A_361 = arith.addi %scan3A_359, %scan3A_360 : i32
        %scan3A_362 = arith.constant 1 : i32
        scf.for %scan3A_364 = %scan3A_359 to %scan3A_361 step %scan3A_362  : i32 {
          %broadcast_in_dim3A_365 = vector.broadcast %scan3A_364 : i32 to vector<16xi32>
          %gather3A_366 = tpu.vector_load_idx %arg18[%broadcast_in_dim3A_365] : memref<128xf32, #tpu.memory_space<vmem>>[vector<16xi32>], vector<16xf32>,
          %get3A_367 = arith.index_cast %scan3A_364 : i32 to index
          %get3A_368 = arith.constant 0 : index
          %get3A_369 = tpu.vector_load %arg17[%get3A_367, %get3A_368] {strides = array<i32>} : memref<128x64xf32, #tpu.memory_space<vmem>>, vector<16xf32>,
          %mul3A_370 = arith.mulf %get3A_369, %gather3A_366 : vector<16xf32>
          %swap3A_371 = arith.index_cast %scan3A_364 : i32 to index
          %swap3A_372 = arith.constant 0 : index
          %swap3A_373 = tpu.vector_load %arg17[%swap3A_371, %swap3A_372] {strides = array<i32>} : memref<128x64xf32, #tpu.memory_space<vmem>>, vector<16xf32>,
          tpu.vector_store %arg17[%swap3A_371, %swap3A_372], %mul3A_370 {strides = array<i32>} : memref<128x64xf32, #tpu.memory_space<vmem>>, vector<16xf32>,
          %get3A_374 = arith.index_cast %scan3A_364 : i32 to index
          %get3A_375 = arith.constant 16 : index
          %get3A_376 = tpu.vector_load %arg17[%get3A_374, %get3A_375] {strides = array<i32>} : memref<128x64xf32, #tpu.memory_space<vmem>>, vector<16xf32>,
          %mul3A_377 = arith.mulf %get3A_376, %gather3A_366 : vector<16xf32>
          %swap3A_378 = arith.index_cast %scan3A_364 : i32 to index
          %swap3A_379 = arith.constant 16 : index
          %swap3A_380 = tpu.vector_load %arg17[%swap3A_378, %swap3A_379] {strides = array<i32>} : memref<128x64xf32, #tpu.memory_space<vmem>>, vector<16xf32>,
          tpu.vector_store %arg17[%swap3A_378, %swap3A_379], %mul3A_377 {strides = array<i32>} : memref<128x64xf32, #tpu.memory_space<vmem>>, vector<16xf32>,
          %get3A_381 = arith.index_cast %scan3A_364 : i32 to index
          %get3A_382 = arith.constant 32 : index
          %get3A_383 = tpu.vector_load %arg17[%get3A_381, %get3A_382] {strides = array<i32>} : memref<128x64xf32, #tpu.memory_space<vmem>>, vector<16xf32>,
          %mul3A_384 = arith.mulf %get3A_383, %gather3A_366 : vector<16xf32>
          %swap3A_385 = arith.index_cast %scan3A_364 : i32 to index
          %swap3A_386 = arith.constant 32 : index
          %swap3A_387 = tpu.vector_load %arg17[%swap3A_385, %swap3A_386] {strides = array<i32>} : memref<128x64xf32, #tpu.memory_space<vmem>>, vector<16xf32>,
          tpu.vector_store %arg17[%swap3A_385, %swap3A_386], %mul3A_384 {strides = array<i32>} : memref<128x64xf32, #tpu.memory_space<vmem>>, vector<16xf32>,
          %get3A_388 = arith.index_cast %scan3A_364 : i32 to index
          %get3A_389 = arith.constant 48 : index
          %get3A_390 = tpu.vector_load %arg17[%get3A_388, %get3A_389] {strides = array<i32>} : memref<128x64xf32, #tpu.memory_space<vmem>>, vector<16xf32>,
          %mul3A_391 = arith.mulf %get3A_390, %gather3A_366 : vector<16xf32>
          %swap3A_392 = arith.index_cast %scan3A_364 : i32 to index
          %swap3A_393 = arith.constant 48 : index
          %swap3A_394 = tpu.vector_load %arg17[%swap3A_392, %swap3A_393] {strides = array<i32>} : memref<128x64xf32, #tpu.memory_space<vmem>>, vector<16xf32>,
          tpu.vector_store %arg17[%swap3A_392, %swap3A_393], %mul3A_391 {strides = array<i32>} : memref<128x64xf32, #tpu.memory_space<vmem>>, vector<16xf32>,
        }
        %scan3A_363 = arith.constant 128 : i32
        "tpu.region"() ({
          %run_scoped3A = tpu.sem_alloc : memref<!tpu.dma_semaphore, #tpu.memory_space<semaphore_mem>>
          %dma_start3A_364 = arith.constant 0 : i32
          %dma_start3A_365 = tpu.memref_slice %arg15[%scan3A_75, %dma_start3A_364] : memref<40x128xi32, #tpu.memory_space<vmem>> -> memref<1x128xi32, #tpu.memory_space<vmem>>
          %dma_start3A_366 = tpu.memref_squeeze %dma_start3A_365 : memref<1x128xi32, #tpu.memory_space<vmem>> -> memref<128xi32, #tpu.memory_space<vmem>>
          %dma_start3A_367 = arith.constant 0 : i32
          %dma_start3A_368 = arith.constant 0 : i32
          %dma_start3A_369 = tpu.memref_slice %arg20[%dma_start3A_367, %dma_start3A_368] : memref<10240x64xf32, #tpu.memory_space<vmem_shared>> -> memref<10240x64xf32, #tpu.memory_space<vmem_shared>>
          tpu.enqueue_indirect_dma source(%arg17 : memref<128x64xf32, #tpu.memory_space<vmem>>) target(%dma_start3A_369 : memref<10240x64xf32, #tpu.memory_space<vmem_shared>>) offsets(%dma_start3A_366 : memref<128xi32, #tpu.memory_space<vmem>>) semaphore(%run_scoped3A : memref<!tpu.dma_semaphore, #tpu.memory_space<semaphore_mem>>) {add = true}
          %dma_wait3A_370 = arith.constant 0 : i32
          %dma_wait3A_371 = tpu.memref_slice %arg15[%scan3A_75, %dma_wait3A_370] : memref<40x128xi32, #tpu.memory_space<vmem>> -> memref<1x128xi32, #tpu.memory_space<vmem>>
          %dma_wait3A_372 = tpu.memref_squeeze %dma_wait3A_371 : memref<1x128xi32, #tpu.memory_space<vmem>> -> memref<128xi32, #tpu.memory_space<vmem>>
          %dma_wait3A_373 = arith.constant 0 : i32
          %dma_wait3A_374 = arith.constant 0 : i32
          %dma_wait3A_375 = tpu.memref_slice %arg20[%dma_wait3A_373, %dma_wait3A_374] : memref<10240x64xf32, #tpu.memory_space<vmem_shared>> -> memref<10240x64xf32, #tpu.memory_space<vmem_shared>>
          tpu.wait_indirect_dma semaphore(%run_scoped3A : memref<!tpu.dma_semaphore, #tpu.memory_space<semaphore_mem>>) src(%arg17 : memref<128x64xf32, #tpu.memory_space<vmem>>) dst(%dma_wait3A_375 : memref<10240x64xf32, #tpu.memory_space<vmem_shared>>)
          tpu.yield
        }) : () -> ()
        "tpu.region"() ({
          %run_scoped3A = tpu.sem_alloc : memref<!tpu.dma_semaphore, #tpu.memory_space<semaphore_mem>>
          %dma_start3A_364 = arith.constant 0 : i32
          %dma_start3A_365 = tpu.memref_slice %arg15[%scan3A_75, %dma_start3A_364] : memref<40x128xi32, #tpu.memory_space<vmem>> -> memref<1x128xi32, #tpu.memory_space<vmem>>
          %dma_start3A_366 = tpu.memref_squeeze %dma_start3A_365 : memref<1x128xi32, #tpu.memory_space<vmem>> -> memref<128xi32, #tpu.memory_space<vmem>>
          %dma_start3A_367 = arith.constant 0 : i32
          %dma_start3A_368 = tpu.memref_slice %arg21[%dma_start3A_367] : memref<10240xf32, #tpu.memory_space<vmem_shared>> -> memref<10240xf32, #tpu.memory_space<vmem_shared>>
          tpu.enqueue_indirect_dma source(%arg18 : memref<128xf32, #tpu.memory_space<vmem>>) target(%dma_start3A_368 : memref<10240xf32, #tpu.memory_space<vmem_shared>>) offsets(%dma_start3A_366 : memref<128xi32, #tpu.memory_space<vmem>>) semaphore(%run_scoped3A : memref<!tpu.dma_semaphore, #tpu.memory_space<semaphore_mem>>) {add = true}
          %dma_wait3A_369 = arith.constant 0 : i32
          %dma_wait3A_370 = tpu.memref_slice %arg15[%scan3A_75, %dma_wait3A_369] : memref<40x128xi32, #tpu.memory_space<vmem>> -> memref<1x128xi32, #tpu.memory_space<vmem>>
          %dma_wait3A_371 = tpu.memref_squeeze %dma_wait3A_370 : memref<1x128xi32, #tpu.memory_space<vmem>> -> memref<128xi32, #tpu.memory_space<vmem>>
          %dma_wait3A_372 = arith.constant 0 : i32
          %dma_wait3A_373 = tpu.memref_slice %arg21[%dma_wait3A_372] : memref<10240xf32, #tpu.memory_space<vmem_shared>> -> memref<10240xf32, #tpu.memory_space<vmem_shared>>
          tpu.wait_indirect_dma semaphore(%run_scoped3A : memref<!tpu.dma_semaphore, #tpu.memory_space<semaphore_mem>>) src(%arg18 : memref<128xf32, #tpu.memory_space<vmem>>) dst(%dma_wait3A_373 : memref<10240xf32, #tpu.memory_space<vmem_shared>>)
          tpu.yield
        }) : () -> ()
      }
      %scan3A_74 = arith.constant 40 : i32
    }
    %scan3A_45 = arith.constant 2 : i32
    %barrier3A_46 = arith.constant 0 : index
    tpu.barrier barrier_id(%barrier3A_46)
    %mul3A_47 = arith.constant 640 : i32
    %mul3A_48 = arith.muli %arg1, %mul3A_47 : i32
    %mul3A_49 = arith.constant 640 : i32
    %mul3A_50 = arith.muli %arg1, %mul3A_49 : i32
    "tpu.region"() ({
      %run_scoped3A = tpu.sem_alloc : memref<!tpu.dma_semaphore, #tpu.memory_space<semaphore_mem>>
      %dma_start3A = arith.constant 0 : i32
      %dma_start3A_55 = tpu.memref_slice %arg9[%arg0, %mul3A_50, %dma_start3A] : memref<2x10240x64xf32, #tpu.memory_space<hbm>> -> memref<1x640x64xf32, #tpu.memory_space<hbm>>
      %dma_start3A_56 = tpu.memref_squeeze %dma_start3A_55 : memref<1x640x64xf32, #tpu.memory_space<hbm>> -> memref<640x64xf32, #tpu.memory_space<hbm>>
      %dma_start3A_57 = arith.constant 0 : i32
      %dma_start3A_58 = tpu.memref_slice %arg20[%mul3A_48, %dma_start3A_57] : memref<10240x64xf32, #tpu.memory_space<vmem_shared>> -> memref<640x64xf32, #tpu.memory_space<vmem_shared>>
      tpu.enqueue_dma source(%dma_start3A_58 : memref<640x64xf32, #tpu.memory_space<vmem_shared>>) target(%dma_start3A_56 : memref<640x64xf32, #tpu.memory_space<hbm>>) target_semaphore(%run_scoped3A : memref<!tpu.dma_semaphore, #tpu.memory_space<semaphore_mem>>)
      %dma_wait3A = arith.constant 0 : i32
      %dma_wait3A_59 = tpu.memref_slice %arg9[%arg0, %mul3A_50, %dma_wait3A] : memref<2x10240x64xf32, #tpu.memory_space<hbm>> -> memref<1x640x64xf32, #tpu.memory_space<hbm>>
      %dma_wait3A_60 = tpu.memref_squeeze %dma_wait3A_59 : memref<1x640x64xf32, #tpu.memory_space<hbm>> -> memref<640x64xf32, #tpu.memory_space<hbm>>
      %dma_wait3A_61 = arith.constant 0 : i32
      %dma_wait3A_62 = tpu.memref_slice %arg20[%mul3A_48, %dma_wait3A_61] : memref<10240x64xf32, #tpu.memory_space<vmem_shared>> -> memref<640x64xf32, #tpu.memory_space<vmem_shared>>
      tpu.wait_dma2 semaphore(%run_scoped3A : memref<!tpu.dma_semaphore, #tpu.memory_space<semaphore_mem>>) src(%dma_wait3A_62 : memref<640x64xf32, #tpu.memory_space<vmem_shared>>) dst(%dma_wait3A_60 : memref<640x64xf32, #tpu.memory_space<hbm>>)
      tpu.yield
    }) : () -> ()
    %mul3A_51 = arith.constant 640 : i32
    %mul3A_52 = arith.muli %arg1, %mul3A_51 : i32
    %mul3A_53 = arith.constant 640 : i32
    %mul3A_54 = arith.muli %arg1, %mul3A_53 : i32
    "tpu.region"() ({
      %run_scoped3A = tpu.sem_alloc : memref<!tpu.dma_semaphore, #tpu.memory_space<semaphore_mem>>
      %dma_start3A = tpu.memref_slice %arg10[%arg0, %mul3A_54] : memref<2x10240xf32, #tpu.memory_space<hbm>> -> memref<1x640xf32, #tpu.memory_space<hbm>>
      %dma_start3A_55 = tpu.memref_squeeze %dma_start3A : memref<1x640xf32, #tpu.memory_space<hbm>> -> memref<640xf32, #tpu.memory_space<hbm>>
      %dma_start3A_56 = tpu.memref_slice %arg21[%mul3A_52] : memref<10240xf32, #tpu.memory_space<vmem_shared>> -> memref<640xf32, #tpu.memory_space<vmem_shared>>
      tpu.enqueue_dma source(%dma_start3A_56 : memref<640xf32, #tpu.memory_space<vmem_shared>>) target(%dma_start3A_55 : memref<640xf32, #tpu.memory_space<hbm>>) target_semaphore(%run_scoped3A : memref<!tpu.dma_semaphore, #tpu.memory_space<semaphore_mem>>)
      %dma_wait3A = tpu.memref_slice %arg10[%arg0, %mul3A_54] : memref<2x10240xf32, #tpu.memory_space<hbm>> -> memref<1x640xf32, #tpu.memory_space<hbm>>
      %dma_wait3A_57 = tpu.memref_squeeze %dma_wait3A : memref<1x640xf32, #tpu.memory_space<hbm>> -> memref<640xf32, #tpu.memory_space<hbm>>
      %dma_wait3A_58 = tpu.memref_slice %arg21[%mul3A_52] : memref<10240xf32, #tpu.memory_space<vmem_shared>> -> memref<640xf32, #tpu.memory_space<vmem_shared>>
      tpu.wait_dma2 semaphore(%run_scoped3A : memref<!tpu.dma_semaphore, #tpu.memory_space<semaphore_mem>>) src(%dma_wait3A_58 : memref<640xf32, #tpu.memory_space<vmem_shared>>) dst(%dma_wait3A_57 : memref<640xf32, #tpu.memory_space<hbm>>)
      tpu.yield
    }) : () -> ()
    return
  }
}

module attributes {stable_mosaic.version = 14 : i64} {
  func.func @_tc1_body(%arg0: memref<10000x128xf32, #tpu.memory_space<vmem>>, %arg1: memref<128x64xf32, #tpu.memory_space<vmem>>, %arg2: memref<64x1xf32, #tpu.memory_space<vmem>>, %arg3: memref<64x1xf32, #tpu.memory_space<vmem>>, %arg4: memref<1x64xf32, #tpu.memory_space<vmem>>, %arg5: memref<64x1xf32, #tpu.memory_space<vmem>>, %arg6: memref<1x64xf32, #tpu.memory_space<vmem>>, %arg7: memref<64x1xf32, #tpu.memory_space<vmem>>, %arg8: memref<10000x64xf32, #tpu.memory_space<vmem>>, %arg9: memref<10000x1xf32, #tpu.memory_space<vmem>>, %arg10: memref<10000x1xf32, #tpu.memory_space<vmem>>, %arg11: memref<1x1xf32, #tpu.memory_space<vmem>>, %arg12: memref<1x1xf32, #tpu.memory_space<vmem>>) attributes {dimension_semantics = [], scalar_prefetch = 0 : i64, scratch_operands = 0 : i64, tpu.core_type = #tpu.core_type<tc>} {
    %get3A = arith.constant 0 : index
    %get3A_0 = arith.constant 0 : index
    %get3A_1 = vector.load %arg0[%get3A, %get3A_0] : memref<10000x128xf32, #tpu.memory_space<vmem>>, vector<10000x128xf32>
    %get3A_2 = arith.constant 0 : index
    %get3A_3 = arith.constant 0 : index
    %get3A_4 = vector.load %arg1[%get3A_2, %get3A_3] : memref<128x64xf32, #tpu.memory_space<vmem>>, vector<128x64xf32>
    %dot_general3A = arith.constant dense<0.000000e+00> : vector<10000x64xf32>
    %dot_general3A_5 = tpu.matmul %get3A_1, %get3A_4, %dot_general3A {dimension_numbers = #tpu.dot_dimension_numbers<[1], [0], [0], [1], [0, 0, 1, 1], [], []>, transpose_lhs_hint = false} : vector<10000x128xf32>, vector<128x64xf32>, vector<10000x64xf32> -> vector<10000x64xf32>
    %swap3A = arith.constant 0 : index
    %swap3A_6 = arith.constant 0 : index
    %swap3A_7 = vector.load %arg8[%swap3A, %swap3A_6] : memref<10000x64xf32, #tpu.memory_space<vmem>>, vector<10000x64xf32>
    tpu.vector_store %arg8[%swap3A, %swap3A_6], %dot_general3A_5 {strides = array<i32>} : memref<10000x64xf32, #tpu.memory_space<vmem>>, vector<10000x64xf32>,
    %get3A_8 = arith.constant 0 : index
    %get3A_9 = arith.constant 0 : index
    %get3A_10 = vector.load %arg2[%get3A_8, %get3A_9] : memref<64x1xf32, #tpu.memory_space<vmem>>, vector<64x1xf32>
    %dot_general3A_11 = arith.constant dense<0.000000e+00> : vector<10000x1xf32>
    %dot_general3A_12 = tpu.matmul %dot_general3A_5, %get3A_10, %dot_general3A_11 {dimension_numbers = #tpu.dot_dimension_numbers<[1], [0], [0], [1], [0, 0, 1, 1], [], []>, transpose_lhs_hint = false} : vector<10000x64xf32>, vector<64x1xf32>, vector<10000x1xf32> -> vector<10000x1xf32>
    %swap3A_13 = arith.constant 0 : index
    %swap3A_14 = arith.constant 0 : index
    %swap3A_15 = vector.load %arg9[%swap3A_13, %swap3A_14] : memref<10000x1xf32, #tpu.memory_space<vmem>>, vector<10000x1xf32>
    tpu.vector_store %arg9[%swap3A_13, %swap3A_14], %dot_general3A_12 {strides = array<i32>} : memref<10000x1xf32, #tpu.memory_space<vmem>>, vector<10000x1xf32>,
    %get3A_16 = arith.constant 0 : index
    %get3A_17 = arith.constant 0 : index
    %get3A_18 = vector.load %arg3[%get3A_16, %get3A_17] : memref<64x1xf32, #tpu.memory_space<vmem>>, vector<64x1xf32>
    %dot_general3A_19 = arith.constant dense<0.000000e+00> : vector<10000x1xf32>
    %dot_general3A_20 = tpu.matmul %dot_general3A_5, %get3A_18, %dot_general3A_19 {dimension_numbers = #tpu.dot_dimension_numbers<[1], [0], [0], [1], [0, 0, 1, 1], [], []>, transpose_lhs_hint = false} : vector<10000x64xf32>, vector<64x1xf32>, vector<10000x1xf32> -> vector<10000x1xf32>
    %swap3A_21 = arith.constant 0 : index
    %swap3A_22 = arith.constant 0 : index
    %swap3A_23 = vector.load %arg10[%swap3A_21, %swap3A_22] : memref<10000x1xf32, #tpu.memory_space<vmem>>, vector<10000x1xf32>
    tpu.vector_store %arg10[%swap3A_21, %swap3A_22], %dot_general3A_20 {strides = array<i32>} : memref<10000x1xf32, #tpu.memory_space<vmem>>, vector<10000x1xf32>,
    %get3A_24 = arith.constant 0 : index
    %get3A_25 = arith.constant 0 : index
    %get3A_26 = vector.load %arg4[%get3A_24, %get3A_25] : memref<1x64xf32, #tpu.memory_space<vmem>>, vector<1x64xf32>
    %get3A_27 = arith.constant 0 : index
    %get3A_28 = arith.constant 0 : index
    %get3A_29 = vector.load %arg5[%get3A_27, %get3A_28] : memref<64x1xf32, #tpu.memory_space<vmem>>, vector<64x1xf32>
    %dot_general3A_30 = arith.constant dense<0.000000e+00> : vector<1x1xf32>
    %dot_general3A_31 = tpu.matmul %get3A_26, %get3A_29, %dot_general3A_30 {dimension_numbers = #tpu.dot_dimension_numbers<[1], [0], [0], [1], [0, 0, 1, 1], [], []>, transpose_lhs_hint = false} : vector<1x64xf32>, vector<64x1xf32>, vector<1x1xf32> -> vector<1x1xf32>
    %swap3A_32 = arith.constant 0 : index
    %swap3A_33 = arith.constant 0 : index
    %swap3A_34 = vector.load %arg11[%swap3A_32, %swap3A_33] : memref<1x1xf32, #tpu.memory_space<vmem>>, vector<1x1xf32>
    tpu.vector_store %arg11[%swap3A_32, %swap3A_33], %dot_general3A_31 {strides = array<i32>} : memref<1x1xf32, #tpu.memory_space<vmem>>, vector<1x1xf32>,
    %get3A_35 = arith.constant 0 : index
    %get3A_36 = arith.constant 0 : index
    %get3A_37 = vector.load %arg6[%get3A_35, %get3A_36] : memref<1x64xf32, #tpu.memory_space<vmem>>, vector<1x64xf32>
    %get3A_38 = arith.constant 0 : index
    %get3A_39 = arith.constant 0 : index
    %get3A_40 = vector.load %arg7[%get3A_38, %get3A_39] : memref<64x1xf32, #tpu.memory_space<vmem>>, vector<64x1xf32>
    %dot_general3A_41 = arith.constant dense<0.000000e+00> : vector<1x1xf32>
    %dot_general3A_42 = tpu.matmul %get3A_37, %get3A_40, %dot_general3A_41 {dimension_numbers = #tpu.dot_dimension_numbers<[1], [0], [0], [1], [0, 0, 1, 1], [], []>, transpose_lhs_hint = false} : vector<1x64xf32>, vector<64x1xf32>, vector<1x1xf32> -> vector<1x1xf32>
    %swap3A_43 = arith.constant 0 : index
    %swap3A_44 = arith.constant 0 : index
    %swap3A_45 = vector.load %arg12[%swap3A_43, %swap3A_44] : memref<1x1xf32, #tpu.memory_space<vmem>>, vector<1x1xf32>
    tpu.vector_store %arg12[%swap3A_43, %swap3A_44], %dot_general3A_42 {strides = array<i32>} : memref<1x1xf32, #tpu.memory_space<vmem>>, vector<1x1xf32>,
    return
  }
}

module attributes {stable_mosaic.version = 14 : i64} {
  func.func @_tc2_body(%arg0: memref<2x10240x64xf32, #tpu.memory_space<vmem>>, %arg1: memref<2x10240x1xf32, #tpu.memory_space<vmem>>, %arg2: memref<1x64xf32, #tpu.memory_space<vmem>>, %arg3: memref<64x64xf32, #tpu.memory_space<vmem>>, %arg4: memref<64x1xf32, #tpu.memory_space<vmem>>, %arg5: memref<64x1xf32, #tpu.memory_space<vmem>>, %arg6: memref<10240x64xf32, #tpu.memory_space<vmem>>, %arg7: memref<10240x1xf32, #tpu.memory_space<vmem>>, %arg8: memref<10240x1xf32, #tpu.memory_space<vmem>>) attributes {dimension_semantics = [], scalar_prefetch = 0 : i64, scratch_operands = 0 : i64, tpu.core_type = #tpu.core_type<tc>} {
    %get3A = arith.constant 0 : index
    %get3A_0 = arith.constant 0 : index
    %get3A_1 = arith.constant 0 : index
    %get3A_2 = vector.load %arg0[%get3A, %get3A_0, %get3A_1] : memref<2x10240x64xf32, #tpu.memory_space<vmem>>, vector<1x10240x64xf32>
    %get3A_3 = vector.shape_cast %get3A_2 : vector<1x10240x64xf32> to vector<10240x64xf32>
    %get3A_4 = arith.constant 1 : index
    %get3A_5 = arith.constant 0 : index
    %get3A_6 = arith.constant 0 : index
    %get3A_7 = vector.load %arg0[%get3A_4, %get3A_5, %get3A_6] : memref<2x10240x64xf32, #tpu.memory_space<vmem>>, vector<1x10240x64xf32>
    %get3A_8 = vector.shape_cast %get3A_7 : vector<1x10240x64xf32> to vector<10240x64xf32>
    %add3A = arith.addf %get3A_3, %get3A_8 : vector<10240x64xf32>
    %get3A_9 = arith.constant 0 : index
    %get3A_10 = arith.constant 0 : index
    %get3A_11 = arith.constant 0 : index
    %get3A_12 = vector.load %arg1[%get3A_9, %get3A_10, %get3A_11] : memref<2x10240x1xf32, #tpu.memory_space<vmem>>, vector<1x10240x1xf32>
    %get3A_13 = vector.shape_cast %get3A_12 : vector<1x10240x1xf32> to vector<10240x1xf32>
    %get3A_14 = arith.constant 1 : index
    %get3A_15 = arith.constant 0 : index
    %get3A_16 = arith.constant 0 : index
    %get3A_17 = vector.load %arg1[%get3A_14, %get3A_15, %get3A_16] : memref<2x10240x1xf32, #tpu.memory_space<vmem>>, vector<1x10240x1xf32>
    %get3A_18 = vector.shape_cast %get3A_17 : vector<1x10240x1xf32> to vector<10240x1xf32>
    %add3A_19 = arith.addf %get3A_13, %get3A_18 : vector<10240x1xf32>
    %add3A_20 = arith.constant 1.000000e-16 : f32
    %add3A_21 = vector.broadcast %add3A_20 : f32 to vector<10240x1xf32>
    %add3A_22 = arith.addf %add3A_19, %add3A_21 : vector<10240x1xf32>
    %div3A = vector.broadcast %add3A_22 : vector<10240x1xf32> to vector<10240x64xf32>
    %div3A_23 = arith.divf %add3A, %div3A : vector<10240x64xf32>
    %get3A_24 = arith.constant 0 : index
    %get3A_25 = arith.constant 0 : index
    %get3A_26 = vector.load %arg2[%get3A_24, %get3A_25] : memref<1x64xf32, #tpu.memory_space<vmem>>, vector<1x64xf32>
    %add3A_27 = vector.broadcast %get3A_26 : vector<1x64xf32> to vector<10240x64xf32>
    %add3A_28 = arith.addf %div3A_23, %add3A_27 : vector<10240x64xf32>
    %max3A = arith.constant 0.000000e+00 : f32
    %max3A_29 = vector.broadcast %max3A : f32 to vector<10240x64xf32>
    %max3A_30 = arith.maximumf %add3A_28, %max3A_29 : vector<10240x64xf32>
    %get3A_31 = arith.constant 0 : index
    %get3A_32 = arith.constant 0 : index
    %get3A_33 = vector.load %arg3[%get3A_31, %get3A_32] : memref<64x64xf32, #tpu.memory_space<vmem>>, vector<64x64xf32>
    %dot_general3A = arith.constant dense<0.000000e+00> : vector<10240x64xf32>
    %dot_general3A_34 = tpu.matmul %max3A_30, %get3A_33, %dot_general3A {dimension_numbers = #tpu.dot_dimension_numbers<[1], [0], [0], [1], [0, 0, 1, 1], [], []>, transpose_lhs_hint = false} : vector<10240x64xf32>, vector<64x64xf32>, vector<10240x64xf32> -> vector<10240x64xf32>
    %swap3A = arith.constant 0 : index
    %swap3A_35 = arith.constant 0 : index
    %swap3A_36 = vector.load %arg6[%swap3A, %swap3A_35] : memref<10240x64xf32, #tpu.memory_space<vmem>>, vector<10240x64xf32>
    tpu.vector_store %arg6[%swap3A, %swap3A_35], %dot_general3A_34 {strides = array<i32>} : memref<10240x64xf32, #tpu.memory_space<vmem>>, vector<10240x64xf32>,
    %get3A_37 = arith.constant 0 : index
    %get3A_38 = arith.constant 0 : index
    %get3A_39 = vector.load %arg4[%get3A_37, %get3A_38] : memref<64x1xf32, #tpu.memory_space<vmem>>, vector<64x1xf32>
    %dot_general3A_40 = arith.constant dense<0.000000e+00> : vector<10240x1xf32>
    %dot_general3A_41 = tpu.matmul %dot_general3A_34, %get3A_39, %dot_general3A_40 {dimension_numbers = #tpu.dot_dimension_numbers<[1], [0], [0], [1], [0, 0, 1, 1], [], []>, transpose_lhs_hint = false} : vector<10240x64xf32>, vector<64x1xf32>, vector<10240x1xf32> -> vector<10240x1xf32>
    %swap3A_42 = arith.constant 0 : index
    %swap3A_43 = arith.constant 0 : index
    %swap3A_44 = vector.load %arg7[%swap3A_42, %swap3A_43] : memref<10240x1xf32, #tpu.memory_space<vmem>>, vector<10240x1xf32>
    tpu.vector_store %arg7[%swap3A_42, %swap3A_43], %dot_general3A_41 {strides = array<i32>} : memref<10240x1xf32, #tpu.memory_space<vmem>>, vector<10240x1xf32>,
    %get3A_45 = arith.constant 0 : index
    %get3A_46 = arith.constant 0 : index
    %get3A_47 = vector.load %arg5[%get3A_45, %get3A_46] : memref<64x1xf32, #tpu.memory_space<vmem>>, vector<64x1xf32>
    %dot_general3A_48 = arith.constant dense<0.000000e+00> : vector<10240x1xf32>
    %dot_general3A_49 = tpu.matmul %dot_general3A_34, %get3A_47, %dot_general3A_48 {dimension_numbers = #tpu.dot_dimension_numbers<[1], [0], [0], [1], [0, 0, 1, 1], [], []>, transpose_lhs_hint = false} : vector<10240x64xf32>, vector<64x1xf32>, vector<10240x1xf32> -> vector<10240x1xf32>
    %swap3A_50 = arith.constant 0 : index
    %swap3A_51 = arith.constant 0 : index
    %swap3A_52 = vector.load %arg8[%swap3A_50, %swap3A_51] : memref<10240x1xf32, #tpu.memory_space<vmem>>, vector<10240x1xf32>
    tpu.vector_store %arg8[%swap3A_50, %swap3A_51], %dot_general3A_49 {strides = array<i32>} : memref<10240x1xf32, #tpu.memory_space<vmem>>, vector<10240x1xf32>,
    return
  }
}

module attributes {stable_mosaic.version = 14 : i64} {
  func.func @_tc3_body(%arg0: memref<2x10240x64xf32, #tpu.memory_space<vmem>>, %arg1: memref<2x10240x1xf32, #tpu.memory_space<vmem>>, %arg2: memref<1x64xf32, #tpu.memory_space<vmem>>, %arg3: memref<10000x1xi32, #tpu.memory_space<vmem>>, %arg4: memref<64x64xf32, #tpu.memory_space<vmem>>, %arg5: memref<1x64xf32, #tpu.memory_space<vmem>>, %arg6: memref<1x64xf32, #tpu.memory_space<vmem>>, %arg7: memref<1x64xf32, #tpu.memory_space<vmem>>, %arg8: memref<64x64xf32, #tpu.memory_space<vmem>>, %arg9: memref<1x64xf32, #tpu.memory_space<vmem>>, %arg10: memref<64x64xf32, #tpu.memory_space<vmem>>) attributes {dimension_semantics = [], scalar_prefetch = 0 : i64, scratch_operands = 0 : i64, tpu.core_type = #tpu.core_type<tc>} {
    %get3A = arith.constant 0 : index
    %get3A_0 = arith.constant 0 : index
    %get3A_1 = arith.constant 0 : index
    %get3A_2 = vector.load %arg0[%get3A, %get3A_0, %get3A_1] : memref<2x10240x64xf32, #tpu.memory_space<vmem>>, vector<1x10000x64xf32>
    %get3A_3 = vector.shape_cast %get3A_2 : vector<1x10000x64xf32> to vector<10000x64xf32>
    %get3A_4 = arith.constant 1 : index
    %get3A_5 = arith.constant 0 : index
    %get3A_6 = arith.constant 0 : index
    %get3A_7 = vector.load %arg0[%get3A_4, %get3A_5, %get3A_6] : memref<2x10240x64xf32, #tpu.memory_space<vmem>>, vector<1x10000x64xf32>
    %get3A_8 = vector.shape_cast %get3A_7 : vector<1x10000x64xf32> to vector<10000x64xf32>
    %add3A = arith.addf %get3A_3, %get3A_8 : vector<10000x64xf32>
    %get3A_9 = arith.constant 0 : index
    %get3A_10 = arith.constant 0 : index
    %get3A_11 = arith.constant 0 : index
    %get3A_12 = vector.load %arg1[%get3A_9, %get3A_10, %get3A_11] : memref<2x10240x1xf32, #tpu.memory_space<vmem>>, vector<1x10000x1xf32>
    %get3A_13 = vector.shape_cast %get3A_12 : vector<1x10000x1xf32> to vector<10000x1xf32>
    %get3A_14 = arith.constant 1 : index
    %get3A_15 = arith.constant 0 : index
    %get3A_16 = arith.constant 0 : index
    %get3A_17 = vector.load %arg1[%get3A_14, %get3A_15, %get3A_16] : memref<2x10240x1xf32, #tpu.memory_space<vmem>>, vector<1x10000x1xf32>
    %get3A_18 = vector.shape_cast %get3A_17 : vector<1x10000x1xf32> to vector<10000x1xf32>
    %add3A_19 = arith.addf %get3A_13, %get3A_18 : vector<10000x1xf32>
    %add3A_20 = arith.constant 1.000000e-16 : f32
    %add3A_21 = vector.broadcast %add3A_20 : f32 to vector<10000x1xf32>
    %add3A_22 = arith.addf %add3A_19, %add3A_21 : vector<10000x1xf32>
    %div3A = vector.broadcast %add3A_22 : vector<10000x1xf32> to vector<10000x64xf32>
    %div3A_23 = arith.divf %add3A, %div3A : vector<10000x64xf32>
    %get3A_24 = arith.constant 0 : index
    %get3A_25 = arith.constant 0 : index
    %get3A_26 = vector.load %arg2[%get3A_24, %get3A_25] : memref<1x64xf32, #tpu.memory_space<vmem>>, vector<1x64xf32>
    %add3A_27 = vector.broadcast %get3A_26 : vector<1x64xf32> to vector<10000x64xf32>
    %add3A_28 = arith.addf %div3A_23, %add3A_27 : vector<10000x64xf32>
    %get3A_29 = arith.constant 0 : index
    %get3A_30 = arith.constant 0 : index
    %get3A_31 = vector.load %arg3[%get3A_29, %get3A_30] : memref<10000x1xi32, #tpu.memory_space<vmem>>, vector<10000x1xi32>
    %iota3A = tpu.iota {dimensions = array<i32: 1>} : vector<10000x64xi32>
    %eq3A = vector.broadcast %get3A_31 : vector<10000x1xi32> to vector<10000x64xi32>
    %eq3A_32 = arith.cmpi eq, %eq3A, %iota3A : vector<10000x64xi32>
    %convert_element_type3A = arith.extui %eq3A_32 : vector<10000x64xi1> to vector<10000x64xi32>
    %convert_element_type3A_33 = arith.sitofp %convert_element_type3A : vector<10000x64xi32> to vector<10000x64xf32>
    %dot_general3A = arith.constant dense<0.000000e+00> : vector<64x64xf32>
    %dot_general3A_34 = tpu.matmul %convert_element_type3A_33, %add3A_28, %dot_general3A {dimension_numbers = #tpu.dot_dimension_numbers<[0], [0], [1], [1], [0, 1, 1, 1], [], []>, transpose_lhs_hint = false} : vector<10000x64xf32>, vector<10000x64xf32>, vector<64x64xf32> -> vector<64x64xf32>
    %broadcast_in_dim3A = arith.constant 1.000000e+00 : f32
    %broadcast_in_dim3A_35 = vector.broadcast %broadcast_in_dim3A : f32 to vector<10000x1xf32>
    %dot_general3A_36 = arith.constant dense<0.000000e+00> : vector<64x1xf32>
    %dot_general3A_37 = tpu.matmul %convert_element_type3A_33, %broadcast_in_dim3A_35, %dot_general3A_36 {dimension_numbers = #tpu.dot_dimension_numbers<[0], [0], [1], [1], [0, 1, 1, 1], [], []>, transpose_lhs_hint = false} : vector<10000x64xf32>, vector<10000x1xf32>, vector<64x1xf32> -> vector<64x1xf32>
    %max3A = arith.constant 1.000000e+00 : f32
    %max3A_38 = vector.broadcast %max3A : f32 to vector<64x1xf32>
    %max3A_39 = arith.maximumf %dot_general3A_37, %max3A_38 : vector<64x1xf32>
    %div3A_40 = vector.broadcast %max3A_39 : vector<64x1xf32> to vector<64x64xf32>
    %div3A_41 = arith.divf %dot_general3A_34, %div3A_40 : vector<64x64xf32>
    %get3A_42 = arith.constant 0 : index
    %get3A_43 = arith.constant 0 : index
    %get3A_44 = vector.load %arg4[%get3A_42, %get3A_43] : memref<64x64xf32, #tpu.memory_space<vmem>>, vector<64x64xf32>
    %dot_general3A_45 = arith.constant dense<0.000000e+00> : vector<64x64xf32>
    %dot_general3A_46 = tpu.matmul %div3A_41, %get3A_44, %dot_general3A_45 {dimension_numbers = #tpu.dot_dimension_numbers<[1], [0], [0], [1], [0, 0, 1, 1], [], []>, transpose_lhs_hint = false} : vector<64x64xf32>, vector<64x64xf32>, vector<64x64xf32> -> vector<64x64xf32>
    %get3A_47 = arith.constant 0 : index
    %get3A_48 = arith.constant 0 : index
    %get3A_49 = vector.load %arg5[%get3A_47, %get3A_48] : memref<1x64xf32, #tpu.memory_space<vmem>>, vector<1x64xf32>
    %add3A_50 = vector.broadcast %get3A_49 : vector<1x64xf32> to vector<64x64xf32>
    %add3A_51 = arith.addf %dot_general3A_46, %add3A_50 : vector<64x64xf32>
    %max3A_52 = arith.constant 0.000000e+00 : f32
    %max3A_53 = vector.broadcast %max3A_52 : f32 to vector<64x64xf32>
    %max3A_54 = arith.maximumf %add3A_51, %max3A_53 : vector<64x64xf32>
    %reduce_sum3A = arith.constant dense<0.000000e+00> : vector<64xf32>
    %reduce_sum3A_55 = vector.multi_reduction <add>, %max3A_54, %reduce_sum3A [1] : vector<64x64xf32> to vector<64xf32>
    %broadcast_in_dim3A_56 = vector.shape_cast %reduce_sum3A_55 : vector<64xf32> to vector<64x1xf32>
    %div3A_57 = arith.constant 6.400000e+01 : f32
    %div3A_58 = vector.broadcast %div3A_57 : f32 to vector<64x1xf32>
    %div3A_59 = arith.divf %broadcast_in_dim3A_56, %div3A_58 : vector<64x1xf32>
    %sub3A = vector.broadcast %div3A_59 : vector<64x1xf32> to vector<64x64xf32>
    %sub3A_60 = arith.subf %max3A_54, %sub3A : vector<64x64xf32>
    %integer_pow3A = arith.mulf %sub3A_60, %sub3A_60 : vector<64x64xf32>
    %reduce_sum3A_61 = arith.constant dense<0.000000e+00> : vector<64xf32>
    %reduce_sum3A_62 = vector.multi_reduction <add>, %integer_pow3A, %reduce_sum3A_61 [1] : vector<64x64xf32> to vector<64xf32>
    %broadcast_in_dim3A_63 = vector.shape_cast %reduce_sum3A_62 : vector<64xf32> to vector<64x1xf32>
    %div3A_64 = arith.constant 6.400000e+01 : f32
    %div3A_65 = vector.broadcast %div3A_64 : f32 to vector<64x1xf32>
    %div3A_66 = arith.divf %broadcast_in_dim3A_63, %div3A_65 : vector<64x1xf32>
    %sub3A_67 = vector.broadcast %div3A_59 : vector<64x1xf32> to vector<64x64xf32>
    %sub3A_68 = arith.subf %max3A_54, %sub3A_67 : vector<64x64xf32>
    %add3A_69 = arith.constant 9.99999974E-6 : f32
    %add3A_70 = vector.broadcast %add3A_69 : f32 to vector<64x1xf32>
    %add3A_71 = arith.addf %div3A_66, %add3A_70 : vector<64x1xf32>
    %sqrt3A = math.sqrt %add3A_71 : vector<64x1xf32>
    %div3A_72 = vector.broadcast %sqrt3A : vector<64x1xf32> to vector<64x64xf32>
    %div3A_73 = arith.divf %sub3A_68, %div3A_72 : vector<64x64xf32>
    %get3A_74 = arith.constant 0 : index
    %get3A_75 = arith.constant 0 : index
    %get3A_76 = vector.load %arg6[%get3A_74, %get3A_75] : memref<1x64xf32, #tpu.memory_space<vmem>>, vector<1x64xf32>
    %mul3A = vector.broadcast %get3A_76 : vector<1x64xf32> to vector<64x64xf32>
    %mul3A_77 = arith.mulf %div3A_73, %mul3A : vector<64x64xf32>
    %get3A_78 = arith.constant 0 : index
    %get3A_79 = arith.constant 0 : index
    %get3A_80 = vector.load %arg7[%get3A_78, %get3A_79] : memref<1x64xf32, #tpu.memory_space<vmem>>, vector<1x64xf32>
    %add3A_81 = vector.broadcast %get3A_80 : vector<1x64xf32> to vector<64x64xf32>
    %add3A_82 = arith.addf %mul3A_77, %add3A_81 : vector<64x64xf32>
    %get3A_83 = arith.constant 0 : index
    %get3A_84 = arith.constant 0 : index
    %get3A_85 = vector.load %arg8[%get3A_83, %get3A_84] : memref<64x64xf32, #tpu.memory_space<vmem>>, vector<64x64xf32>
    %dot_general3A_86 = arith.constant dense<0.000000e+00> : vector<64x64xf32>
    %dot_general3A_87 = tpu.matmul %add3A_82, %get3A_85, %dot_general3A_86 {dimension_numbers = #tpu.dot_dimension_numbers<[1], [0], [0], [1], [0, 0, 1, 1], [], []>, transpose_lhs_hint = false} : vector<64x64xf32>, vector<64x64xf32>, vector<64x64xf32> -> vector<64x64xf32>
    %get3A_88 = arith.constant 0 : index
    %get3A_89 = arith.constant 0 : index
    %get3A_90 = vector.load %arg9[%get3A_88, %get3A_89] : memref<1x64xf32, #tpu.memory_space<vmem>>, vector<1x64xf32>
    %add3A_91 = vector.broadcast %get3A_90 : vector<1x64xf32> to vector<64x64xf32>
    %add3A_92 = arith.addf %dot_general3A_87, %add3A_91 : vector<64x64xf32>
    %swap3A = arith.constant 0 : index
    %swap3A_93 = arith.constant 0 : index
    %swap3A_94 = vector.load %arg10[%swap3A, %swap3A_93] : memref<64x64xf32, #tpu.memory_space<vmem>>, vector<64x64xf32>
    tpu.vector_store %arg10[%swap3A, %swap3A_93], %add3A_92 {strides = array<i32>} : memref<64x64xf32, #tpu.memory_space<vmem>>, vector<64x64xf32>,
    return
  }
}

</mosaic_0001>

<sc_bundles>
// kernel: kernel.10.cloned.1.call-start
scs
__scs_entry_jumppad:
0x0: {  	(pc) =	sbr.rel $0x88, $3  }
0x1: {  	(tag) =	ssettag $0x0;
	lr =	simm.s32 $0x1  }
0x2: {  	[smem:$0x3F8B] =	sst lr;
	_ =	strace $0xD0000000  }
0x3: {  	_ = 	snop  }
0x4: {  	_ = 	snop  }
0x5: {  	_ = 	snop  }
0x6: {  	_ = 	snop  }
0x7: {  	_ = 	snop  }
__scs_overlays_trampoline_lowered:
0x8: {  	[smem:$0x3F9A] =	sst s0  }
0x9: {  	[smem:$0x3F9B] =	sst s1  }
0xa: {  	[smem:$0x3F9C] =	sst s2  }
0xb: {  	[smem:$0x3F9D] =	sst s3  }
0xc: {  	[smem:$0x3F9E] =	sst s4  }
0xd: {  	[smem:$0x3F9F] =	sst s5  }
0xe: {  	[smem:$0x3FA0] =	sst s6  }
0xf: {  	[smem:$0x3FA1] =	sst s7  }
0x10: {  	[smem:$0x3FA2] =	sst s8  }
0x11: {  	[smem:$0x3FA3] =	sst s9;
	s0 =	simm.s32 @!p0 $0x0  }
0x12: {  	s1 =	sld [smem:$0x3F89];
	s0 =	simm.s32 @p0 $0x1  }
0x13: {  	[smem:$0x3FA4] =	sst s0;
	s0 =	simm.s32 @!p1 $0x0  }
0x14: {  	s2 =	sld [smem:$0x3F88];
	s0 =	simm.s32 @p1 $0x1  }
0x15: {  	[smem:$0x3FA5] =	sst s0;
	s0 =	simm.s32 @!p2 $0x0  }
0x16: {  	s3 =	sld [smem:$0x3FDB];
	s0 =	simm.s32 @p2 $0x1  }
0x17: {  	s4 =	simm.s32 $0x1BF5;
	[smem:$0x3FA7] =	sst s0  }
0x18: {  	s0 =	sld [smem:$0x3F8A];
	_ =	swait.ge [sflag:s4], $0x0  }
0x19: {  	s7 =	sld [smem:$0x3F8B]  }
0x1a: {  	s8 =	sadd.s32 $0xFFFFE003, lr  }
0x1b: {  	s9 =	sadd.s32 $0xFFFFFEF7, lr;
	s5 =	simm.s32 $0xFFFFFFFF;
	p2 =	slt.u32 s8, $0xFFFFF086  }
0x1c: {  	p1 =	slt.u32 s9, $0xF7A;
	s5 =	simm.s32 @!p2 $0x0  }
0x1d: {  	s5 =	simm.s32 @p1 $0x1;
	p0 =	seq.s32 s7, s2  }
0x1e: {  	s7 =	smul.u32 @!p0 $0xF7A, s2;
	p2 =	seq.s32 @!p0 s5, $0x0  }
0x1f: {  	s9 =	smul.u32 $0xF7A, s1;
	s8 =	simm.s32 @!p0 $0x1BF5;
	p2 =	por !p2, p0  }
0x20: {  	[sflag:s8] =	ssyncset.s32 @!p0 $0xFFFFF086;
	s6 =	sadd.s32 @!p0 s3, s7;
	s7 =	simm.s32 @!p0 $0x108  }
0x21: {  	s3 =	sadd.s32 s3, s9;
	s6 =	sadd.s32 @!p0 $0x88, s6;
	s7 =	simm.s32 @p2 $0x1082  }
0x22: {  	[simem:s7], [sflag:s8] =	dma.local @!p0 [hbm:s6], $0xF7A  }
0x23: {  	s9 =	sor.u32 $0xD0000000, s2;
	s6 =	simm.s32 $0x108;
	_ =	swait.ge @!p0 [sflag:s8], $0x0  }
0x24: {  	s3 =	sadd.s32 $0x88, s3;
	s6 =	simm.s32 @!p1 $0x1082;
	[sflag:s4] =	ssyncset.s32 $0xFFFFF086  }
0x25: {  	[simem:s6], [sflag:s4] =	dma.local [hbm:s3], $0xF7A  }
0x26: {  	[smem:$0x3F8B] =	sst s1;
	(tag) =	ssettag s2;
	_ =	strace s9  }
0x27: {  	s1 =	sld [smem:$0x3F9B]  }
0x28: {  	s2 =	sld [smem:$0x3F9C]  }
0x29: {  	s4 =	sld [smem:$0x3F9E]  }
0x2a: {  	p0 =	seq.s32 s5, $0x0;
	s5 =	sld [smem:$0x3F9F]  }
0x2b: {  	s6 =	sld [smem:$0x3FA0]  }
0x2c: {  	s7 =	sld [smem:$0x3FA1]  }
0x2d: {  	s3 =	simm.s32 $0x108;
	s8 =	sld [smem:$0x3FA2]  }
0x2e: {  	s3 =	simm.s32 @!p0 $0x1082;
	s9 =	sld [smem:$0x3FA3]  }
0x2f: {  	lr =	sadd.s32 s0, s3;
	s0 =	sld [smem:$0x3F9A]  }
0x30: {  	s3 =	sld [smem:$0x3F9D]  }
0x31: {  	[smem:$0x3FA6] =	sst s10  }
0x32: {  	s10 =	sld [smem:$0x3FA4];
	_ =	sdelay $0x3  }
0x33: {  	p0 =	seq.s32 s10, $0x1;
	s10 =	sld [smem:$0x3FA6];
	_ =	sdelay $0x3  }
0x34: {  	[smem:$0x3FA6] =	sst s10  }
0x35: {  	s10 =	sld [smem:$0x3FA5];
	_ =	sdelay $0x3  }
0x36: {  	p1 =	seq.s32 s10, $0x1;
	s10 =	sld [smem:$0x3FA6];
	_ =	sdelay $0x3  }
0x37: {  	[smem:$0x3FA6] =	sst s10  }
0x38: {  	s10 =	sld [smem:$0x3FA7]  }
0x39: {  	_ = 	snop;
	(pc) =	sbr.ind lr, $3  }
0x3a: {  	_ = 	snop  }
0x3b: {  	_ = 	snop  }
0x3c: {  	p2 =	seq.s32 s10, $0x1;
	s10 =	sld [smem:$0x3FA6]  }
0x3d: {  	_ =	shalt  }
0x3e: {  	_ =	shalt  }
0x3f: {  	_ =	shalt  }
0x40: {  	_ =	shalt  }
0x41: {  	_ =	shalt  }
0x42: {  	_ =	shalt  }
0x43: {  	_ =	shalt  }
0x44: {  	_ =	shalt  }
0x45: {  	_ =	shalt  }
0x46: {  	_ =	shalt  }
0x47: {  	_ =	shalt  }
0x48: {  	_ =	shalt  }
0x49: {  	_ =	shalt  }
0x4a: {  	_ =	shalt  }
0x4b: {  	_ =	shalt  }
0x4c: {  	_ =	shalt  }
0x4d: {  	_ =	shalt  }
0x4e: {  	_ =	shalt  }
0x4f: {  	_ =	shalt  }
0x50: {  	_ =	shalt  }
0x51: {  	_ =	shalt  }
0x52: {  	_ =	shalt  }
0x53: {  	_ =	shalt  }
0x54: {  	_ =	shalt  }
0x55: {  	_ =	shalt  }
0x56: {  	_ =	shalt  }
0x57: {  	_ =	shalt  }
0x58: {  	_ =	shalt  }
0x59: {  	_ =	shalt  }
0x5a: {  	_ =	shalt  }
0x5b: {  	_ =	shalt  }
0x5c: {  	_ =	shalt  }
0x5d: {  	_ =	shalt  }
0x5e: {  	_ =	shalt  }
0x5f: {  	_ =	shalt  }
0x60: {  	_ =	shalt  }
0x61: {  	_ =	shalt  }
0x62: {  	_ =	shalt  }
0x63: {  	_ =	shalt  }
0x64: {  	_ =	shalt  }
0x65: {  	_ =	shalt  }
0x66: {  	_ =	shalt  }
0x67: {  	_ =	shalt  }
0x68: {  	_ =	shalt  }
0x69: {  	_ =	shalt  }
0x6a: {  	_ =	shalt  }
0x6b: {  	_ =	shalt  }
0x6c: {  	_ =	shalt  }
0x6d: {  	_ =	shalt  }
0x6e: {  	_ =	shalt  }
0x6f: {  	_ =	shalt  }
0x70: {  	_ =	shalt  }
0x71: {  	_ =	shalt  }
0x72: {  	_ =	shalt  }
0x73: {  	_ =	shalt  }
0x74: {  	_ =	shalt  }
0x75: {  	_ =	shalt  }
0x76: {  	_ =	shalt  }
0x77: {  	_ =	shalt  }
0x78: {  	_ =	shalt  }
0x79: {  	_ =	shalt  }
0x7a: {  	_ =	shalt  }
0x7b: {  	_ =	shalt  }
0x7c: {  	_ =	shalt  }
0x7d: {  	_ =	shalt  }
0x7e: {  	_ =	shalt  }
0x7f: {  	_ =	shalt  }
0x80: {  	_ =	shalt  }
0x81: {  	_ =	shalt  }
0x82: {  	_ =	shalt  }
0x83: {  	_ =	shalt  }
0x84: {  	_ =	shalt  }
0x85: {  	_ =	shalt  }
0x86: {  	_ =	shalt  }
0x87: {  	_ =	shalt  }
.Lfunc_end0:
.L_simem_size_0:
called_computation.1_lowered:
.L_overlay_start_0:
0x88: {  	s2 =	sld [smem:$0x3FD9]  }
0x89: {  	s3 =	sld [smem:$0x3FFE];
	_ =	sdelay $0x1  }
0x8a: {  	s1 =	srdreg.scid  }
0x8b: {  	s0 =	sand.u32 $0x1, s1  }
0x8c: {  	s14 =	sshll.u32 s0, $0xA;
	s2 =	sadd.s32 s3, s2  }
0x8d: {  	s2 =	sadd.s32 s2, s14  }
0x8e: {  	[smem:$0x3FB2] =	sst s2  }
0x8f: {  	_ = 	snop  }
0x90: {  	s2 =	sld [smem:$0x3FD0];
	_ =	sdelay $0x2  }
0x91: {  	s15 =	simm.s32 $0xA;
	s4 =	simm.s32 $0x10  }
0x92: {  	[smem:s4], [sflag:s15] =	dma.local [hbm:s2], $0x1  }
0x93: {  	_ =	swait.eq [sflag:s15], $0x1  }
0x94: {  	[sflag:s15] =	ssyncset.done $0x0  }
0x95: {  	s16 =	sld [smem:$0x10];
	[sflag:s15] =	ssyncadd.s32 $0xFFFFFFFF  }
0x96: {  	s17 =	sld [smem:$0x11];
	(tm) =	ssettm $0x1  }
0x97: {  	s18 =	sld [smem:$0x3FFB];
	_ =	sdelay $0x3  }
0x98: {  	_ =	strace s18  }
0x99: {  	s4 =	sld [smem:$0x3FFC];
	_ =	sdelay $0x3  }
0x9a: {  	_ =	strace s4  }
0x9b: {  	s4 =	sld [smem:$0x3FFD];
	_ =	sdelay $0x3  }
0x9c: {  	_ =	strace s4  }
0x9d: {  	_ =	strace $0x8FFFFFFF  }
0x9e: {  	s19 =	sld [smem:$0x3FDB];
	_ =	sdelay $0x1  }
0x9f: {  	s5 =	simm.s32 $_scs_section_size  }
0xa0: {  	s6 =	simm.s32 $_size__tile_overlayer_lowered;
	s7 =	simm.s32 $_tile_overlayer_lowered  }
0xa1: {  	s22 =	simm.s32 $0x1BFF;
	s21 =	sshll.u32 s7, $0x1;
	s4 =	sadd.s32 s5, s19  }
0xa2: {  	s8 =	simm.s32 $0x0;
	s20 =	sshll.u32 s6, $0x1;
	s6 =	sadd.s32 s21, s4  }
0xa3: {  	[timem:s8], [sflag:s22] =	dma.local [hbm:s6], s20  }
0xa4: {  	_ =	swait.ge [sflag:s22], s20  }
0xa5: {  	s5 =	ssub.s32 $0x0, s20;
	[sflag:s22] =	ssyncset.done $0x0  }
0xa6: {  	[sflag:s22] =	ssyncadd.s32 s5;
	_ =	sdelay $0x1  }
0xa7: {  	s23 =	simm.s32 $0x1B8B  }
0xa8: {  	_ =	swait.ge [sflag:s23], $0x1  }
0xa9: {  	[sflag:s23] =	ssyncset.done $0x0  }
0xaa: {  	s25 =	simm.s32 $0x1B8E;
	s24 =	sld [smem:$0x3FFE];
	[sflag:s23] =	ssyncadd.s32 $0xFFFFFFFF  }
0xab: {  	s26 =	simm.s32 $execute0_lowered;
	[smem:$0x3FD2] =	sst s25  }
0xac: {  	s6 =	sshll.u32 s26, $0x1;
	_ =	strace $0x80000049;
	[dreg:$0x1] =	wrdreg $0xFFFFFFFF  }
0xad: {  	s28 =	simm.s32 $_size_execute0_lowered;
	s4 =	sadd.s32 s4, s6;
	[dreg:$0x0] =	wrdreg $0x0  }
0xae: {  	s6 =	sshll.u32 s28, $0x1;
	[dreg:$0x2] =	wrdreg s4  }
0xaf: {  	[dreg:$0x3] =	wrdreg s6  }
0xb0: {  	[dreg:$0x4] =	wrdreg $0xC0  }
0xb1: {  	_ =	task [dreg:s8], $0x5FFFF  }
0xb2: {  	[dreg:$0x1] =	wrdreg $0xFFFFFFFF  }
0xb3: {  	[dreg:$0x0] =	wrdreg $0x60  }
0xb4: {  	[dreg:$0x2] =	wrdreg s16  }
0xb5: {  	[dreg:$0x3] =	wrdreg s24  }
0xb6: {  	[dreg:$0x4] =	wrdreg s17  }
0xb7: {  	[dreg:$0x5] =	wrdreg $0x151900  }
0xb8: {  	[dreg:$0x6] =	wrdreg $0xAF100  }
0xb9: {  	[dreg:$0x7] =	wrdreg $0x14F100  }
0xba: {  	[dreg:$0x8] =	wrdreg $0x9  }
0xbb: {  	_ =	task.clear_ibuf [dreg:s8], $0x9FFFF;
	_ =	strace $0x90000049  }
0xbc: {  	s29 =	simm.s32 $0x9;
	_ =	strace $0x8000004B  }
0xbd: {  	_ =	swait.ge [sflag:s29], $0x1  }
0xbe: {  	[sflag:s29] =	ssyncadd.s32 $0xFFFFFFFF  }
0xbf: {  	_ =	strace $0x9000004B  }
0xc0: {  	_ =	sfence  }
0xc1: {  	s30 =	sld [smem:$0x0];
	_ =	sdelay $0x2  }
0xc2: {  	s31 =	sshll.u32 s1, $0xD;
	s1 =	sshrl.u32 s1, $0x2  }
0xc3: {  	s3 =	sand.u32 $0x4000, s31;
	s1 =	sadd.s32 s1, s30  }
0xc4: {  	s0 =	sor.u32 s3, s0;
	s1 =	sshll.u32 s1, $0x11  }
0xc5: {  	s0 =	sor.u32 s1, s0  }
0xc6: {  	s0 =	sadd.s32 $0x8F2B, s0  }
0xc7: {  	[sflag:s0] =	ssyncadd.remote.s32 $0x1  }
0xc8: {  	_ =	sfence.sel $0xFFFF  }
0xc9: {  	[dreg:$0x0] =	wrdreg $0xFFFFFFFF;
	(pc) =	sbr.abs _section_cstart, $3  }
0xca: {  	[dreg:$0x1] =	wrdreg $0xFFFFFFFF  }
0xcb: {  	_ =	task.clear_ibuf [dreg:s8], $0x2FFFF;
	_ =	strace $0x9FFFFFFF  }
0xcc: {  	(tm) =	ssettm $0x7FFFFFFF  }
0xcd: {  	_ =	shalt  }
tec
execute0_lowered:
.L_overlay_start_1:
0x0: {  	(tag) =	ssettag $0x1  }
0x1: {  	s0 =	rddreg [dreg:$0x1]  }
0x2: {  	s1 =	rddreg [dreg:$0x2]  }
0x3: {  	s3 =	rddreg [dreg:$0x3]  }
0x4: {  	s4 =	rddreg [dreg:$0x4]  }
0x5: {  	s5 =	rddreg [dreg:$0x5];
	s16 =	stileid.u32  }
0x6: {  	s2 =	srdreg.scid;
	s6 =	simm.s32 $0x0;
	s28 =	simm.s32 $0x8C10  }
0x7: {  	s30 =	simm.s32 $0x5010;
	s31 =	simm.s32 $0x6410;
	s29 =	simm.s32 $0x1  }
0x8: {  	s7 =	smul.u32 $0xA000, s16;
	s2 =	sand.u32 $0x1, s2;
	[smem:$0x7FF] =	sst s6  }
0x9: {  	s9 =	sadd.s32 $0x1600, s0;
	s10 =	sadd.s32 $0x1C00, s0;
	s15 =	smul.u32 $0x28000, s16  }
0xa: {  	s11 =	sadd.s32 $0x2A200, s0;
	s14 =	sshll.u32 s16, $0x1;
	s16 =	smul.u32 $0x280, s16  }
0xb: {  	s8 =	smul.u32 $0xA0000, s2;
	_ =	strace $0x8000004A;
	[dreg:$0x7] =	wrdreg s9  }
0xc: {  	[dreg:$0x8] =	wrdreg s10;
	s9 =	sadd.s32 $0x16200, s0;
	s10 =	sadd.s32 $0x20200, s0  }
0xd: {  	s20 =	ssub.s32 $0x2, s2;
	s14 =	sor.u32 s2, s14;
	s2 =	smul.u32 $0x2800, s2  }
0xe: {  	s19 =	sshrl.u32 s7, $0x3;
	s13 =	sshrl.u32 s20, $0x1;
	s17 =	sadd.s32 s7, s3  }
0xf: {  	s21 =	sshrl.u32 s15, $0x2;
	s18 =	sadd.s32 s16, s5;
	s12 =	sadd.s32 s19, s0  }
0x10: {  	s8 =	sadd.s32 s7, s8;
	s22 =	sadd.s32 s21, s4;
	s2 =	sadd.s32 s16, s2  }
0x11: {  	s19 =	smul.u32 $0x2800, s14;
	s8 =	sshrl.u32 s8, $0x3;
	s12 =	sadd.s32 $0x2200, s12  }
0x12: {  	s23 =	sadd.s32 $0x4000, s22;
	s24 =	sadd.s32 $0x6000, s22;
	s25 =	sshrl.u32 s2, $0x3  }
0x13: {  	s2 =	simm.s32 $0xAC10;
	s0 =	sadd.s32 s8, s0;
	[dreg:$0x9] =	wrdreg s12  }
0x14: {  	s8 =	ssub.s32 s20, s13;
	s13 =	sadd.s32 s7, s4;
	[dreg:$0xb] =	wrdreg s23  }
0x15: {  	s12 =	sadd.s32 $0x2000, s22;
	[dreg:$0xc] =	wrdreg s24;
	s7 =	sadd.s32 $0x8000, s22  }
0x16: {  	s23 =	simm.s32 $0x2;
	s24 =	simm.s32 $0x10;
	[dreg:$0xa] =	wrdreg s12  }
0x17: {  	[dreg:$0xd] =	wrdreg s7;
	s0 =	sadd.s32 $0x34200, s0;
	s26 =	smax.u32 s8, $0x1  }
0x18: {  	s7 =	simm.s32 $0x0;
	[dreg:$0xe] =	wrdreg s0;
	s0 =	sadd.s32 s1, s25  }
0x19: {  	[dreg:$0x10] =	wrdreg s26;
	s25 =	sshrl.u32 s17, $0x3;
	s26 =	simm.s32 $0x2810  }
0x1a: {  	v0 =	vimm.f32 $0.0e+00;
	s1 =	simm.s32 $0x80;
	[dreg:$0xf] =	wrdreg s0;
	s0 =	simm.s32 $0x7810  }
.LBB2_1:
0x1b: {  	s8 =	rddreg [dreg:$0x0]  }
0x1c: {  	[tilespmem:s6], [sflag:$0x2] =	stream.linear.gather [hbm4b:s8+s6], $0x10, $0x38;
	[tilespmem:$0x1F190] =	vst v63  }
0x1d: {  	_ =	swait.ge [sflag:s23], $0x10  }
0x1e: {  	[sflag:s23] =	ssyncset.done $0x0  }
0x1f: {  	s20 =	rddreg [dreg:$0x7];
	[sflag:s23] =	ssyncadd.s32 $0xFFFFFFF0  }
0x20: {  	[tilespmem:s24], [sflag:$0x2] =	stream.linear.gather [hbm4b:s20+s6], $0x2800, $0x38;
	[tilespmem:$0x1F190] =	vst v63  }
0x21: {  	_ =	swait.ge [sflag:s23], $0x2800  }
0x22: {  	[sflag:s23] =	ssyncset.done $0x0  }
0x23: {  	s21 =	rddreg [dreg:$0x8];
	[sflag:s23] =	ssyncadd.s32 $0xFFFFD800  }
0x24: {  	[tilespmem:s26], [sflag:$0x2] =	stream.linear.gather [hbm4b:s21+s6], $0x2800, $0x38;
	[tilespmem:$0x1F190] =	vst v63  }
0x25: {  	s22 =	stileid.u32;
	_ =	swait.ge [sflag:s23], $0x2800  }
0x26: {  	s8 =	sshll.u32 s22, $0x6;
	[sflag:s23] =	ssyncset.done $0x0  }
0x27: {  	s8 =	sor.u32 $0x1C02, s8;
	s12 =	rddreg [dreg:$0x9];
	[sflag:s23] =	ssyncadd.s32 $0xFFFFD800  }
0x28: {  	[spmem:s25], [sflag:s8] =	dma.local [hbm:s12], $0x1400  }
0x29: {  	_ =	swait.ge [sflag:s23], $0x1400  }
0x2a: {  	[sflag:s23] =	ssyncset.done $0x0  }
0x2b: {  	s14 =	simm.s32 $0x100;
	s12 =	simm.s32 $0x0;
	[sflag:s23] =	ssyncadd.s32 $0xFFFFEC00  }
.LBB2_2:
0x2c: {  	p0 =	sne.s32 s14, $0x7F00;
	[tilespmem:s12+$0x8C40] =	vst v0;
	s15 =	smov.u32 s14;
	s14 =	sadd.s32 $0x100, s14  }
.Ltmp0:
0x2d: {  	[tilespmem:s12+$0x8C30] =	vst v0;
	(pc) =	sbr.rel @p0 .LBB2_2-.Ltmp0, $3  }
0x2e: {  	[tilespmem:s12+$0x8C10] =	vst v0  }
0x2f: {  	[tilespmem:s12+$0x8C20] =	vst v0;
	_ =	sdelay $0x1  }
0x30: {  	s12 =	sshra.s32 s15, $0x2  }
0x31: {  	[tilespmem:s12+$0x8C40] =	vst v0  }
0x32: {  	[tilespmem:s12+$0x8C30] =	vst v0  }
0x33: {  	[tilespmem:s12+$0x8C10] =	vst v0  }
0x34: {  	[tilespmem:s12+$0x8C20] =	vst v0  }
0x35: {  	[tilespmem:$0xAC90] =	vst v0  }
0x36: {  	[tilespmem:$0xACA0] =	vst v0  }
0x37: {  	[tilespmem:$0xACB0] =	vst v0  }
0x38: {  	[tilespmem:$0xACC0] =	vst v0  }
0x39: {  	[tilespmem:$0xACD0] =	vst v0  }
0x3a: {  	[tilespmem:$0xACE0] =	vst v0  }
0x3b: {  	[tilespmem:$0xACF0] =	vst v0  }
0x3c: {  	[tilespmem:$0xAD00] =	vst v0  }
0x3d: {  	[tilespmem:$0xAD10] =	vst v0  }
0x3e: {  	[tilespmem:$0xAD20] =	vst v0  }
0x3f: {  	[tilespmem:$0xAD30] =	vst v0  }
0x40: {  	[tilespmem:$0xAD40] =	vst v0  }
0x41: {  	[tilespmem:$0xAD50] =	vst v0  }
0x42: {  	[tilespmem:$0xAD60] =	vst v0  }
0x43: {  	[tilespmem:$0xAD70] =	vst v0  }
0x44: {  	[tilespmem:$0xAD80] =	vst v0  }
0x45: {  	[tilespmem:$0xAD90] =	vst v0  }
0x46: {  	[tilespmem:$0xADA0] =	vst v0  }
0x47: {  	[tilespmem:$0xADB0] =	vst v0  }
0x48: {  	[tilespmem:$0xADC0] =	vst v0  }
0x49: {  	[tilespmem:$0xADD0] =	vst v0  }
0x4a: {  	[tilespmem:$0xADE0] =	vst v0  }
0x4b: {  	[tilespmem:$0xADF0] =	vst v0  }
0x4c: {  	[tilespmem:$0xAE00] =	vst v0  }
0x4d: {  	[tilespmem:$0xAE10] =	vst v0  }
0x4e: {  	[tilespmem:$0xAE20] =	vst v0  }
0x4f: {  	[tilespmem:$0xAE30] =	vst v0  }
0x50: {  	[tilespmem:$0xAE40] =	vst v0  }
0x51: {  	[tilespmem:$0xAE50] =	vst v0  }
0x52: {  	[tilespmem:$0xAE60] =	vst v0  }
0x53: {  	[tilespmem:$0xAE70] =	vst v0  }
0x54: {  	[tilespmem:$0xAE80] =	vst v0  }
0x55: {  	[tilespmem:$0xAE90] =	vst v0  }
0x56: {  	[tilespmem:$0xAEA0] =	vst v0  }
0x57: {  	[tilespmem:$0xAEB0] =	vst v0  }
0x58: {  	[tilespmem:$0xAEC0] =	vst v0  }
0x59: {  	[tilespmem:$0xAED0] =	vst v0  }
0x5a: {  	[tilespmem:$0xAEE0] =	vst v0  }
0x5b: {  	[tilespmem:$0xAEF0] =	vst v0  }
0x5c: {  	[tilespmem:$0xAF00] =	vst v0  }
0x5d: {  	[spmem:s13] =	stream.linear.scatter [tilespmem:s28], [sflag:$0x2], $0x2000, $0x38;
	[tilespmem:$0x1F190] =	vst v63  }
0x5e: {  	_ =	swait.ge [sflag:s23], $0x2000  }
0x5f: {  	[sflag:s23] =	ssyncset.done $0x0  }
0x60: {  	s16 =	rddreg [dreg:$0xa];
	[sflag:s23] =	ssyncadd.s32 $0xFFFFE000  }
0x61: {  	[spmem:s16] =	stream.linear.scatter [tilespmem:s28], [sflag:$0x2], $0x2000, $0x38;
	[tilespmem:$0x1F190] =	vst v63  }
0x62: {  	_ =	swait.ge [sflag:s23], $0x2000  }
0x63: {  	[sflag:s23] =	ssyncset.done $0x0  }
0x64: {  	s17 =	rddreg [dreg:$0xb];
	[sflag:s23] =	ssyncadd.s32 $0xFFFFE000  }
0x65: {  	[spmem:s17] =	stream.linear.scatter [tilespmem:s28], [sflag:$0x2], $0x2000, $0x38;
	[tilespmem:$0x1F190] =	vst v63  }
0x66: {  	_ =	swait.ge [sflag:s23], $0x2000  }
0x67: {  	[sflag:s23] =	ssyncset.done $0x0  }
0x68: {  	s20 =	rddreg [dreg:$0xc];
	[sflag:s23] =	ssyncadd.s32 $0xFFFFE000  }
0x69: {  	[spmem:s20] =	stream.linear.scatter [tilespmem:s28], [sflag:$0x2], $0x2000, $0x38;
	[tilespmem:$0x1F190] =	vst v63  }
0x6a: {  	_ =	swait.ge [sflag:s23], $0x2000  }
0x6b: {  	[sflag:s23] =	ssyncset.done $0x0  }
0x6c: {  	s21 =	rddreg [dreg:$0xd];
	[sflag:s23] =	ssyncadd.s32 $0xFFFFE000  }
0x6d: {  	[spmem:s21] =	stream.linear.scatter [tilespmem:s28], [sflag:$0x2], $0x2000, $0x38;
	[tilespmem:$0x1F190] =	vst v63  }
0x6e: {  	_ =	swait.ge [sflag:s23], $0x2000  }
0x6f: {  	[sflag:s23] =	ssyncset.done $0x0  }
0x70: {  	s22 =	simm.s32 $0xAC90;
	[sflag:s23] =	ssyncadd.s32 $0xFFFFE000  }
0x71: {  	[spmem:s18] =	stream.linear.scatter [tilespmem:s22], [sflag:$0x2], $0x280, $0x38;
	[tilespmem:$0x1F190] =	vst v63  }
0x72: {  	_ =	swait.ge [sflag:s23], $0x280  }
0x73: {  	[sflag:s23] =	ssyncset.done $0x0  }
0x74: {  	[sflag:s23] =	ssyncadd.s32 $0xFFFFFD80  }
0x75: {  	[bflag:$0x0] =	sbarrier.arrive $0xFFFF  }
0x76: {  	s12 =	simm.s32 $0x0;
	p1 =	por $0x1, $0x1;
	s14 =	simm.s32 $0x0;
	v1 =	vld [tilespmem:$0x0]  }
.LBB2_4:
0x77: {  	s14 =	sadd.s32 s19, s14  }
0x78: {  	s15 =	sshrl.u32 s14, $0x3  }
0x79: {  	s16 =	sadd.s32 s9, s15  }
0x7a: {  	[tilespmem:s30], [sflag:$0x2] =	stream.linear.gather [hbm4b:s16+s12], $0x1400, $0x38;
	[tilespmem:$0x1F190] =	vst v63  }
0x7b: {  	_ =	swait.ge [sflag:s23], $0x1400  }
0x7c: {  	[sflag:s23] =	ssyncset.done $0x0  }
0x7d: {  	s22 =	sadd.s32 s10, s15;
	[sflag:s23] =	ssyncadd.s32 $0xFFFFEC00  }
0x7e: {  	[tilespmem:s31], [sflag:$0x2] =	stream.linear.gather [hbm4b:s22+s12], $0x1400, $0x38;
	[tilespmem:$0x1F190] =	vst v63  }
0x7f: {  	_ =	swait.ge [sflag:s23], $0x1400  }
0x80: {  	[sflag:s23] =	ssyncset.done $0x0  }
0x81: {  	s15 =	sadd.s32 s11, s15;
	[sflag:s23] =	ssyncadd.s32 $0xFFFFEC00  }
0x82: {  	[tilespmem:s0], [sflag:$0x2] =	stream.linear.gather [hbm4b:s15+s12], $0x1400, $0x38;
	[tilespmem:$0x1F190] =	vst v63  }
0x83: {  	_ =	swait.ge [sflag:s23], $0x1400  }
0x84: {  	[sflag:s23] =	ssyncset.done $0x0  }
0x85: {  	p0 =	por p1, p1;
	s15 =	simm.s32 $0x0;
	[sflag:s23] =	ssyncadd.s32 $0xFFFFEC00  }
.LBB2_5:
0x86: {  	s16 =	sshll.u32 s15, $0x7  }
0x87: {  	s17 =	sadd.s32 $0x5010, s16  }
0x88: {  	[tilespmem:s28], [sflag:$0x1] =	stream.indirect.gather [spmem:s3], $0x40, s17, s1, $0xb8;
	[tilespmem:$0x1F190] =	vst v63  }
0x89: {  	_ =	swait.ge [sflag:s29], $0x2000  }
0x8a: {  	[sflag:s29] =	ssyncset.done $0x0  }
0x8b: {  	[sflag:s29] =	ssyncadd.s32 $0xFFFFE000  }
0x8c: {  	v2 =	vld [tilespmem:s16+$0x5010]  }
0x8d: {  	v3 =	vld [tilespmem:s16+$0x6410];
	_ =	sdelay $0x5  }
0x8e: {  	v4 =	vld [tilespmem:s16+$0x7810]  }
0x8f: {  	v2 =	vld.idx.msk [tilespmem:v2+s24+$0x0], $0xffff  }
0x90: {  	v3 =	vld.idx.msk [tilespmem:v3+s26+$0x0], $0xffff;
	_ =	sdelay $0x4  }
0x91: {  	v2 =	vadd.f32 v3, v2;
	v3 =	vmul.f32 v4, v1;
	_ =	sdelay $0x1  }
0x92: {  	v2 =	vadd.f32 v2, v3;
	_ =	sdelay $0x1  }
0x93: {  	v3 =	vmul.f32 $2.000000030e-01, v2;
	_ =	sdelay $0x1  }
0x94: {  	v2 =	vmax.f32 v2, v3  }
0x95: {  	v2 =	vmul.f32 $1.442695020e+00, v2;
	_ =	sdelay $0x1  }
0x96: {  	(erf) = vpow2.f32 v2;
	_ =	sdelay $0x7  }
0x97: {  	s17 =	sadd.s32 s14, s16  }
0x98: {  	p1 =	slt.u32 s17, $0x4E200;
	v2 =	vpop (erf)  }
0x99: {  	v2 =	vpsel !p1, $0x0, v2  }
0x9a: {  	[tilespmem:$0xAC10] =	vst v2  }
0x9b: {  	v2 =	vld [tilespmem:s16+$0x5020]  }
0x9c: {  	v3 =	vld [tilespmem:s16+$0x6420];
	_ =	sdelay $0x5  }
0x9d: {  	v4 =	vld [tilespmem:s16+$0x7820]  }
0x9e: {  	v2 =	vld.idx.msk [tilespmem:v2+s24+$0x0], $0xffff  }
0x9f: {  	v3 =	vld.idx.msk [tilespmem:v3+s26+$0x0], $0xffff;
	_ =	sdelay $0x4  }
0xa0: {  	v2 =	vadd.f32 v3, v2;
	v3 =	vmul.f32 v4, v1;
	_ =	sdelay $0x1  }
0xa1: {  	v2 =	vadd.f32 v2, v3;
	_ =	sdelay $0x1  }
0xa2: {  	v3 =	vmul.f32 $2.000000030e-01, v2;
	_ =	sdelay $0x1  }
0xa3: {  	v2 =	vmax.f32 v2, v3  }
0xa4: {  	v2 =	vmul.f32 $1.442695020e+00, v2;
	_ =	sdelay $0x1  }
0xa5: {  	(erf) = vpow2.f32 v2;
	_ =	sdelay $0x7  }
0xa6: {  	s20 =	sor.u32 $0x10, s17  }
0xa7: {  	p5 =	slt.u32 s20, $0x4E200;
	v2 =	vpop (erf)  }
0xa8: {  	v2 =	vpsel !p5, $0x0, v2  }
0xa9: {  	[tilespmem:$0xAC20] =	vst v2  }
0xaa: {  	v2 =	vld [tilespmem:s16+$0x5030]  }
0xab: {  	v3 =	vld [tilespmem:s16+$0x6430];
	_ =	sdelay $0x5  }
0xac: {  	v4 =	vld [tilespmem:s16+$0x7830]  }
0xad: {  	v2 =	vld.idx.msk [tilespmem:v2+s24+$0x0], $0xffff  }
0xae: {  	v3 =	vld.idx.msk [tilespmem:v3+s26+$0x0], $0xffff;
	_ =	sdelay $0x4  }
0xaf: {  	v2 =	vadd.f32 v3, v2;
	v3 =	vmul.f32 v4, v1;
	_ =	sdelay $0x1  }
0xb0: {  	v2 =	vadd.f32 v2, v3;
	_ =	sdelay $0x1  }
0xb1: {  	v3 =	vmul.f32 $2.000000030e-01, v2;
	_ =	sdelay $0x1  }
0xb2: {  	v2 =	vmax.f32 v2, v3  }
0xb3: {  	v2 =	vmul.f32 $1.442695020e+00, v2;
	_ =	sdelay $0x1  }
0xb4: {  	(erf) = vpow2.f32 v2;
	_ =	sdelay $0x7  }
0xb5: {  	s21 =	sor.u32 $0x20, s17  }
0xb6: {  	p6 =	slt.u32 s21, $0x4E200;
	v2 =	vpop (erf)  }
0xb7: {  	v2 =	vpsel !p6, $0x0, v2  }
0xb8: {  	[tilespmem:$0xAC30] =	vst v2  }
0xb9: {  	v2 =	vld [tilespmem:s16+$0x5040]  }
0xba: {  	v3 =	vld [tilespmem:s16+$0x6440];
	_ =	sdelay $0x5  }
0xbb: {  	v4 =	vld [tilespmem:s16+$0x7840]  }
0xbc: {  	v2 =	vld.idx.msk [tilespmem:v2+s24+$0x0], $0xffff  }
0xbd: {  	v3 =	vld.idx.msk [tilespmem:v3+s26+$0x0], $0xffff;
	_ =	sdelay $0x4  }
0xbe: {  	v2 =	vadd.f32 v3, v2;
	v3 =	vmul.f32 v4, v1;
	_ =	sdelay $0x1  }
0xbf: {  	v2 =	vadd.f32 v2, v3;
	_ =	sdelay $0x1  }
0xc0: {  	v3 =	vmul.f32 $2.000000030e-01, v2;
	_ =	sdelay $0x1  }
0xc1: {  	v2 =	vmax.f32 v2, v3  }
0xc2: {  	v2 =	vmul.f32 $1.442695020e+00, v2;
	_ =	sdelay $0x1  }
0xc3: {  	(erf) = vpow2.f32 v2;
	_ =	sdelay $0x7  }
0xc4: {  	s22 =	sor.u32 $0x30, s17  }
0xc5: {  	p2 =	slt.u32 s22, $0x4E200;
	v2 =	vpop (erf)  }
0xc6: {  	v2 =	vpsel !p2, $0x0, v2  }
0xc7: {  	[tilespmem:$0xAC40] =	vst v2  }
0xc8: {  	v2 =	vld [tilespmem:s16+$0x5050]  }
0xc9: {  	v3 =	vld [tilespmem:s16+$0x6450];
	_ =	sdelay $0x5  }
0xca: {  	v4 =	vld [tilespmem:s16+$0x7850]  }
0xcb: {  	v2 =	vld.idx.msk [tilespmem:v2+s24+$0x0], $0xffff  }
0xcc: {  	v3 =	vld.idx.msk [tilespmem:v3+s26+$0x0], $0xffff;
	_ =	sdelay $0x4  }
0xcd: {  	v2 =	vadd.f32 v3, v2;
	v3 =	vmul.f32 v4, v1;
	_ =	sdelay $0x1  }
0xce: {  	v2 =	vadd.f32 v2, v3;
	_ =	sdelay $0x1  }
0xcf: {  	v3 =	vmul.f32 $2.000000030e-01, v2;
	_ =	sdelay $0x1  }
0xd0: {  	v2 =	vmax.f32 v2, v3  }
0xd1: {  	v2 =	vmul.f32 $1.442695020e+00, v2;
	_ =	sdelay $0x1  }
0xd2: {  	(erf) = vpow2.f32 v2;
	_ =	sdelay $0x7  }
0xd3: {  	s21 =	sor.u32 $0x40, s17  }
0xd4: {  	p3 =	slt.u32 s21, $0x4E200;
	v2 =	vpop (erf)  }
0xd5: {  	v2 =	vpsel !p3, $0x0, v2  }
0xd6: {  	[tilespmem:$0xAC50] =	vst v2  }
0xd7: {  	v2 =	vld [tilespmem:s16+$0x5060]  }
0xd8: {  	v3 =	vld [tilespmem:s16+$0x6460];
	_ =	sdelay $0x5  }
0xd9: {  	v4 =	vld [tilespmem:s16+$0x7860]  }
0xda: {  	v2 =	vld.idx.msk [tilespmem:v2+s24+$0x0], $0xffff  }
0xdb: {  	v3 =	vld.idx.msk [tilespmem:v3+s26+$0x0], $0xffff;
	_ =	sdelay $0x4  }
0xdc: {  	v2 =	vadd.f32 v3, v2;
	v3 =	vmul.f32 v4, v1;
	_ =	sdelay $0x1  }
0xdd: {  	v2 =	vadd.f32 v2, v3;
	_ =	sdelay $0x1  }
0xde: {  	v3 =	vmul.f32 $2.000000030e-01, v2;
	_ =	sdelay $0x1  }
0xdf: {  	v2 =	vmax.f32 v2, v3  }
0xe0: {  	v2 =	vmul.f32 $1.442695020e+00, v2;
	_ =	sdelay $0x1  }
0xe1: {  	(erf) = vpow2.f32 v2;
	_ =	sdelay $0x7  }
0xe2: {  	s22 =	sor.u32 $0x50, s17  }
0xe3: {  	p4 =	slt.u32 s22, $0x4E200;
	v2 =	vpop (erf)  }
0xe4: {  	v2 =	vpsel !p4, $0x0, v2  }
0xe5: {  	[tilespmem:$0xAC60] =	vst v2  }
0xe6: {  	v2 =	vld [tilespmem:s16+$0x5070]  }
0xe7: {  	v3 =	vld [tilespmem:s16+$0x6470];
	_ =	sdelay $0x5  }
0xe8: {  	v4 =	vld [tilespmem:s16+$0x7870]  }
0xe9: {  	v2 =	vld.idx.msk [tilespmem:v2+s24+$0x0], $0xffff  }
0xea: {  	v3 =	vld.idx.msk [tilespmem:v3+s26+$0x0], $0xffff;
	_ =	sdelay $0x4  }
0xeb: {  	v2 =	vadd.f32 v3, v2;
	v3 =	vmul.f32 v4, v1;
	_ =	sdelay $0x1  }
0xec: {  	v2 =	vadd.f32 v2, v3;
	_ =	sdelay $0x1  }
0xed: {  	v3 =	vmul.f32 $2.000000030e-01, v2;
	_ =	sdelay $0x1  }
0xee: {  	v2 =	vmax.f32 v2, v3  }
0xef: {  	v2 =	vmul.f32 $1.442695020e+00, v2;
	_ =	sdelay $0x1  }
0xf0: {  	(erf) = vpow2.f32 v2;
	_ =	sdelay $0x7  }
0xf1: {  	s21 =	sor.u32 $0x60, s17  }
0xf2: {  	p5 =	slt.u32 s21, $0x4E200;
	v2 =	vpop (erf)  }
0xf3: {  	v2 =	vpsel !p5, $0x0, v2  }
0xf4: {  	[tilespmem:$0xAC70] =	vst v2  }
0xf5: {  	v2 =	vld [tilespmem:s16+$0x5080]  }
0xf6: {  	v3 =	vld [tilespmem:s16+$0x6480];
	_ =	sdelay $0x5  }
0xf7: {  	v4 =	vld [tilespmem:s16+$0x7880]  }
0xf8: {  	v2 =	vld.idx.msk [tilespmem:v2+s24+$0x0], $0xffff  }
0xf9: {  	v3 =	vld.idx.msk [tilespmem:v3+s26+$0x0], $0xffff;
	_ =	sdelay $0x4  }
0xfa: {  	v2 =	vadd.f32 v3, v2;
	v3 =	vmul.f32 v4, v1;
	_ =	sdelay $0x1  }
0xfb: {  	v2 =	vadd.f32 v2, v3;
	_ =	sdelay $0x1  }
0xfc: {  	v3 =	vmul.f32 $2.000000030e-01, v2;
	_ =	sdelay $0x1  }
0xfd: {  	v2 =	vmax.f32 v2, v3  }
0xfe: {  	v2 =	vmul.f32 $1.442695020e+00, v2;
	_ =	sdelay $0x1  }
0xff: {  	(erf) = vpow2.f32 v2;
	_ =	sdelay $0x7  }
0x100: {  	s17 =	sor.u32 $0x70, s17;
	s22 =	simm.s32 $0x0  }
0x101: {  	p6 =	slt.u32 s17, $0x4E200;
	v3 =	vmov s22;
	v2 =	vpop (erf)  }
0x102: {  	v2 =	vpsel !p6, $0x0, v2  }
0x103: {  	s17 =	simm.s32 $0x8C30;
	[tilespmem:$0xAC80] =	vst v2  }
0x104: {  	v4 =	vld [tilespmem:s17+$0xFFFFFFF0]  }
0x105: {  	v2 =	vld [tilespmem:s17+$0x10]  }
0x106: {  	v7 =	vld.idx.msk [tilespmem:v3+s2+$0x0], $0xffff  }
0x107: {  	v3 =	vld [tilespmem:s17+$0xFFFFFFE0]  }
0x108: {  	v8 =	vld [tilespmem:s17+$0x0];
	_ =	sdelay $0x3  }
0x109: {  	s21 =	simm.s32 $0x1;
	v3 =	vmul.f32 v3, v7;
	v6 =	vmul.f32 v2, v7  }
0x10a: {  	s20 =	simm.s32 $0x2;
	s16 =	sadd.s32 $0x6410, s16;
	v2 =	vmov s21;
	v5 =	vmul.f32 v4, v7;
	v4 =	vmul.f32 v8, v7;
	s21 =	simm.s32 $0x8C30  }
.LBB2_6:
0x10b: {  	p1 =	sne.s32 s20, $0x7F  }
0x10c: {  	[tilespmem:s17+$0x10] =	vst v6;
	s21 =	sadd.s32 $0x40, s21;
	s22 =	smov.u32 s20;
	s20 =	sadd.s32 $0x1, s20  }
0x10d: {  	[tilespmem:s17+$0xFFFFFFE0] =	vst v3  }
0x10e: {  	v7 =	vld [tilespmem:s21+$0xFFFFFFF0];
	[tilespmem:s17+$0xFFFFFFF0] =	vst v5  }
0x10f: {  	v5 =	vld [tilespmem:s21+$0x10];
	[tilespmem:s17+$0x0] =	vst v4;
	s17 =	smov.u32 s21  }
0x110: {  	v4 =	vld.idx.msk [tilespmem:v2+s2+$0x0], $0xffff  }
0x111: {  	v2 =	vld [tilespmem:s21+$0xFFFFFFE0]  }
0x112: {  	v8 =	vld [tilespmem:s21+$0x0]  }
.Ltmp1:
0x113: {  	(pc) =	sbr.rel @p1 .LBB2_6-.Ltmp1, $3  }
0x114: {  	_ =	sdelay $0x1  }
0x115: {  	v6 =	vmul.f32 v5, v4;
	v3 =	vmul.f32 v2, v4  }
0x116: {  	v5 =	vmul.f32 v7, v4;
	v2 =	vmov s22;
	v4 =	vmul.f32 v8, v4  }
0x117: {  	[tilespmem:s17+$0x10] =	vst v6  }
0x118: {  	s20 =	sadd.s32 $0x40, s21;
	[tilespmem:s17+$0xFFFFFFE0] =	vst v3  }
0x119: {  	v3 =	vld [tilespmem:s20+$0xFFFFFFF0];
	[tilespmem:s17+$0xFFFFFFF0] =	vst v5  }
0x11a: {  	v5 =	vld [tilespmem:s20+$0x10];
	[tilespmem:s17+$0x0] =	vst v4  }
0x11b: {  	v2 =	vld.idx.msk [tilespmem:v2+s2+$0x0], $0xffff  }
0x11c: {  	v4 =	vld [tilespmem:s20+$0xFFFFFFE0];
	_ =	sdelay $0x1  }
0x11d: {  	v6 =	vld [tilespmem:s20+$0x0];
	_ =	sdelay $0x1  }
0x11e: {  	v5 =	vmul.f32 v5, v2  }
0x11f: {  	v4 =	vmul.f32 v4, v2  }
0x120: {  	v3 =	vmul.f32 v3, v2;
	[tilespmem:s20+$0x10] =	vst v5  }
0x121: {  	v2 =	vmul.f32 v6, v2;
	[tilespmem:s20+$0xFFFFFFE0] =	vst v4  }
0x122: {  	[tilespmem:s20+$0xFFFFFFF0] =	vst v3  }
0x123: {  	[tilespmem:s20+$0x0] =	vst v2  }
0x124: {  	[spmem:s4] =	stream.indirect.scatter.add.f32 [tilespmem:s28], [sflag:$0x2], $0x40, s16, s1, $0xb8;
	[tilespmem:$0x1F190] =	vst v63  }
0x125: {  	s15 =	sadd.s32 $0x1, s15;
	_ =	swait.ge [sflag:s23], $0x2000  }
0x126: {  	p1 =	sne.s32 s15, $0x28;
	[sflag:s23] =	ssyncset.done $0x0  }
.Ltmp2:
0x127: {  	[sflag:s23] =	ssyncadd.s32 $0xFFFFE000;
	(pc) =	sbr.rel @p1 .LBB2_5-.Ltmp2, $4  }
0x128: {  	[spmem:s5] =	stream.indirect.scatter.add.f32 [tilespmem:s2], [sflag:$0x2], $0x1, s16, s1, $0xb8;
	[tilespmem:$0x1F190] =	vst v63  }
0x129: {  	_ =	swait.ge [sflag:s23], $0x80  }
0x12a: {  	[sflag:s23] =	ssyncset.done $0x0  }
0x12b: {  	[sflag:s23] =	ssyncadd.s32 $0xFFFFFF80  }
.Ltmp3:
0x12c: {  	(pc) =	sbr.rel @p0 .LBB2_4-.Ltmp3, $2  }
0x12d: {  	_ =	sdelay $0x2  }
0x12e: {  	s14 =	simm.s32 $0x1400;
	p1 =	por $0x0, $0x0  }
0x12f: {  	[bflag:$0x0] =	sbarrier.arrive $0xFFFF  }
0x130: {  	s12 =	sshrl.u32 s13, $0x3;
	s14 =	rddreg [dreg:$0xe]  }
0x131: {  	[hbm:s14], [sflag:s8] =	dma.local [spmem:s12], $0x1400  }
0x132: {  	_ =	swait.ge [sflag:s23], $0x1400  }
0x133: {  	[sflag:s23] =	ssyncset.done $0x0  }
0x134: {  	s20 =	sshrl.u32 s18, $0x3;
	s21 =	rddreg [dreg:$0xf];
	[sflag:s23] =	ssyncadd.s32 $0xFFFFEC00  }
0x135: {  	[hbm:s21], [sflag:s8] =	dma.local [spmem:s20], $0x50  }
0x136: {  	_ =	swait.ge [sflag:s23], $0x50  }
0x137: {  	s7 =	sadd.s32 $0x1, s7;
	s22 =	rddreg [dreg:$0x10]  }
0x138: {  	p0 =	sne.s32 s7, s22  }
.Ltmp4:
0x139: {  	_ = 	snop;
	(pc) =	sbr.rel @p0 .LBB2_1-.Ltmp4, $3  }
0x13a: {  	_ =	sdelay $0x1  }
0x13b: {  	[sflag:s23] =	ssyncset.done $0x0  }
0x13c: {  	[sflag:s23] =	ssyncadd.s32 $0xFFFFFFB0  }
0x13d: {  	_ =	sfence.sel $0x180000  }
0x13e: {  	[bflag:$0x0] =	sbarrier.arrive $0xFFFF  }
0x13f: {  	_ =	strace $0x9000004A  }
0x140: {  	s0 =	stileid.u32;
	[bflag:$0x2] =	sbarrier.arrive $0xFFFF  }
0x141: {  	p0 =	sne.s32 s0, $0x0;
	s0 =	rddreg [dreg:$0x6]  }
0x142: {  	s0 =	sadd.s32 @!p0 $0x100000, s0  }
0x143: {  	[sflag:s0] =	ssyncadd.tile.s32 @!p0 $0x1;
	_ =	shalt  }
.Lfunc_end2:
_tile_overlayer_lowered:
.L_overlay_start_2:
0x144: {  	(tag) =	ssettag $0x2  }
0x145: {  	s0 =	rddreg [dreg:$0x0];
	s2 =	stileid.u32  }
0x146: {  	s1 =	rddreg [dreg:$0x1];
	p0 =	sne.s32 s2, $0x0  }
0x147: {  	s3 =	rddreg [dreg:$0x2];
	[bflag:$0x3] =	sbarrier.arrive $0xFFFF;
	s2 =	simm.s32 @!p0 $0x1C02  }
0x148: {  	[timem:s3], [sflag:s2] =	dma.local @!p0 [hbm:s0], s1  }
0x149: {  	s0 =	simm.s32 @!p0 $0x2  }
0x14a: {  	_ =	swait.ge @!p0 [sflag:s0], s1  }
0x14b: {  	s1 =	ssub.s32 @!p0 $0x0, s1;
	[sflag:s0] =	ssyncset.done @!p0 $0x0  }
0x14c: {  	[sflag:s0] =	ssyncadd.s32 @!p0 s1  }
0x14d: {  	[bflag:$0x3] =	sbarrier.arrive $0xFFFF  }
0x14e: {  	_ =	shalt  }

// kernel: kernel.7.cloned.1.call-start
scs
__scs_entry_jumppad:
0x0: {  	(pc) =	sbr.rel $0x88, $3  }
0x1: {  	(tag) =	ssettag $0x0;
	lr =	simm.s32 $0x1  }
0x2: {  	[smem:$0x3F8B] =	sst lr;
	_ =	strace $0xD0000000  }
0x3: {  	_ = 	snop  }
0x4: {  	_ = 	snop  }
0x5: {  	_ = 	snop  }
0x6: {  	_ = 	snop  }
0x7: {  	_ = 	snop  }
__scs_overlays_trampoline_lowered:
0x8: {  	[smem:$0x3F9A] =	sst s0  }
0x9: {  	[smem:$0x3F9B] =	sst s1  }
0xa: {  	[smem:$0x3F9C] =	sst s2  }
0xb: {  	[smem:$0x3F9D] =	sst s3  }
0xc: {  	[smem:$0x3F9E] =	sst s4  }
0xd: {  	[smem:$0x3F9F] =	sst s5  }
0xe: {  	[smem:$0x3FA0] =	sst s6  }
0xf: {  	[smem:$0x3FA1] =	sst s7  }
0x10: {  	[smem:$0x3FA2] =	sst s8  }
0x11: {  	[smem:$0x3FA3] =	sst s9;
	s0 =	simm.s32 @!p0 $0x0  }
0x12: {  	s1 =	sld [smem:$0x3F89];
	s0 =	simm.s32 @p0 $0x1  }
0x13: {  	[smem:$0x3FA4] =	sst s0;
	s0 =	simm.s32 @!p1 $0x0  }
0x14: {  	s2 =	sld [smem:$0x3F88];
	s0 =	simm.s32 @p1 $0x1  }
0x15: {  	[smem:$0x3FA5] =	sst s0;
	s0 =	simm.s32 @!p2 $0x0  }
0x16: {  	s3 =	sld [smem:$0x3FDB];
	s0 =	simm.s32 @p2 $0x1  }
0x17: {  	s4 =	simm.s32 $0x1BF5;
	[smem:$0x3FA7] =	sst s0  }
0x18: {  	s0 =	sld [smem:$0x3F8A];
	_ =	swait.ge [sflag:s4], $0x0  }
0x19: {  	s7 =	sld [smem:$0x3F8B]  }
0x1a: {  	s8 =	sadd.s32 $0xFFFFE003, lr  }
0x1b: {  	s9 =	sadd.s32 $0xFFFFFEF7, lr;
	s5 =	simm.s32 $0xFFFFFFFF;
	p2 =	slt.u32 s8, $0xFFFFF086  }
0x1c: {  	p1 =	slt.u32 s9, $0xF7A;
	s5 =	simm.s32 @!p2 $0x0  }
0x1d: {  	s5 =	simm.s32 @p1 $0x1;
	p0 =	seq.s32 s7, s2  }
0x1e: {  	s7 =	smul.u32 @!p0 $0xF7A, s2;
	p2 =	seq.s32 @!p0 s5, $0x0  }
0x1f: {  	s9 =	smul.u32 $0xF7A, s1;
	s8 =	simm.s32 @!p0 $0x1BF5;
	p2 =	por !p2, p0  }
0x20: {  	[sflag:s8] =	ssyncset.s32 @!p0 $0xFFFFF086;
	s6 =	sadd.s32 @!p0 s3, s7;
	s7 =	simm.s32 @!p0 $0x108  }
0x21: {  	s3 =	sadd.s32 s3, s9;
	s6 =	sadd.s32 @!p0 $0x88, s6;
	s7 =	simm.s32 @p2 $0x1082  }
0x22: {  	[simem:s7], [sflag:s8] =	dma.local @!p0 [hbm:s6], $0xF7A  }
0x23: {  	s9 =	sor.u32 $0xD0000000, s2;
	s6 =	simm.s32 $0x108;
	_ =	swait.ge @!p0 [sflag:s8], $0x0  }
0x24: {  	s3 =	sadd.s32 $0x88, s3;
	s6 =	simm.s32 @!p1 $0x1082;
	[sflag:s4] =	ssyncset.s32 $0xFFFFF086  }
0x25: {  	[simem:s6], [sflag:s4] =	dma.local [hbm:s3], $0xF7A  }
0x26: {  	[smem:$0x3F8B] =	sst s1;
	(tag) =	ssettag s2;
	_ =	strace s9  }
0x27: {  	s1 =	sld [smem:$0x3F9B]  }
0x28: {  	s2 =	sld [smem:$0x3F9C]  }
0x29: {  	s4 =	sld [smem:$0x3F9E]  }
0x2a: {  	p0 =	seq.s32 s5, $0x0;
	s5 =	sld [smem:$0x3F9F]  }
0x2b: {  	s6 =	sld [smem:$0x3FA0]  }
0x2c: {  	s7 =	sld [smem:$0x3FA1]  }
0x2d: {  	s3 =	simm.s32 $0x108;
	s8 =	sld [smem:$0x3FA2]  }
0x2e: {  	s3 =	simm.s32 @!p0 $0x1082;
	s9 =	sld [smem:$0x3FA3]  }
0x2f: {  	lr =	sadd.s32 s0, s3;
	s0 =	sld [smem:$0x3F9A]  }
0x30: {  	s3 =	sld [smem:$0x3F9D]  }
0x31: {  	[smem:$0x3FA6] =	sst s10  }
0x32: {  	s10 =	sld [smem:$0x3FA4];
	_ =	sdelay $0x3  }
0x33: {  	p0 =	seq.s32 s10, $0x1;
	s10 =	sld [smem:$0x3FA6];
	_ =	sdelay $0x3  }
0x34: {  	[smem:$0x3FA6] =	sst s10  }
0x35: {  	s10 =	sld [smem:$0x3FA5];
	_ =	sdelay $0x3  }
0x36: {  	p1 =	seq.s32 s10, $0x1;
	s10 =	sld [smem:$0x3FA6];
	_ =	sdelay $0x3  }
0x37: {  	[smem:$0x3FA6] =	sst s10  }
0x38: {  	s10 =	sld [smem:$0x3FA7]  }
0x39: {  	_ = 	snop;
	(pc) =	sbr.ind lr, $3  }
0x3a: {  	_ = 	snop  }
0x3b: {  	_ = 	snop  }
0x3c: {  	p2 =	seq.s32 s10, $0x1;
	s10 =	sld [smem:$0x3FA6]  }
0x3d: {  	_ =	shalt  }
0x3e: {  	_ =	shalt  }
0x3f: {  	_ =	shalt  }
0x40: {  	_ =	shalt  }
0x41: {  	_ =	shalt  }
0x42: {  	_ =	shalt  }
0x43: {  	_ =	shalt  }
0x44: {  	_ =	shalt  }
0x45: {  	_ =	shalt  }
0x46: {  	_ =	shalt  }
0x47: {  	_ =	shalt  }
0x48: {  	_ =	shalt  }
0x49: {  	_ =	shalt  }
0x4a: {  	_ =	shalt  }
0x4b: {  	_ =	shalt  }
0x4c: {  	_ =	shalt  }
0x4d: {  	_ =	shalt  }
0x4e: {  	_ =	shalt  }
0x4f: {  	_ =	shalt  }
0x50: {  	_ =	shalt  }
0x51: {  	_ =	shalt  }
0x52: {  	_ =	shalt  }
0x53: {  	_ =	shalt  }
0x54: {  	_ =	shalt  }
0x55: {  	_ =	shalt  }
0x56: {  	_ =	shalt  }
0x57: {  	_ =	shalt  }
0x58: {  	_ =	shalt  }
0x59: {  	_ =	shalt  }
0x5a: {  	_ =	shalt  }
0x5b: {  	_ =	shalt  }
0x5c: {  	_ =	shalt  }
0x5d: {  	_ =	shalt  }
0x5e: {  	_ =	shalt  }
0x5f: {  	_ =	shalt  }
0x60: {  	_ =	shalt  }
0x61: {  	_ =	shalt  }
0x62: {  	_ =	shalt  }
0x63: {  	_ =	shalt  }
0x64: {  	_ =	shalt  }
0x65: {  	_ =	shalt  }
0x66: {  	_ =	shalt  }
0x67: {  	_ =	shalt  }
0x68: {  	_ =	shalt  }
0x69: {  	_ =	shalt  }
0x6a: {  	_ =	shalt  }
0x6b: {  	_ =	shalt  }
0x6c: {  	_ =	shalt  }
0x6d: {  	_ =	shalt  }
0x6e: {  	_ =	shalt  }
0x6f: {  	_ =	shalt  }
0x70: {  	_ =	shalt  }
0x71: {  	_ =	shalt  }
0x72: {  	_ =	shalt  }
0x73: {  	_ =	shalt  }
0x74: {  	_ =	shalt  }
0x75: {  	_ =	shalt  }
0x76: {  	_ =	shalt  }
0x77: {  	_ =	shalt  }
0x78: {  	_ =	shalt  }
0x79: {  	_ =	shalt  }
0x7a: {  	_ =	shalt  }
0x7b: {  	_ =	shalt  }
0x7c: {  	_ =	shalt  }
0x7d: {  	_ =	shalt  }
0x7e: {  	_ =	shalt  }
0x7f: {  	_ =	shalt  }
0x80: {  	_ =	shalt  }
0x81: {  	_ =	shalt  }
0x82: {  	_ =	shalt  }
0x83: {  	_ =	shalt  }
0x84: {  	_ =	shalt  }
0x85: {  	_ =	shalt  }
0x86: {  	_ =	shalt  }
0x87: {  	_ =	shalt  }
.Lfunc_end0:
.L_simem_size_0:
called_computation_lowered:
.L_overlay_start_0:
0x88: {  	s2 =	sld [smem:$0x3FD9]  }
0x89: {  	s3 =	sld [smem:$0x3FFE];
	_ =	sdelay $0x1  }
0x8a: {  	s1 =	srdreg.scid  }
0x8b: {  	s0 =	sand.u32 $0x1, s1  }
0x8c: {  	s14 =	sshll.u32 s0, $0xA;
	s2 =	sadd.s32 s3, s2  }
0x8d: {  	s2 =	sadd.s32 s2, s14  }
0x8e: {  	[smem:$0x3FB2] =	sst s2  }
0x8f: {  	_ = 	snop  }
0x90: {  	s2 =	sld [smem:$0x3FD0];
	_ =	sdelay $0x2  }
0x91: {  	s15 =	simm.s32 $0xA;
	s4 =	simm.s32 $0x10  }
0x92: {  	[smem:s4], [sflag:s15] =	dma.local [hbm:s2], $0x1  }
0x93: {  	_ =	swait.eq [sflag:s15], $0x1  }
0x94: {  	[sflag:s15] =	ssyncset.done $0x0  }
0x95: {  	[sflag:s15] =	ssyncadd.s32 $0xFFFFFFFF  }
0x96: {  	s16 =	sld [smem:$0x11];
	(tm) =	ssettm $0x1  }
0x97: {  	s17 =	sld [smem:$0x3FFB];
	_ =	sdelay $0x3  }
0x98: {  	_ =	strace s17  }
0x99: {  	s3 =	sld [smem:$0x3FFC];
	_ =	sdelay $0x3  }
0x9a: {  	_ =	strace s3  }
0x9b: {  	s3 =	sld [smem:$0x3FFD];
	_ =	sdelay $0x3  }
0x9c: {  	_ =	strace s3  }
0x9d: {  	_ =	strace $0x8FFFFFFF  }
0x9e: {  	s18 =	sld [smem:$0x3FDB];
	_ =	sdelay $0x1  }
0x9f: {  	s19 =	simm.s32 $_scs_section_size  }
0xa0: {  	s5 =	simm.s32 $_size__tile_overlayer_lowered;
	s6 =	simm.s32 $_tile_overlayer_lowered  }
0xa1: {  	s22 =	simm.s32 $0x1BFF;
	s21 =	sshll.u32 s6, $0x1;
	s3 =	sadd.s32 s19, s18  }
0xa2: {  	s7 =	simm.s32 $0x0;
	s20 =	sshll.u32 s5, $0x1;
	s5 =	sadd.s32 s21, s3  }
0xa3: {  	[timem:s7], [sflag:s22] =	dma.local [hbm:s5], s20  }
0xa4: {  	_ =	swait.ge [sflag:s22], s20  }
0xa5: {  	s4 =	ssub.s32 $0x0, s20;
	[sflag:s22] =	ssyncset.done $0x0  }
0xa6: {  	[sflag:s22] =	ssyncadd.s32 s4;
	_ =	sdelay $0x1  }
0xa7: {  	s23 =	simm.s32 $0x1B8B  }
0xa8: {  	_ =	swait.ge [sflag:s23], $0x1  }
0xa9: {  	[sflag:s23] =	ssyncset.done $0x0  }
0xaa: {  	s25 =	simm.s32 $0x1B8E;
	s24 =	sld [smem:$0x3FFE];
	[sflag:s23] =	ssyncadd.s32 $0xFFFFFFFF  }
0xab: {  	s26 =	simm.s32 $execute0_lowered;
	[smem:$0x3FD2] =	sst s25  }
0xac: {  	s5 =	sshll.u32 s26, $0x1;
	_ =	strace $0x80000046;
	[dreg:$0x1] =	wrdreg $0xFFFFFFFF  }
0xad: {  	s28 =	simm.s32 $_size_execute0_lowered;
	s3 =	sadd.s32 s3, s5;
	[dreg:$0x0] =	wrdreg $0x0  }
0xae: {  	s5 =	sshll.u32 s28, $0x1;
	[dreg:$0x2] =	wrdreg s3  }
0xaf: {  	[dreg:$0x3] =	wrdreg s5  }
0xb0: {  	[dreg:$0x4] =	wrdreg $0xC0  }
0xb1: {  	_ =	task [dreg:s7], $0x5FFFF  }
0xb2: {  	[dreg:$0x1] =	wrdreg $0xFFFFFFFF  }
0xb3: {  	[dreg:$0x0] =	wrdreg $0x60  }
0xb4: {  	[dreg:$0x2] =	wrdreg s24  }
0xb5: {  	[dreg:$0x3] =	wrdreg s16  }
0xb6: {  	[dreg:$0x4] =	wrdreg $0x151900  }
0xb7: {  	[dreg:$0x5] =	wrdreg $0xAF100  }
0xb8: {  	[dreg:$0x6] =	wrdreg $0x14F100  }
0xb9: {  	[dreg:$0x7] =	wrdreg $0x9  }
0xba: {  	_ =	task.clear_ibuf [dreg:s7], $0x8FFFF;
	_ =	strace $0x90000046  }
0xbb: {  	s29 =	simm.s32 $0x9;
	_ =	strace $0x80000048  }
0xbc: {  	_ =	swait.ge [sflag:s29], $0x1  }
0xbd: {  	[sflag:s29] =	ssyncadd.s32 $0xFFFFFFFF  }
0xbe: {  	_ =	strace $0x90000048  }
0xbf: {  	_ =	sfence  }
0xc0: {  	s30 =	sld [smem:$0x0];
	_ =	sdelay $0x2  }
0xc1: {  	s31 =	sshll.u32 s1, $0xD;
	s1 =	sshrl.u32 s1, $0x2  }
0xc2: {  	s3 =	sand.u32 $0x4000, s31;
	s1 =	sadd.s32 s1, s30  }
0xc3: {  	s0 =	sor.u32 s3, s0;
	s1 =	sshll.u32 s1, $0x11  }
0xc4: {  	s0 =	sor.u32 s1, s0  }
0xc5: {  	s0 =	sadd.s32 $0x8F2B, s0  }
0xc6: {  	[sflag:s0] =	ssyncadd.remote.s32 $0x1  }
0xc7: {  	_ =	sfence.sel $0xFFFF  }
0xc8: {  	[dreg:$0x0] =	wrdreg $0xFFFFFFFF;
	(pc) =	sbr.abs _section_cstart, $3  }
0xc9: {  	[dreg:$0x1] =	wrdreg $0xFFFFFFFF  }
0xca: {  	_ =	task.clear_ibuf [dreg:s7], $0x2FFFF;
	_ =	strace $0x9FFFFFFF  }
0xcb: {  	(tm) =	ssettm $0x7FFFFFFF  }
tec
execute0_lowered:
.L_overlay_start_1:
0x0: {  	(tag) =	ssettag $0x1  }
0x1: {  	s0 =	rddreg [dreg:$0x0]  }
0x2: {  	s2 =	rddreg [dreg:$0x1]  }
0x3: {  	s1 =	rddreg [dreg:$0x2]  }
0x4: {  	s3 =	rddreg [dreg:$0x3]  }
0x5: {  	s4 =	rddreg [dreg:$0x4]  }
0x6: {  	s5 =	simm.s32 $0x0;
	s16 =	stileid.u32;
	s6 =	srdreg.scid  }
0x7: {  	s28 =	simm.s32 $0x8C10;
	s30 =	simm.s32 $0x5010;
	s31 =	simm.s32 $0x6410  }
0x8: {  	s29 =	simm.s32 $0x80;
	[smem:$0x7FF] =	sst s5;
	s7 =	smul.u32 $0xA000, s16  }
0x9: {  	s6 =	sand.u32 $0x1, s6;
	s9 =	sadd.s32 $0x34200, s0;
	s18 =	sadd.s32 $0x1600, s0  }
0xa: {  	s10 =	sadd.s32 $0x1C00, s0;
	s14 =	sshll.u32 s16, $0x1;
	s15 =	smul.u32 $0x28000, s16  }
0xb: {  	s16 =	smul.u32 $0x280, s16;
	_ =	strace $0x80000047;
	[dreg:$0x6] =	wrdreg s9  }
0xc: {  	s11 =	sadd.s32 $0x2A200, s0;
	s8 =	smul.u32 $0xA0000, s6;
	[dreg:$0x7] =	wrdreg s18  }
0xd: {  	[dreg:$0x8] =	wrdreg s10;
	s9 =	sadd.s32 $0x16200, s0;
	s10 =	sadd.s32 $0x20200, s0  }
0xe: {  	s20 =	ssub.s32 $0x2, s6;
	s14 =	sor.u32 s6, s14;
	s6 =	smul.u32 $0x2800, s6  }
0xf: {  	s19 =	sshrl.u32 s7, $0x3;
	s13 =	sshrl.u32 s20, $0x1;
	s17 =	sadd.s32 s7, s1  }
0x10: {  	s21 =	sshrl.u32 s15, $0x2;
	s18 =	sadd.s32 s16, s4;
	s12 =	sadd.s32 s19, s0  }
0x11: {  	s8 =	sadd.s32 s7, s8;
	s22 =	sadd.s32 s21, s3;
	s6 =	sadd.s32 s16, s6  }
0x12: {  	s19 =	smul.u32 $0x2800, s14;
	s8 =	sshrl.u32 s8, $0x3;
	s12 =	sadd.s32 $0x2200, s12  }
0x13: {  	s23 =	sadd.s32 $0x4000, s22;
	s24 =	sadd.s32 $0x6000, s22;
	s25 =	sshrl.u32 s6, $0x3  }
0x14: {  	s6 =	simm.s32 $0xAC10;
	s0 =	sadd.s32 s8, s0;
	[dreg:$0x9] =	wrdreg s12  }
0x15: {  	s8 =	ssub.s32 s20, s13;
	s13 =	sadd.s32 s7, s3;
	[dreg:$0xb] =	wrdreg s23  }
0x16: {  	s12 =	sadd.s32 $0x2000, s22;
	[dreg:$0xc] =	wrdreg s24;
	s7 =	sadd.s32 $0x8000, s22  }
0x17: {  	s23 =	simm.s32 $0x2;
	s24 =	simm.s32 $0x10;
	[dreg:$0xa] =	wrdreg s12  }
0x18: {  	[dreg:$0xd] =	wrdreg s7;
	s0 =	sadd.s32 $0x34400, s0;
	s26 =	smax.u32 s8, $0x1  }
0x19: {  	s7 =	simm.s32 $0x0;
	[dreg:$0xe] =	wrdreg s0;
	s0 =	sadd.s32 s2, s25  }
0x1a: {  	[dreg:$0x10] =	wrdreg s26;
	s25 =	sshrl.u32 s17, $0x3;
	s26 =	simm.s32 $0x2810  }
0x1b: {  	v0 =	vimm.f32 $0.0e+00;
	s2 =	simm.s32 $0x1;
	[dreg:$0xf] =	wrdreg s0;
	s0 =	simm.s32 $0x7810  }
.LBB2_1:
0x1c: {  	s8 =	rddreg [dreg:$0x6]  }
0x1d: {  	[tilespmem:s5], [sflag:$0x2] =	stream.linear.gather [hbm4b:s8+s5], $0x10, $0x38;
	[tilespmem:$0x1F190] =	vst v63  }
0x1e: {  	_ =	swait.ge [sflag:s23], $0x10  }
0x1f: {  	[sflag:s23] =	ssyncset.done $0x0  }
0x20: {  	s20 =	rddreg [dreg:$0x7];
	[sflag:s23] =	ssyncadd.s32 $0xFFFFFFF0  }
0x21: {  	[tilespmem:s24], [sflag:$0x2] =	stream.linear.gather [hbm4b:s20+s5], $0x2800, $0x38;
	[tilespmem:$0x1F190] =	vst v63  }
0x22: {  	_ =	swait.ge [sflag:s23], $0x2800  }
0x23: {  	[sflag:s23] =	ssyncset.done $0x0  }
0x24: {  	s21 =	rddreg [dreg:$0x8];
	[sflag:s23] =	ssyncadd.s32 $0xFFFFD800  }
0x25: {  	[tilespmem:s26], [sflag:$0x2] =	stream.linear.gather [hbm4b:s21+s5], $0x2800, $0x38;
	[tilespmem:$0x1F190] =	vst v63  }
0x26: {  	s22 =	stileid.u32;
	_ =	swait.ge [sflag:s23], $0x2800  }
0x27: {  	s8 =	sshll.u32 s22, $0x6;
	[sflag:s23] =	ssyncset.done $0x0  }
0x28: {  	s8 =	sor.u32 $0x1C02, s8;
	s12 =	rddreg [dreg:$0x9];
	[sflag:s23] =	ssyncadd.s32 $0xFFFFD800  }
0x29: {  	[spmem:s25], [sflag:s8] =	dma.local [hbm:s12], $0x1400  }
0x2a: {  	_ =	swait.ge [sflag:s23], $0x1400  }
0x2b: {  	[sflag:s23] =	ssyncset.done $0x0  }
0x2c: {  	s14 =	simm.s32 $0x100;
	s12 =	simm.s32 $0x0;
	[sflag:s23] =	ssyncadd.s32 $0xFFFFEC00  }
.LBB2_2:
0x2d: {  	p0 =	sne.s32 s14, $0x7F00;
	[tilespmem:s12+$0x8C40] =	vst v0;
	s15 =	smov.u32 s14;
	s14 =	sadd.s32 $0x100, s14  }
.Ltmp0:
0x2e: {  	[tilespmem:s12+$0x8C30] =	vst v0;
	(pc) =	sbr.rel @p0 .LBB2_2-.Ltmp0, $3  }
0x2f: {  	[tilespmem:s12+$0x8C10] =	vst v0  }
0x30: {  	[tilespmem:s12+$0x8C20] =	vst v0;
	_ =	sdelay $0x1  }
0x31: {  	s12 =	sshra.s32 s15, $0x2  }
0x32: {  	[tilespmem:s12+$0x8C40] =	vst v0  }
0x33: {  	[tilespmem:s12+$0x8C30] =	vst v0  }
0x34: {  	[tilespmem:s12+$0x8C10] =	vst v0  }
0x35: {  	[tilespmem:s12+$0x8C20] =	vst v0  }
0x36: {  	[tilespmem:$0xAC90] =	vst v0  }
0x37: {  	[tilespmem:$0xACA0] =	vst v0  }
0x38: {  	[tilespmem:$0xACB0] =	vst v0  }
0x39: {  	[tilespmem:$0xACC0] =	vst v0  }
0x3a: {  	[tilespmem:$0xACD0] =	vst v0  }
0x3b: {  	[tilespmem:$0xACE0] =	vst v0  }
0x3c: {  	[tilespmem:$0xACF0] =	vst v0  }
0x3d: {  	[tilespmem:$0xAD00] =	vst v0  }
0x3e: {  	[tilespmem:$0xAD10] =	vst v0  }
0x3f: {  	[tilespmem:$0xAD20] =	vst v0  }
0x40: {  	[tilespmem:$0xAD30] =	vst v0  }
0x41: {  	[tilespmem:$0xAD40] =	vst v0  }
0x42: {  	[tilespmem:$0xAD50] =	vst v0  }
0x43: {  	[tilespmem:$0xAD60] =	vst v0  }
0x44: {  	[tilespmem:$0xAD70] =	vst v0  }
0x45: {  	[tilespmem:$0xAD80] =	vst v0  }
0x46: {  	[tilespmem:$0xAD90] =	vst v0  }
0x47: {  	[tilespmem:$0xADA0] =	vst v0  }
0x48: {  	[tilespmem:$0xADB0] =	vst v0  }
0x49: {  	[tilespmem:$0xADC0] =	vst v0  }
0x4a: {  	[tilespmem:$0xADD0] =	vst v0  }
0x4b: {  	[tilespmem:$0xADE0] =	vst v0  }
0x4c: {  	[tilespmem:$0xADF0] =	vst v0  }
0x4d: {  	[tilespmem:$0xAE00] =	vst v0  }
0x4e: {  	[tilespmem:$0xAE10] =	vst v0  }
0x4f: {  	[tilespmem:$0xAE20] =	vst v0  }
0x50: {  	[tilespmem:$0xAE30] =	vst v0  }
0x51: {  	[tilespmem:$0xAE40] =	vst v0  }
0x52: {  	[tilespmem:$0xAE50] =	vst v0  }
0x53: {  	[tilespmem:$0xAE60] =	vst v0  }
0x54: {  	[tilespmem:$0xAE70] =	vst v0  }
0x55: {  	[tilespmem:$0xAE80] =	vst v0  }
0x56: {  	[tilespmem:$0xAE90] =	vst v0  }
0x57: {  	[tilespmem:$0xAEA0] =	vst v0  }
0x58: {  	[tilespmem:$0xAEB0] =	vst v0  }
0x59: {  	[tilespmem:$0xAEC0] =	vst v0  }
0x5a: {  	[tilespmem:$0xAED0] =	vst v0  }
0x5b: {  	[tilespmem:$0xAEE0] =	vst v0  }
0x5c: {  	[tilespmem:$0xAEF0] =	vst v0  }
0x5d: {  	[tilespmem:$0xAF00] =	vst v0  }
0x5e: {  	[spmem:s13] =	stream.linear.scatter [tilespmem:s28], [sflag:$0x2], $0x2000, $0x38;
	[tilespmem:$0x1F190] =	vst v63  }
0x5f: {  	_ =	swait.ge [sflag:s23], $0x2000  }
0x60: {  	[sflag:s23] =	ssyncset.done $0x0  }
0x61: {  	s16 =	rddreg [dreg:$0xa];
	[sflag:s23] =	ssyncadd.s32 $0xFFFFE000  }
0x62: {  	[spmem:s16] =	stream.linear.scatter [tilespmem:s28], [sflag:$0x2], $0x2000, $0x38;
	[tilespmem:$0x1F190] =	vst v63  }
0x63: {  	_ =	swait.ge [sflag:s23], $0x2000  }
0x64: {  	[sflag:s23] =	ssyncset.done $0x0  }
0x65: {  	s17 =	rddreg [dreg:$0xb];
	[sflag:s23] =	ssyncadd.s32 $0xFFFFE000  }
0x66: {  	[spmem:s17] =	stream.linear.scatter [tilespmem:s28], [sflag:$0x2], $0x2000, $0x38;
	[tilespmem:$0x1F190] =	vst v63  }
0x67: {  	_ =	swait.ge [sflag:s23], $0x2000  }
0x68: {  	[sflag:s23] =	ssyncset.done $0x0  }
0x69: {  	s20 =	rddreg [dreg:$0xc];
	[sflag:s23] =	ssyncadd.s32 $0xFFFFE000  }
0x6a: {  	[spmem:s20] =	stream.linear.scatter [tilespmem:s28], [sflag:$0x2], $0x2000, $0x38;
	[tilespmem:$0x1F190] =	vst v63  }
0x6b: {  	_ =	swait.ge [sflag:s23], $0x2000  }
0x6c: {  	[sflag:s23] =	ssyncset.done $0x0  }
0x6d: {  	s21 =	rddreg [dreg:$0xd];
	[sflag:s23] =	ssyncadd.s32 $0xFFFFE000  }
0x6e: {  	[spmem:s21] =	stream.linear.scatter [tilespmem:s28], [sflag:$0x2], $0x2000, $0x38;
	[tilespmem:$0x1F190] =	vst v63  }
0x6f: {  	_ =	swait.ge [sflag:s23], $0x2000  }
0x70: {  	[sflag:s23] =	ssyncset.done $0x0  }
0x71: {  	s22 =	simm.s32 $0xAC90;
	[sflag:s23] =	ssyncadd.s32 $0xFFFFE000  }
0x72: {  	[spmem:s18] =	stream.linear.scatter [tilespmem:s22], [sflag:$0x2], $0x280, $0x38;
	[tilespmem:$0x1F190] =	vst v63  }
0x73: {  	_ =	swait.ge [sflag:s23], $0x280  }
0x74: {  	[sflag:s23] =	ssyncset.done $0x0  }
0x75: {  	[sflag:s23] =	ssyncadd.s32 $0xFFFFFD80  }
0x76: {  	[bflag:$0x0] =	sbarrier.arrive $0xFFFF  }
0x77: {  	s12 =	simm.s32 $0x0;
	p1 =	por $0x1, $0x1;
	s14 =	simm.s32 $0x0;
	v1 =	vld [tilespmem:$0x0]  }
.LBB2_4:
0x78: {  	s14 =	sadd.s32 s19, s14  }
0x79: {  	s15 =	sshrl.u32 s14, $0x3  }
0x7a: {  	s16 =	sadd.s32 s9, s15  }
0x7b: {  	[tilespmem:s30], [sflag:$0x2] =	stream.linear.gather [hbm4b:s16+s12], $0x1400, $0x38;
	[tilespmem:$0x1F190] =	vst v63  }
0x7c: {  	_ =	swait.ge [sflag:s23], $0x1400  }
0x7d: {  	[sflag:s23] =	ssyncset.done $0x0  }
0x7e: {  	s22 =	sadd.s32 s10, s15;
	[sflag:s23] =	ssyncadd.s32 $0xFFFFEC00  }
0x7f: {  	[tilespmem:s31], [sflag:$0x2] =	stream.linear.gather [hbm4b:s22+s12], $0x1400, $0x38;
	[tilespmem:$0x1F190] =	vst v63  }
0x80: {  	_ =	swait.ge [sflag:s23], $0x1400  }
0x81: {  	[sflag:s23] =	ssyncset.done $0x0  }
0x82: {  	s15 =	sadd.s32 s11, s15;
	[sflag:s23] =	ssyncadd.s32 $0xFFFFEC00  }
0x83: {  	[tilespmem:s0], [sflag:$0x2] =	stream.linear.gather [hbm4b:s15+s12], $0x1400, $0x38;
	[tilespmem:$0x1F190] =	vst v63  }
0x84: {  	_ =	swait.ge [sflag:s23], $0x1400  }
0x85: {  	[sflag:s23] =	ssyncset.done $0x0  }
0x86: {  	p0 =	por p1, p1;
	s15 =	simm.s32 $0x0;
	[sflag:s23] =	ssyncadd.s32 $0xFFFFEC00  }
.LBB2_5:
0x87: {  	s16 =	sshll.u32 s15, $0x7  }
0x88: {  	s17 =	sadd.s32 $0x5010, s16  }
0x89: {  	[tilespmem:s28], [sflag:$0x1] =	stream.indirect.gather [spmem:s1], $0x40, s17, s29, $0xb8;
	[tilespmem:$0x1F190] =	vst v63  }
0x8a: {  	_ =	swait.ge [sflag:s2], $0x2000  }
0x8b: {  	[sflag:s2] =	ssyncset.done $0x0  }
0x8c: {  	[sflag:s2] =	ssyncadd.s32 $0xFFFFE000  }
0x8d: {  	v2 =	vld [tilespmem:s16+$0x5010]  }
0x8e: {  	v3 =	vld [tilespmem:s16+$0x6410];
	_ =	sdelay $0x5  }
0x8f: {  	v4 =	vld [tilespmem:s16+$0x7810]  }
0x90: {  	v2 =	vld.idx.msk [tilespmem:v2+s24+$0x0], $0xffff  }
0x91: {  	v3 =	vld.idx.msk [tilespmem:v3+s26+$0x0], $0xffff;
	_ =	sdelay $0x4  }
0x92: {  	v2 =	vadd.f32 v3, v2;
	v3 =	vmul.f32 v4, v1;
	_ =	sdelay $0x1  }
0x93: {  	v2 =	vadd.f32 v2, v3;
	_ =	sdelay $0x1  }
0x94: {  	v3 =	vmul.f32 $2.000000030e-01, v2;
	_ =	sdelay $0x1  }
0x95: {  	v2 =	vmax.f32 v2, v3  }
0x96: {  	v2 =	vmul.f32 $1.442695020e+00, v2;
	_ =	sdelay $0x1  }
0x97: {  	(erf) = vpow2.f32 v2;
	_ =	sdelay $0x7  }
0x98: {  	s17 =	sadd.s32 s14, s16  }
0x99: {  	p1 =	slt.u32 s17, $0x4E200;
	v2 =	vpop (erf)  }
0x9a: {  	v2 =	vpsel !p1, $0x0, v2  }
0x9b: {  	[tilespmem:$0xAC10] =	vst v2  }
0x9c: {  	v2 =	vld [tilespmem:s16+$0x5020]  }
0x9d: {  	v3 =	vld [tilespmem:s16+$0x6420];
	_ =	sdelay $0x5  }
0x9e: {  	v4 =	vld [tilespmem:s16+$0x7820]  }
0x9f: {  	v2 =	vld.idx.msk [tilespmem:v2+s24+$0x0], $0xffff  }
0xa0: {  	v3 =	vld.idx.msk [tilespmem:v3+s26+$0x0], $0xffff;
	_ =	sdelay $0x4  }
0xa1: {  	v2 =	vadd.f32 v3, v2;
	v3 =	vmul.f32 v4, v1;
	_ =	sdelay $0x1  }
0xa2: {  	v2 =	vadd.f32 v2, v3;
	_ =	sdelay $0x1  }
0xa3: {  	v3 =	vmul.f32 $2.000000030e-01, v2;
	_ =	sdelay $0x1  }
0xa4: {  	v2 =	vmax.f32 v2, v3  }
0xa5: {  	v2 =	vmul.f32 $1.442695020e+00, v2;
	_ =	sdelay $0x1  }
0xa6: {  	(erf) = vpow2.f32 v2;
	_ =	sdelay $0x7  }
0xa7: {  	s20 =	sor.u32 $0x10, s17  }
0xa8: {  	p5 =	slt.u32 s20, $0x4E200;
	v2 =	vpop (erf)  }
0xa9: {  	v2 =	vpsel !p5, $0x0, v2  }
0xaa: {  	[tilespmem:$0xAC20] =	vst v2  }
0xab: {  	v2 =	vld [tilespmem:s16+$0x5030]  }
0xac: {  	v3 =	vld [tilespmem:s16+$0x6430];
	_ =	sdelay $0x5  }
0xad: {  	v4 =	vld [tilespmem:s16+$0x7830]  }
0xae: {  	v2 =	vld.idx.msk [tilespmem:v2+s24+$0x0], $0xffff  }
0xaf: {  	v3 =	vld.idx.msk [tilespmem:v3+s26+$0x0], $0xffff;
	_ =	sdelay $0x4  }
0xb0: {  	v2 =	vadd.f32 v3, v2;
	v3 =	vmul.f32 v4, v1;
	_ =	sdelay $0x1  }
0xb1: {  	v2 =	vadd.f32 v2, v3;
	_ =	sdelay $0x1  }
0xb2: {  	v3 =	vmul.f32 $2.000000030e-01, v2;
	_ =	sdelay $0x1  }
0xb3: {  	v2 =	vmax.f32 v2, v3  }
0xb4: {  	v2 =	vmul.f32 $1.442695020e+00, v2;
	_ =	sdelay $0x1  }
0xb5: {  	(erf) = vpow2.f32 v2;
	_ =	sdelay $0x7  }
0xb6: {  	s21 =	sor.u32 $0x20, s17  }
0xb7: {  	p6 =	slt.u32 s21, $0x4E200;
	v2 =	vpop (erf)  }
0xb8: {  	v2 =	vpsel !p6, $0x0, v2  }
0xb9: {  	[tilespmem:$0xAC30] =	vst v2  }
0xba: {  	v2 =	vld [tilespmem:s16+$0x5040]  }
0xbb: {  	v3 =	vld [tilespmem:s16+$0x6440];
	_ =	sdelay $0x5  }
0xbc: {  	v4 =	vld [tilespmem:s16+$0x7840]  }
0xbd: {  	v2 =	vld.idx.msk [tilespmem:v2+s24+$0x0], $0xffff  }
0xbe: {  	v3 =	vld.idx.msk [tilespmem:v3+s26+$0x0], $0xffff;
	_ =	sdelay $0x4  }
0xbf: {  	v2 =	vadd.f32 v3, v2;
	v3 =	vmul.f32 v4, v1;
	_ =	sdelay $0x1  }
0xc0: {  	v2 =	vadd.f32 v2, v3;
	_ =	sdelay $0x1  }
0xc1: {  	v3 =	vmul.f32 $2.000000030e-01, v2;
	_ =	sdelay $0x1  }
0xc2: {  	v2 =	vmax.f32 v2, v3  }
0xc3: {  	v2 =	vmul.f32 $1.442695020e+00, v2;
	_ =	sdelay $0x1  }
0xc4: {  	(erf) = vpow2.f32 v2;
	_ =	sdelay $0x7  }
0xc5: {  	s22 =	sor.u32 $0x30, s17  }
0xc6: {  	p2 =	slt.u32 s22, $0x4E200;
	v2 =	vpop (erf)  }
0xc7: {  	v2 =	vpsel !p2, $0x0, v2  }
0xc8: {  	[tilespmem:$0xAC40] =	vst v2  }
0xc9: {  	v2 =	vld [tilespmem:s16+$0x5050]  }
0xca: {  	v3 =	vld [tilespmem:s16+$0x6450];
	_ =	sdelay $0x5  }
0xcb: {  	v4 =	vld [tilespmem:s16+$0x7850]  }
0xcc: {  	v2 =	vld.idx.msk [tilespmem:v2+s24+$0x0], $0xffff  }
0xcd: {  	v3 =	vld.idx.msk [tilespmem:v3+s26+$0x0], $0xffff;
	_ =	sdelay $0x4  }
0xce: {  	v2 =	vadd.f32 v3, v2;
	v3 =	vmul.f32 v4, v1;
	_ =	sdelay $0x1  }
0xcf: {  	v2 =	vadd.f32 v2, v3;
	_ =	sdelay $0x1  }
0xd0: {  	v3 =	vmul.f32 $2.000000030e-01, v2;
	_ =	sdelay $0x1  }
0xd1: {  	v2 =	vmax.f32 v2, v3  }
0xd2: {  	v2 =	vmul.f32 $1.442695020e+00, v2;
	_ =	sdelay $0x1  }
0xd3: {  	(erf) = vpow2.f32 v2;
	_ =	sdelay $0x7  }
0xd4: {  	s21 =	sor.u32 $0x40, s17  }
0xd5: {  	p3 =	slt.u32 s21, $0x4E200;
	v2 =	vpop (erf)  }
0xd6: {  	v2 =	vpsel !p3, $0x0, v2  }
0xd7: {  	[tilespmem:$0xAC50] =	vst v2  }
0xd8: {  	v2 =	vld [tilespmem:s16+$0x5060]  }
0xd9: {  	v3 =	vld [tilespmem:s16+$0x6460];
	_ =	sdelay $0x5  }
0xda: {  	v4 =	vld [tilespmem:s16+$0x7860]  }
0xdb: {  	v2 =	vld.idx.msk [tilespmem:v2+s24+$0x0], $0xffff  }
0xdc: {  	v3 =	vld.idx.msk [tilespmem:v3+s26+$0x0], $0xffff;
	_ =	sdelay $0x4  }
0xdd: {  	v2 =	vadd.f32 v3, v2;
	v3 =	vmul.f32 v4, v1;
	_ =	sdelay $0x1  }
0xde: {  	v2 =	vadd.f32 v2, v3;
	_ =	sdelay $0x1  }
0xdf: {  	v3 =	vmul.f32 $2.000000030e-01, v2;
	_ =	sdelay $0x1  }
0xe0: {  	v2 =	vmax.f32 v2, v3  }
0xe1: {  	v2 =	vmul.f32 $1.442695020e+00, v2;
	_ =	sdelay $0x1  }
0xe2: {  	(erf) = vpow2.f32 v2;
	_ =	sdelay $0x7  }
0xe3: {  	s22 =	sor.u32 $0x50, s17  }
0xe4: {  	p4 =	slt.u32 s22, $0x4E200;
	v2 =	vpop (erf)  }
0xe5: {  	v2 =	vpsel !p4, $0x0, v2  }
0xe6: {  	[tilespmem:$0xAC60] =	vst v2  }
0xe7: {  	v2 =	vld [tilespmem:s16+$0x5070]  }
0xe8: {  	v3 =	vld [tilespmem:s16+$0x6470];
	_ =	sdelay $0x5  }
0xe9: {  	v4 =	vld [tilespmem:s16+$0x7870]  }
0xea: {  	v2 =	vld.idx.msk [tilespmem:v2+s24+$0x0], $0xffff  }
0xeb: {  	v3 =	vld.idx.msk [tilespmem:v3+s26+$0x0], $0xffff;
	_ =	sdelay $0x4  }
0xec: {  	v2 =	vadd.f32 v3, v2;
	v3 =	vmul.f32 v4, v1;
	_ =	sdelay $0x1  }
0xed: {  	v2 =	vadd.f32 v2, v3;
	_ =	sdelay $0x1  }
0xee: {  	v3 =	vmul.f32 $2.000000030e-01, v2;
	_ =	sdelay $0x1  }
0xef: {  	v2 =	vmax.f32 v2, v3  }
0xf0: {  	v2 =	vmul.f32 $1.442695020e+00, v2;
	_ =	sdelay $0x1  }
0xf1: {  	(erf) = vpow2.f32 v2;
	_ =	sdelay $0x7  }
0xf2: {  	s21 =	sor.u32 $0x60, s17  }
0xf3: {  	p5 =	slt.u32 s21, $0x4E200;
	v2 =	vpop (erf)  }
0xf4: {  	v2 =	vpsel !p5, $0x0, v2  }
0xf5: {  	[tilespmem:$0xAC70] =	vst v2  }
0xf6: {  	v2 =	vld [tilespmem:s16+$0x5080]  }
0xf7: {  	v3 =	vld [tilespmem:s16+$0x6480];
	_ =	sdelay $0x5  }
0xf8: {  	v4 =	vld [tilespmem:s16+$0x7880]  }
0xf9: {  	v2 =	vld.idx.msk [tilespmem:v2+s24+$0x0], $0xffff  }
0xfa: {  	v3 =	vld.idx.msk [tilespmem:v3+s26+$0x0], $0xffff;
	_ =	sdelay $0x4  }
0xfb: {  	v2 =	vadd.f32 v3, v2;
	v3 =	vmul.f32 v4, v1;
	_ =	sdelay $0x1  }
0xfc: {  	v2 =	vadd.f32 v2, v3;
	_ =	sdelay $0x1  }
0xfd: {  	v3 =	vmul.f32 $2.000000030e-01, v2;
	_ =	sdelay $0x1  }
0xfe: {  	v2 =	vmax.f32 v2, v3  }
0xff: {  	v2 =	vmul.f32 $1.442695020e+00, v2;
	_ =	sdelay $0x1  }
0x100: {  	(erf) = vpow2.f32 v2;
	_ =	sdelay $0x7  }
0x101: {  	s17 =	sor.u32 $0x70, s17;
	s22 =	simm.s32 $0x0  }
0x102: {  	p6 =	slt.u32 s17, $0x4E200;
	v3 =	vmov s22;
	v2 =	vpop (erf)  }
0x103: {  	v2 =	vpsel !p6, $0x0, v2  }
0x104: {  	s17 =	simm.s32 $0x8C30;
	[tilespmem:$0xAC80] =	vst v2  }
0x105: {  	v4 =	vld [tilespmem:s17+$0xFFFFFFF0]  }
0x106: {  	v2 =	vld [tilespmem:s17+$0x10]  }
0x107: {  	v7 =	vld.idx.msk [tilespmem:v3+s6+$0x0], $0xffff  }
0x108: {  	v3 =	vld [tilespmem:s17+$0xFFFFFFE0]  }
0x109: {  	v8 =	vld [tilespmem:s17+$0x0];
	_ =	sdelay $0x3  }
0x10a: {  	s21 =	simm.s32 $0x1;
	v3 =	vmul.f32 v3, v7;
	v6 =	vmul.f32 v2, v7  }
0x10b: {  	s20 =	simm.s32 $0x2;
	s16 =	sadd.s32 $0x6410, s16;
	v2 =	vmov s21;
	v5 =	vmul.f32 v4, v7;
	v4 =	vmul.f32 v8, v7;
	s21 =	simm.s32 $0x8C30  }
.LBB2_6:
0x10c: {  	p1 =	sne.s32 s20, $0x7F  }
0x10d: {  	[tilespmem:s17+$0x10] =	vst v6;
	s21 =	sadd.s32 $0x40, s21;
	s22 =	smov.u32 s20;
	s20 =	sadd.s32 $0x1, s20  }
0x10e: {  	[tilespmem:s17+$0xFFFFFFE0] =	vst v3  }
0x10f: {  	v7 =	vld [tilespmem:s21+$0xFFFFFFF0];
	[tilespmem:s17+$0xFFFFFFF0] =	vst v5  }
0x110: {  	v5 =	vld [tilespmem:s21+$0x10];
	[tilespmem:s17+$0x0] =	vst v4;
	s17 =	smov.u32 s21  }
0x111: {  	v4 =	vld.idx.msk [tilespmem:v2+s6+$0x0], $0xffff  }
0x112: {  	v2 =	vld [tilespmem:s21+$0xFFFFFFE0]  }
0x113: {  	v8 =	vld [tilespmem:s21+$0x0]  }
.Ltmp1:
0x114: {  	(pc) =	sbr.rel @p1 .LBB2_6-.Ltmp1, $3  }
0x115: {  	_ =	sdelay $0x1  }
0x116: {  	v6 =	vmul.f32 v5, v4;
	v3 =	vmul.f32 v2, v4  }
0x117: {  	v5 =	vmul.f32 v7, v4;
	v2 =	vmov s22;
	v4 =	vmul.f32 v8, v4  }
0x118: {  	[tilespmem:s17+$0x10] =	vst v6  }
0x119: {  	s20 =	sadd.s32 $0x40, s21;
	[tilespmem:s17+$0xFFFFFFE0] =	vst v3  }
0x11a: {  	v3 =	vld [tilespmem:s20+$0xFFFFFFF0];
	[tilespmem:s17+$0xFFFFFFF0] =	vst v5  }
0x11b: {  	v5 =	vld [tilespmem:s20+$0x10];
	[tilespmem:s17+$0x0] =	vst v4  }
0x11c: {  	v2 =	vld.idx.msk [tilespmem:v2+s6+$0x0], $0xffff  }
0x11d: {  	v4 =	vld [tilespmem:s20+$0xFFFFFFE0];
	_ =	sdelay $0x1  }
0x11e: {  	v6 =	vld [tilespmem:s20+$0x0];
	_ =	sdelay $0x1  }
0x11f: {  	v5 =	vmul.f32 v5, v2  }
0x120: {  	v4 =	vmul.f32 v4, v2  }
0x121: {  	v3 =	vmul.f32 v3, v2;
	[tilespmem:s20+$0x10] =	vst v5  }
0x122: {  	v2 =	vmul.f32 v6, v2;
	[tilespmem:s20+$0xFFFFFFE0] =	vst v4  }
0x123: {  	[tilespmem:s20+$0xFFFFFFF0] =	vst v3  }
0x124: {  	[tilespmem:s20+$0x0] =	vst v2  }
0x125: {  	[spmem:s3] =	stream.indirect.scatter.add.f32 [tilespmem:s28], [sflag:$0x2], $0x40, s16, s29, $0xb8;
	[tilespmem:$0x1F190] =	vst v63  }
0x126: {  	s15 =	sadd.s32 $0x1, s15;
	_ =	swait.ge [sflag:s23], $0x2000  }
0x127: {  	p1 =	sne.s32 s15, $0x28;
	[sflag:s23] =	ssyncset.done $0x0  }
.Ltmp2:
0x128: {  	[sflag:s23] =	ssyncadd.s32 $0xFFFFE000;
	(pc) =	sbr.rel @p1 .LBB2_5-.Ltmp2, $4  }
0x129: {  	[spmem:s4] =	stream.indirect.scatter.add.f32 [tilespmem:s6], [sflag:$0x2], $0x1, s16, s29, $0xb8;
	[tilespmem:$0x1F190] =	vst v63  }
0x12a: {  	_ =	swait.ge [sflag:s23], $0x80  }
0x12b: {  	[sflag:s23] =	ssyncset.done $0x0  }
0x12c: {  	[sflag:s23] =	ssyncadd.s32 $0xFFFFFF80  }
.Ltmp3:
0x12d: {  	(pc) =	sbr.rel @p0 .LBB2_4-.Ltmp3, $2  }
0x12e: {  	_ =	sdelay $0x2  }
0x12f: {  	s14 =	simm.s32 $0x1400;
	p1 =	por $0x0, $0x0  }
0x130: {  	[bflag:$0x0] =	sbarrier.arrive $0xFFFF  }
0x131: {  	s12 =	sshrl.u32 s13, $0x3;
	s14 =	rddreg [dreg:$0xe]  }
0x132: {  	[hbm:s14], [sflag:s8] =	dma.local [spmem:s12], $0x1400  }
0x133: {  	_ =	swait.ge [sflag:s23], $0x1400  }
0x134: {  	[sflag:s23] =	ssyncset.done $0x0  }
0x135: {  	s20 =	sshrl.u32 s18, $0x3;
	s21 =	rddreg [dreg:$0xf];
	[sflag:s23] =	ssyncadd.s32 $0xFFFFEC00  }
0x136: {  	[hbm:s21], [sflag:s8] =	dma.local [spmem:s20], $0x50  }
0x137: {  	_ =	swait.ge [sflag:s23], $0x50  }
0x138: {  	s7 =	sadd.s32 $0x1, s7;
	s22 =	rddreg [dreg:$0x10]  }
0x139: {  	p0 =	sne.s32 s7, s22  }
.Ltmp4:
0x13a: {  	_ = 	snop;
	(pc) =	sbr.rel @p0 .LBB2_1-.Ltmp4, $3  }
0x13b: {  	_ =	sdelay $0x1  }
0x13c: {  	[sflag:s23] =	ssyncset.done $0x0  }
0x13d: {  	[sflag:s23] =	ssyncadd.s32 $0xFFFFFFB0  }
0x13e: {  	_ =	sfence.sel $0x180000  }
0x13f: {  	[bflag:$0x0] =	sbarrier.arrive $0xFFFF  }
0x140: {  	_ =	strace $0x90000047  }
0x141: {  	s0 =	stileid.u32;
	[bflag:$0x2] =	sbarrier.arrive $0xFFFF  }
0x142: {  	p0 =	sne.s32 s0, $0x0;
	s0 =	rddreg [dreg:$0x5]  }
0x143: {  	s0 =	sadd.s32 @!p0 $0x100000, s0  }
0x144: {  	[sflag:s0] =	ssyncadd.tile.s32 @!p0 $0x1;
	_ =	shalt  }
.Lfunc_end2:
_tile_overlayer_lowered:
.L_overlay_start_2:
0x145: {  	(tag) =	ssettag $0x2  }
0x146: {  	s0 =	rddreg [dreg:$0x0];
	s2 =	stileid.u32  }
0x147: {  	s1 =	rddreg [dreg:$0x1];
	p0 =	sne.s32 s2, $0x0  }
0x148: {  	s3 =	rddreg [dreg:$0x2];
	[bflag:$0x3] =	sbarrier.arrive $0xFFFF;
	s2 =	simm.s32 @!p0 $0x1C02  }
0x149: {  	[timem:s3], [sflag:s2] =	dma.local @!p0 [hbm:s0], s1  }
0x14a: {  	s0 =	simm.s32 @!p0 $0x2  }
0x14b: {  	_ =	swait.ge @!p0 [sflag:s0], s1  }
0x14c: {  	s1 =	ssub.s32 @!p0 $0x0, s1;
	[sflag:s0] =	ssyncset.done @!p0 $0x0  }
0x14d: {  	[sflag:s0] =	ssyncadd.s32 @!p0 s1  }
0x14e: {  	[bflag:$0x3] =	sbarrier.arrive $0xFFFF  }
0x14f: {  	_ =	shalt  }

</sc_bundles>
